<compile_context>
chip_gen: v7x
topology: tpu7x:2x2x1
jax: 0.10.2.dev20260603
libtpu: 0.0.44.dev20260713+nightly
codegen_flags: <defaults>
</compile_context>

<pallas_src>
import functools
import math

import jax
import jax.numpy as jnp
from jax import lax
from jax.experimental import pallas as pl
from jax.experimental.pallas import tpu as pltpu
from jax.experimental.pallas import tpu_sc as plsc

D_MODEL = 64
PADW = 128
SCALE = math.sqrt(D_MODEL)

NUM_CORES = 2
NUM_SUBCORES = 16
NW = NUM_CORES * NUM_SUBCORES

SEQ = 200
SEQP = 256
GRPB = 64
RUNROLL = 8
OFFS = tuple(range(0, SEQ - 16, 16)) + (SEQ - 16,)


def _build_gather(BATCH: int):
    assert BATCH % (NW * GRPB) == 0
    bpw = BATCH // NW

    mesh = plsc.VectorSubcoreMesh(core_axis_name="c", subcore_axis_name="s")

    @functools.partial(
        pl.kernel,
        mesh=mesh,
        out_type=jax.ShapeDtypeStruct((BATCH * SEQ, D_MODEL), jnp.float32),
        scratch_types=[
            pltpu.VMEM((GRPB, SEQP), jnp.int32),
            pltpu.VMEM((208, PADW), jnp.float32),
            pltpu.VMEM((208, PADW), jnp.float32),
            pltpu.VMEM((SEQ, D_MODEL), jnp.float32),
            pltpu.VMEM((SEQ, D_MODEL), jnp.float32),
            pltpu.SemaphoreType.DMA,
            pltpu.SemaphoreType.DMA,
            pltpu.SemaphoreType.DMA,
            pltpu.SemaphoreType.DMA,
        ],
    )
    def gather_kernel(idx_hbm, table_hbm, out_hbm, idx_v, wide0, wide1,
                      nar0, nar1, gsem0, gsem1, osem0, osem1):
        cid = lax.axis_index("c")
        sid = lax.axis_index("s")
        wid = sid * NUM_CORES + cid
        wide = (wide0, wide1)
        nar = (nar0, nar1)
        gsem = (gsem0, gsem1)
        osem = (osem0, osem1)

        def load_group(g):
            pltpu.sync_copy(idx_hbm.at[pl.ds(wid * bpw + g * GRPB, GRPB)],
                            idx_v)

        def fire(ci, p):
            r = ci % GRPB
            for off in OFFS:
                ivec = idx_v[r, pl.ds(off, 16)]
                pltpu.async_copy(
                    table_hbm.at[ivec],
                    wide[p].at[pl.ds(off, 16)],
                    gsem[p],
                )

        def drain_gathers(p):
            pltpu.make_async_copy(
                table_hbm.at[pl.ds(0, 208)], wide[p], gsem[p]
            ).wait()

        def put_out(ci, p):
            pltpu.async_copy(
                nar[p],
                out_hbm.at[pl.ds((wid * bpw + ci) * SEQ, SEQ)],
                osem[p],
            )

        def drain_out(p):
            pltpu.make_async_copy(
                nar[p], out_hbm.at[pl.ds(0, SEQ)], osem[p]
            ).wait()

        def scale(p):
            src, dst = wide[p], nar[p]

            def srows(r, carry):
                base = r * RUNROLL
                for k in range(RUNROLL):
                    for l in range(D_MODEL // 16):
                        dst[base + k, pl.ds(l * 16, 16)] = (
                            src[base + k, pl.ds(l * 16, 16)] * SCALE
                        )
                return carry

            lax.fori_loop(0, SEQ // RUNROLL, srows, 0, unroll=False)

        load_group(0)
        fire(0, 0)

        def pair_body(i, carry):
            for p in (0, 1):
                ci = 2 * i + p
                nci = ci + 1

                @pl.when(jnp.logical_and(nci < bpw, nci % GRPB != 0))
                def _():
                    fire(nci, 1 - p)

                drain_gathers(p)

                @pl.when(jnp.logical_and(nci < bpw, nci % GRPB == 0))
                def _():
                    load_group(nci // GRPB)
                    fire(nci, 1 - p)

                @pl.when(ci >= 2)
                def _():
                    drain_out(p)

                scale(p)
                put_out(ci, p)
            return carry

        lax.fori_loop(0, bpw // 2, pair_body, 0, unroll=False)
        drain_out(0)
        drain_out(1)

    return gather_kernel


def kernel(x, table):
    BATCH = x.shape[0]
    xp = jnp.pad(x, ((0, 0), (0, SEQP - SEQ)))
    table_pad = jnp.pad(table, ((0, 0), (0, PADW - D_MODEL)))
    out2d = _build_gather(BATCH)(xp, table_pad)
    return out2d.reshape(BATCH, SEQ, D_MODEL)

# --- scband reference (transcript-rebuilt; emitter-appended) ---
"""Pipeline reference for scband-embeddings-84078279786573 (READ-ONLY COPY).

The authoritative reference and input builder live on the scoring server;
editing this copy changes nothing except your own understanding.
"""

import jax, jax.numpy as jnp
import numpy as np
import math

D_MODEL = 64
VOCAB = 1000000

def setup_inputs(seed: int = 0) -> dict:
    key = jax.random.key(seed)
    k1, k2 = jax.random.split(key)
    x = jax.random.randint(k1, (4096, 200), 0, VOCAB, dtype=jnp.int64 if jax.config.jax_enable_x64 else jnp.int32).astype(jnp.int32)
    table = jax.random.normal(k2, (VOCAB, D_MODEL), dtype=jnp.float32)
    return {"x": x, "table": table}

def reference(x, table):
    # Embeddings.forward: embedding(x) * sqrt(d_model)
    emb = jnp.take(table, x, axis=0)
    return emb * math.sqrt(D_MODEL)

if __name__ == "__main__":
    import jax
    _d = setup_inputs()
    print(jax.jit(kernel)(*tuple(_d.values())))

</pallas_src>

<mosaic_0001>
#map = affine_map<(d0, d1) -> (0, 0)>
module attributes {stable_mosaic.version = 14 : i64} {
  func.func @gather_kernel(%arg0: i32, %arg1: i32, %arg2: memref<4096x256xi32, #tpu.memory_space<hbm>>, %arg3: memref<1000000x128xf32, #tpu.memory_space<hbm>>, %arg4: memref<819200x64xf32, #tpu.memory_space<hbm>>, %arg5: memref<64x256xi32, #tpu.memory_space<vmem>>, %arg6: memref<208x128xf32, #tpu.memory_space<vmem>>, %arg7: memref<208x128xf32, #tpu.memory_space<vmem>>, %arg8: memref<200x64xf32, #tpu.memory_space<vmem>>, %arg9: memref<200x64xf32, #tpu.memory_space<vmem>>, %arg10: memref<!tpu.dma_semaphore, #tpu.memory_space<semaphore_mem>>, %arg11: memref<!tpu.dma_semaphore, #tpu.memory_space<semaphore_mem>>, %arg12: memref<!tpu.dma_semaphore, #tpu.memory_space<semaphore_mem>>, %arg13: memref<!tpu.dma_semaphore, #tpu.memory_space<semaphore_mem>>) attributes {dimension_semantics = [#tpu.dimension_semantics<core_parallel>, #tpu.dimension_semantics<subcore_parallel>], iteration_bounds = array<i64: 2, 16>, scalar_prefetch = 0 : i64, scratch_operands = 9 : i64, tpu.core_type = #tpu.core_type<sc_vector_subcore>, window_params = [{transform_indices = #map}, {transform_indices = #map}, {transform_indices = #map}]} {
    %mul3A = arith.constant 2 : i32
    %mul3A_0 = arith.muli %arg1, %mul3A : i32
    %add3A = arith.addi %mul3A_0, %arg0 : i32
    %mul3A_1 = arith.constant 128 : i32
    %mul3A_2 = arith.muli %add3A, %mul3A_1 : i32
    %add3A_3 = arith.constant 0 : i32
    %add3A_4 = arith.addi %mul3A_2, %add3A_3 : i32
    "tpu.region"() ({
      %run_scoped3A = tpu.sem_alloc : memref<!tpu.dma_semaphore, #tpu.memory_space<semaphore_mem>>
      %dma_start3A_162 = arith.constant 0 : i32
      %dma_start3A_163 = tpu.memref_slice %arg2[%add3A_4, %dma_start3A_162] : memref<4096x256xi32, #tpu.memory_space<hbm>> -> memref<64x256xi32, #tpu.memory_space<hbm>>
      %dma_start3A_164 = arith.constant 0 : i32
      %dma_start3A_165 = tpu.memref_slice %arg2[%add3A_4, %dma_start3A_164] : memref<4096x256xi32, #tpu.memory_space<hbm>> -> memref<64x256xi32, #tpu.memory_space<hbm>>
      tpu.enqueue_dma source(%dma_start3A_165 : memref<64x256xi32, #tpu.memory_space<hbm>>) target(%arg5 : memref<64x256xi32, #tpu.memory_space<vmem>>) target_semaphore(%run_scoped3A : memref<!tpu.dma_semaphore, #tpu.memory_space<semaphore_mem>>)
      %dma_wait3A_166 = arith.constant 0 : i32
      %dma_wait3A_167 = tpu.memref_slice %arg2[%add3A_4, %dma_wait3A_166] : memref<4096x256xi32, #tpu.memory_space<hbm>> -> memref<64x256xi32, #tpu.memory_space<hbm>>
      %dma_wait3A_168 = arith.constant 0 : i32
      %dma_wait3A_169 = tpu.memref_slice %arg2[%add3A_4, %dma_wait3A_168] : memref<4096x256xi32, #tpu.memory_space<hbm>> -> memref<64x256xi32, #tpu.memory_space<hbm>>
      tpu.wait_dma2 semaphore(%run_scoped3A : memref<!tpu.dma_semaphore, #tpu.memory_space<semaphore_mem>>) src(%dma_wait3A_169 : memref<64x256xi32, #tpu.memory_space<hbm>>) dst(%arg5 : memref<64x256xi32, #tpu.memory_space<vmem>>)
      tpu.yield
    }) : () -> ()
    %get3A = arith.constant 0 : i32
    %get3A_5 = arith.index_cast %get3A : i32 to index
    %get3A_6 = arith.constant 0 : index
    %get3A_7 = tpu.vector_load %arg5[%get3A_5, %get3A_6] {strides = array<i32>} : memref<64x256xi32, #tpu.memory_space<vmem>>, vector<1x16xi32>,
    %get3A_8 = vector.shape_cast %get3A_7 : vector<1x16xi32> to vector<16xi32>
    %dma_start3A = arith.constant 0 : i32
    %dma_start3A_9 = arith.constant 0 : i32
    %dma_start3A_10 = tpu.memref_slice %arg6[%dma_start3A, %dma_start3A_9] : memref<208x128xf32, #tpu.memory_space<vmem>> -> memref<16x128xf32, #tpu.memory_space<vmem>>
    %dma_start3A_11 = arith.constant 0 : i32
    %dma_start3A_12 = arith.constant 0 : i32
    %dma_start3A_13 = tpu.memref_slice %arg3[%dma_start3A_11, %dma_start3A_12] : memref<1000000x128xf32, #tpu.memory_space<hbm>> -> memref<1000000x128xf32, #tpu.memory_space<hbm>>
    tpu.enqueue_indirect_dma source(%dma_start3A_13 : memref<1000000x128xf32, #tpu.memory_space<hbm>>) target(%dma_start3A_10 : memref<16x128xf32, #tpu.memory_space<vmem>>) offsets(%get3A_8 : vector<16xi32>) semaphore(%arg10 : memref<!tpu.dma_semaphore, #tpu.memory_space<semaphore_mem>>)
    %get3A_14 = arith.constant 0 : i32
    %get3A_15 = arith.index_cast %get3A_14 : i32 to index
    %get3A_16 = arith.constant 16 : index
    %get3A_17 = tpu.vector_load %arg5[%get3A_15, %get3A_16] {strides = array<i32>} : memref<64x256xi32, #tpu.memory_space<vmem>>, vector<1x16xi32>,
    %get3A_18 = vector.shape_cast %get3A_17 : vector<1x16xi32> to vector<16xi32>
    %dma_start3A_19 = arith.constant 16 : i32
    %dma_start3A_20 = arith.constant 0 : i32
    %dma_start3A_21 = tpu.memref_slice %arg6[%dma_start3A_19, %dma_start3A_20] : memref<208x128xf32, #tpu.memory_space<vmem>> -> memref<16x128xf32, #tpu.memory_space<vmem>>
    %dma_start3A_22 = arith.constant 0 : i32
    %dma_start3A_23 = arith.constant 0 : i32
    %dma_start3A_24 = tpu.memref_slice %arg3[%dma_start3A_22, %dma_start3A_23] : memref<1000000x128xf32, #tpu.memory_space<hbm>> -> memref<1000000x128xf32, #tpu.memory_space<hbm>>
    tpu.enqueue_indirect_dma source(%dma_start3A_24 : memref<1000000x128xf32, #tpu.memory_space<hbm>>) target(%dma_start3A_21 : memref<16x128xf32, #tpu.memory_space<vmem>>) offsets(%get3A_18 : vector<16xi32>) semaphore(%arg10 : memref<!tpu.dma_semaphore, #tpu.memory_space<semaphore_mem>>)
    %get3A_25 = arith.constant 0 : i32
    %get3A_26 = arith.index_cast %get3A_25 : i32 to index
    %get3A_27 = arith.constant 32 : index
    %get3A_28 = tpu.vector_load %arg5[%get3A_26, %get3A_27] {strides = array<i32>} : memref<64x256xi32, #tpu.memory_space<vmem>>, vector<1x16xi32>,
    %get3A_29 = vector.shape_cast %get3A_28 : vector<1x16xi32> to vector<16xi32>
    %dma_start3A_30 = arith.constant 32 : i32
    %dma_start3A_31 = arith.constant 0 : i32
    %dma_start3A_32 = tpu.memref_slice %arg6[%dma_start3A_30, %dma_start3A_31] : memref<208x128xf32, #tpu.memory_space<vmem>> -> memref<16x128xf32, #tpu.memory_space<vmem>>
    %dma_start3A_33 = arith.constant 0 : i32
    %dma_start3A_34 = arith.constant 0 : i32
    %dma_start3A_35 = tpu.memref_slice %arg3[%dma_start3A_33, %dma_start3A_34] : memref<1000000x128xf32, #tpu.memory_space<hbm>> -> memref<1000000x128xf32, #tpu.memory_space<hbm>>
    tpu.enqueue_indirect_dma source(%dma_start3A_35 : memref<1000000x128xf32, #tpu.memory_space<hbm>>) target(%dma_start3A_32 : memref<16x128xf32, #tpu.memory_space<vmem>>) offsets(%get3A_29 : vector<16xi32>) semaphore(%arg10 : memref<!tpu.dma_semaphore, #tpu.memory_space<semaphore_mem>>)
    %get3A_36 = arith.constant 0 : i32
    %get3A_37 = arith.index_cast %get3A_36 : i32 to index
    %get3A_38 = arith.constant 48 : index
    %get3A_39 = tpu.vector_load %arg5[%get3A_37, %get3A_38] {strides = array<i32>} : memref<64x256xi32, #tpu.memory_space<vmem>>, vector<1x16xi32>,
    %get3A_40 = vector.shape_cast %get3A_39 : vector<1x16xi32> to vector<16xi32>
    %dma_start3A_41 = arith.constant 48 : i32
    %dma_start3A_42 = arith.constant 0 : i32
    %dma_start3A_43 = tpu.memref_slice %arg6[%dma_start3A_41, %dma_start3A_42] : memref<208x128xf32, #tpu.memory_space<vmem>> -> memref<16x128xf32, #tpu.memory_space<vmem>>
    %dma_start3A_44 = arith.constant 0 : i32
    %dma_start3A_45 = arith.constant 0 : i32
    %dma_start3A_46 = tpu.memref_slice %arg3[%dma_start3A_44, %dma_start3A_45] : memref<1000000x128xf32, #tpu.memory_space<hbm>> -> memref<1000000x128xf32, #tpu.memory_space<hbm>>
    tpu.enqueue_indirect_dma source(%dma_start3A_46 : memref<1000000x128xf32, #tpu.memory_space<hbm>>) target(%dma_start3A_43 : memref<16x128xf32, #tpu.memory_space<vmem>>) offsets(%get3A_40 : vector<16xi32>) semaphore(%arg10 : memref<!tpu.dma_semaphore, #tpu.memory_space<semaphore_mem>>)
    %get3A_47 = arith.constant 0 : i32
    %get3A_48 = arith.index_cast %get3A_47 : i32 to index
    %get3A_49 = arith.constant 64 : index
    %get3A_50 = tpu.vector_load %arg5[%get3A_48, %get3A_49] {strides = array<i32>} : memref<64x256xi32, #tpu.memory_space<vmem>>, vector<1x16xi32>,
    %get3A_51 = vector.shape_cast %get3A_50 : vector<1x16xi32> to vector<16xi32>
    %dma_start3A_52 = arith.constant 64 : i32
    %dma_start3A_53 = arith.constant 0 : i32
    %dma_start3A_54 = tpu.memref_slice %arg6[%dma_start3A_52, %dma_start3A_53] : memref<208x128xf32, #tpu.memory_space<vmem>> -> memref<16x128xf32, #tpu.memory_space<vmem>>
    %dma_start3A_55 = arith.constant 0 : i32
    %dma_start3A_56 = arith.constant 0 : i32
    %dma_start3A_57 = tpu.memref_slice %arg3[%dma_start3A_55, %dma_start3A_56] : memref<1000000x128xf32, #tpu.memory_space<hbm>> -> memref<1000000x128xf32, #tpu.memory_space<hbm>>
    tpu.enqueue_indirect_dma source(%dma_start3A_57 : memref<1000000x128xf32, #tpu.memory_space<hbm>>) target(%dma_start3A_54 : memref<16x128xf32, #tpu.memory_space<vmem>>) offsets(%get3A_51 : vector<16xi32>) semaphore(%arg10 : memref<!tpu.dma_semaphore, #tpu.memory_space<semaphore_mem>>)
    %get3A_58 = arith.constant 0 : i32
    %get3A_59 = arith.index_cast %get3A_58 : i32 to index
    %get3A_60 = arith.constant 80 : index
    %get3A_61 = tpu.vector_load %arg5[%get3A_59, %get3A_60] {strides = array<i32>} : memref<64x256xi32, #tpu.memory_space<vmem>>, vector<1x16xi32>,
    %get3A_62 = vector.shape_cast %get3A_61 : vector<1x16xi32> to vector<16xi32>
    %dma_start3A_63 = arith.constant 80 : i32
    %dma_start3A_64 = arith.constant 0 : i32
    %dma_start3A_65 = tpu.memref_slice %arg6[%dma_start3A_63, %dma_start3A_64] : memref<208x128xf32, #tpu.memory_space<vmem>> -> memref<16x128xf32, #tpu.memory_space<vmem>>
    %dma_start3A_66 = arith.constant 0 : i32
    %dma_start3A_67 = arith.constant 0 : i32
    %dma_start3A_68 = tpu.memref_slice %arg3[%dma_start3A_66, %dma_start3A_67] : memref<1000000x128xf32, #tpu.memory_space<hbm>> -> memref<1000000x128xf32, #tpu.memory_space<hbm>>
    tpu.enqueue_indirect_dma source(%dma_start3A_68 : memref<1000000x128xf32, #tpu.memory_space<hbm>>) target(%dma_start3A_65 : memref<16x128xf32, #tpu.memory_space<vmem>>) offsets(%get3A_62 : vector<16xi32>) semaphore(%arg10 : memref<!tpu.dma_semaphore, #tpu.memory_space<semaphore_mem>>)
    %get3A_69 = arith.constant 0 : i32
    %get3A_70 = arith.index_cast %get3A_69 : i32 to index
    %get3A_71 = arith.constant 96 : index
    %get3A_72 = tpu.vector_load %arg5[%get3A_70, %get3A_71] {strides = array<i32>} : memref<64x256xi32, #tpu.memory_space<vmem>>, vector<1x16xi32>,
    %get3A_73 = vector.shape_cast %get3A_72 : vector<1x16xi32> to vector<16xi32>
    %dma_start3A_74 = arith.constant 96 : i32
    %dma_start3A_75 = arith.constant 0 : i32
    %dma_start3A_76 = tpu.memref_slice %arg6[%dma_start3A_74, %dma_start3A_75] : memref<208x128xf32, #tpu.memory_space<vmem>> -> memref<16x128xf32, #tpu.memory_space<vmem>>
    %dma_start3A_77 = arith.constant 0 : i32
    %dma_start3A_78 = arith.constant 0 : i32
    %dma_start3A_79 = tpu.memref_slice %arg3[%dma_start3A_77, %dma_start3A_78] : memref<1000000x128xf32, #tpu.memory_space<hbm>> -> memref<1000000x128xf32, #tpu.memory_space<hbm>>
    tpu.enqueue_indirect_dma source(%dma_start3A_79 : memref<1000000x128xf32, #tpu.memory_space<hbm>>) target(%dma_start3A_76 : memref<16x128xf32, #tpu.memory_space<vmem>>) offsets(%get3A_73 : vector<16xi32>) semaphore(%arg10 : memref<!tpu.dma_semaphore, #tpu.memory_space<semaphore_mem>>)
    %get3A_80 = arith.constant 0 : i32
    %get3A_81 = arith.index_cast %get3A_80 : i32 to index
    %get3A_82 = arith.constant 112 : index
    %get3A_83 = tpu.vector_load %arg5[%get3A_81, %get3A_82] {strides = array<i32>} : memref<64x256xi32, #tpu.memory_space<vmem>>, vector<1x16xi32>,
    %get3A_84 = vector.shape_cast %get3A_83 : vector<1x16xi32> to vector<16xi32>
    %dma_start3A_85 = arith.constant 112 : i32
    %dma_start3A_86 = arith.constant 0 : i32
    %dma_start3A_87 = tpu.memref_slice %arg6[%dma_start3A_85, %dma_start3A_86] : memref<208x128xf32, #tpu.memory_space<vmem>> -> memref<16x128xf32, #tpu.memory_space<vmem>>
    %dma_start3A_88 = arith.constant 0 : i32
    %dma_start3A_89 = arith.constant 0 : i32
    %dma_start3A_90 = tpu.memref_slice %arg3[%dma_start3A_88, %dma_start3A_89] : memref<1000000x128xf32, #tpu.memory_space<hbm>> -> memref<1000000x128xf32, #tpu.memory_space<hbm>>
    tpu.enqueue_indirect_dma source(%dma_start3A_90 : memref<1000000x128xf32, #tpu.memory_space<hbm>>) target(%dma_start3A_87 : memref<16x128xf32, #tpu.memory_space<vmem>>) offsets(%get3A_84 : vector<16xi32>) semaphore(%arg10 : memref<!tpu.dma_semaphore, #tpu.memory_space<semaphore_mem>>)
    %get3A_91 = arith.constant 0 : i32
    %get3A_92 = arith.index_cast %get3A_91 : i32 to index
    %get3A_93 = arith.constant 128 : index
    %get3A_94 = tpu.vector_load %arg5[%get3A_92, %get3A_93] {strides = array<i32>} : memref<64x256xi32, #tpu.memory_space<vmem>>, vector<1x16xi32>,
    %get3A_95 = vector.shape_cast %get3A_94 : vector<1x16xi32> to vector<16xi32>
    %dma_start3A_96 = arith.constant 128 : i32
    %dma_start3A_97 = arith.constant 0 : i32
    %dma_start3A_98 = tpu.memref_slice %arg6[%dma_start3A_96, %dma_start3A_97] : memref<208x128xf32, #tpu.memory_space<vmem>> -> memref<16x128xf32, #tpu.memory_space<vmem>>
    %dma_start3A_99 = arith.constant 0 : i32
    %dma_start3A_100 = arith.constant 0 : i32
    %dma_start3A_101 = tpu.memref_slice %arg3[%dma_start3A_99, %dma_start3A_100] : memref<1000000x128xf32, #tpu.memory_space<hbm>> -> memref<1000000x128xf32, #tpu.memory_space<hbm>>
    tpu.enqueue_indirect_dma source(%dma_start3A_101 : memref<1000000x128xf32, #tpu.memory_space<hbm>>) target(%dma_start3A_98 : memref<16x128xf32, #tpu.memory_space<vmem>>) offsets(%get3A_95 : vector<16xi32>) semaphore(%arg10 : memref<!tpu.dma_semaphore, #tpu.memory_space<semaphore_mem>>)
    %get3A_102 = arith.constant 0 : i32
    %get3A_103 = arith.index_cast %get3A_102 : i32 to index
    %get3A_104 = arith.constant 144 : index
    %get3A_105 = tpu.vector_load %arg5[%get3A_103, %get3A_104] {strides = array<i32>} : memref<64x256xi32, #tpu.memory_space<vmem>>, vector<1x16xi32>,
    %get3A_106 = vector.shape_cast %get3A_105 : vector<1x16xi32> to vector<16xi32>
    %dma_start3A_107 = arith.constant 144 : i32
    %dma_start3A_108 = arith.constant 0 : i32
    %dma_start3A_109 = tpu.memref_slice %arg6[%dma_start3A_107, %dma_start3A_108] : memref<208x128xf32, #tpu.memory_space<vmem>> -> memref<16x128xf32, #tpu.memory_space<vmem>>
    %dma_start3A_110 = arith.constant 0 : i32
    %dma_start3A_111 = arith.constant 0 : i32
    %dma_start3A_112 = tpu.memref_slice %arg3[%dma_start3A_110, %dma_start3A_111] : memref<1000000x128xf32, #tpu.memory_space<hbm>> -> memref<1000000x128xf32, #tpu.memory_space<hbm>>
    tpu.enqueue_indirect_dma source(%dma_start3A_112 : memref<1000000x128xf32, #tpu.memory_space<hbm>>) target(%dma_start3A_109 : memref<16x128xf32, #tpu.memory_space<vmem>>) offsets(%get3A_106 : vector<16xi32>) semaphore(%arg10 : memref<!tpu.dma_semaphore, #tpu.memory_space<semaphore_mem>>)
    %get3A_113 = arith.constant 0 : i32
    %get3A_114 = arith.index_cast %get3A_113 : i32 to index
    %get3A_115 = arith.constant 160 : index
    %get3A_116 = tpu.vector_load %arg5[%get3A_114, %get3A_115] {strides = array<i32>} : memref<64x256xi32, #tpu.memory_space<vmem>>, vector<1x16xi32>,
    %get3A_117 = vector.shape_cast %get3A_116 : vector<1x16xi32> to vector<16xi32>
    %dma_start3A_118 = arith.constant 160 : i32
    %dma_start3A_119 = arith.constant 0 : i32
    %dma_start3A_120 = tpu.memref_slice %arg6[%dma_start3A_118, %dma_start3A_119] : memref<208x128xf32, #tpu.memory_space<vmem>> -> memref<16x128xf32, #tpu.memory_space<vmem>>
    %dma_start3A_121 = arith.constant 0 : i32
    %dma_start3A_122 = arith.constant 0 : i32
    %dma_start3A_123 = tpu.memref_slice %arg3[%dma_start3A_121, %dma_start3A_122] : memref<1000000x128xf32, #tpu.memory_space<hbm>> -> memref<1000000x128xf32, #tpu.memory_space<hbm>>
    tpu.enqueue_indirect_dma source(%dma_start3A_123 : memref<1000000x128xf32, #tpu.memory_space<hbm>>) target(%dma_start3A_120 : memref<16x128xf32, #tpu.memory_space<vmem>>) offsets(%get3A_117 : vector<16xi32>) semaphore(%arg10 : memref<!tpu.dma_semaphore, #tpu.memory_space<semaphore_mem>>)
    %get3A_124 = arith.constant 0 : i32
    %get3A_125 = arith.index_cast %get3A_124 : i32 to index
    %get3A_126 = arith.constant 176 : index
    %get3A_127 = tpu.vector_load %arg5[%get3A_125, %get3A_126] {strides = array<i32>} : memref<64x256xi32, #tpu.memory_space<vmem>>, vector<1x16xi32>,
    %get3A_128 = vector.shape_cast %get3A_127 : vector<1x16xi32> to vector<16xi32>
    %dma_start3A_129 = arith.constant 176 : i32
    %dma_start3A_130 = arith.constant 0 : i32
    %dma_start3A_131 = tpu.memref_slice %arg6[%dma_start3A_129, %dma_start3A_130] : memref<208x128xf32, #tpu.memory_space<vmem>> -> memref<16x128xf32, #tpu.memory_space<vmem>>
    %dma_start3A_132 = arith.constant 0 : i32
    %dma_start3A_133 = arith.constant 0 : i32
    %dma_start3A_134 = tpu.memref_slice %arg3[%dma_start3A_132, %dma_start3A_133] : memref<1000000x128xf32, #tpu.memory_space<hbm>> -> memref<1000000x128xf32, #tpu.memory_space<hbm>>
    tpu.enqueue_indirect_dma source(%dma_start3A_134 : memref<1000000x128xf32, #tpu.memory_space<hbm>>) target(%dma_start3A_131 : memref<16x128xf32, #tpu.memory_space<vmem>>) offsets(%get3A_128 : vector<16xi32>) semaphore(%arg10 : memref<!tpu.dma_semaphore, #tpu.memory_space<semaphore_mem>>)
    %get3A_135 = arith.constant 0 : i32
    %get3A_136 = arith.index_cast %get3A_135 : i32 to index
    %get3A_137 = arith.constant 184 : index
    %get3A_138 = tpu.vector_load %arg5[%get3A_136, %get3A_137] {strides = array<i32>} : memref<64x256xi32, #tpu.memory_space<vmem>>, vector<1x16xi32>,
    %get3A_139 = vector.shape_cast %get3A_138 : vector<1x16xi32> to vector<16xi32>
    %dma_start3A_140 = arith.constant 184 : i32
    %dma_start3A_141 = arith.constant 0 : i32
    %dma_start3A_142 = tpu.memref_slice %arg6[%dma_start3A_140, %dma_start3A_141] : memref<208x128xf32, #tpu.memory_space<vmem>> -> memref<16x128xf32, #tpu.memory_space<vmem>>
    %dma_start3A_143 = arith.constant 0 : i32
    %dma_start3A_144 = arith.constant 0 : i32
    %dma_start3A_145 = tpu.memref_slice %arg3[%dma_start3A_143, %dma_start3A_144] : memref<1000000x128xf32, #tpu.memory_space<hbm>> -> memref<1000000x128xf32, #tpu.memory_space<hbm>>
    tpu.enqueue_indirect_dma source(%dma_start3A_145 : memref<1000000x128xf32, #tpu.memory_space<hbm>>) target(%dma_start3A_142 : memref<16x128xf32, #tpu.memory_space<vmem>>) offsets(%get3A_139 : vector<16xi32>) semaphore(%arg10 : memref<!tpu.dma_semaphore, #tpu.memory_space<semaphore_mem>>)
    %scan3A = arith.constant 0 : i32
    %scan3A_146 = arith.constant 0 : i32
    %scan3A_147 = arith.constant 64 : i32
    %scan3A_148 = arith.addi %scan3A_146, %scan3A_147 : i32
    %scan3A_149 = arith.constant 1 : i32
    scf.for %scan3A_162 = %scan3A_146 to %scan3A_148 step %scan3A_149  : i32 {
      %mul3A_163 = arith.constant 2 : i32
      %mul3A_164 = arith.muli %mul3A_163, %scan3A_162 : i32
      %add3A_165 = arith.constant 0 : i32
      %add3A_166 = arith.addi %mul3A_164, %add3A_165 : i32
      %add3A_167 = arith.constant 1 : i32
      %add3A_168 = arith.addi %add3A_166, %add3A_167 : i32
      %lt3A = arith.constant 128 : i32
      %lt3A_169 = arith.cmpi slt, %add3A_168, %lt3A : i32
      %jit3A = arith.constant 64 : i32
      %eq3A = arith.constant 0 : i32
      %eq3A_170 = arith.cmpi eq, %jit3A, %eq3A : i32
      %jit3A_171 = arith.constant 1 : i32
      %select_n3A = arith.select %eq3A_170, %jit3A_171, %jit3A : i32
      %rem3A = arith.remsi %add3A_168, %select_n3A : i32
      %ne3A = arith.constant 0 : i32
      %ne3A_172 = arith.cmpi ne, %rem3A, %ne3A : i32
      %lt3A_173 = arith.constant 0 : i32
      %lt3A_174 = arith.cmpi slt, %rem3A, %lt3A_173 : i32
      %lt3A_175 = arith.constant 0 : i32
      %lt3A_176 = arith.cmpi slt, %select_n3A, %lt3A_175 : i32
      %ne3A_177 = arith.xori %lt3A_174, %lt3A_176 : i1
      %and3A = arith.andi %ne3A_177, %ne3A_172 : i1
      %add3A_178 = arith.addi %rem3A, %select_n3A : i32
      %select_n3A_179 = arith.select %and3A, %add3A_178, %rem3A : i32
      %ne3A_180 = arith.constant 0 : i32
      %ne3A_181 = arith.cmpi ne, %select_n3A_179, %ne3A_180 : i32
      %and3A_182 = arith.andi %lt3A_169, %ne3A_181 : i1
      %convert_element_type3A = arith.extui %and3A_182 : i1 to i32
      %cond3A = arith.constant 0 : i32
      %cond3A_183 = arith.cmpi ne, %convert_element_type3A, %cond3A : i32
      scf.if %cond3A_183 {
        %jit3A_313 = arith.constant 64 : i32
        %eq3A_314 = arith.constant 0 : i32
        %eq3A_315 = arith.cmpi eq, %jit3A_313, %eq3A_314 : i32
        %jit3A_316 = arith.constant 1 : i32
        %select_n3A_317 = arith.select %eq3A_315, %jit3A_316, %jit3A_313 : i32
        %rem3A_318 = arith.remsi %add3A_168, %select_n3A_317 : i32
        %ne3A_319 = arith.constant 0 : i32
        %ne3A_320 = arith.cmpi ne, %rem3A_318, %ne3A_319 : i32
        %lt3A_321 = arith.constant 0 : i32
        %lt3A_322 = arith.cmpi slt, %rem3A_318, %lt3A_321 : i32
        %lt3A_323 = arith.constant 0 : i32
        %lt3A_324 = arith.cmpi slt, %select_n3A_317, %lt3A_323 : i32
        %ne3A_325 = arith.xori %lt3A_322, %lt3A_324 : i1
        %and3A_326 = arith.andi %ne3A_325, %ne3A_320 : i1
        %add3A_327 = arith.addi %rem3A_318, %select_n3A_317 : i32
        %select_n3A_328 = arith.select %and3A_326, %add3A_327, %rem3A_318 : i32
        %get3A_329 = arith.index_cast %select_n3A_328 : i32 to index
        %get3A_330 = arith.constant 0 : index
        %get3A_331 = tpu.vector_load %arg5[%get3A_329, %get3A_330] {strides = array<i32>} : memref<64x256xi32, #tpu.memory_space<vmem>>, vector<1x16xi32>,
        %get3A_332 = vector.shape_cast %get3A_331 : vector<1x16xi32> to vector<16xi32>
        %dma_start3A_333 = arith.constant 0 : i32
        %dma_start3A_334 = arith.constant 0 : i32
        %dma_start3A_335 = tpu.memref_slice %arg7[%dma_start3A_333, %dma_start3A_334] : memref<208x128xf32, #tpu.memory_space<vmem>> -> memref<16x128xf32, #tpu.memory_space<vmem>>
        %dma_start3A_336 = arith.constant 0 : i32
        %dma_start3A_337 = arith.constant 0 : i32
        %dma_start3A_338 = tpu.memref_slice %arg3[%dma_start3A_336, %dma_start3A_337] : memref<1000000x128xf32, #tpu.memory_space<hbm>> -> memref<1000000x128xf32, #tpu.memory_space<hbm>>
        tpu.enqueue_indirect_dma source(%dma_start3A_338 : memref<1000000x128xf32, #tpu.memory_space<hbm>>) target(%dma_start3A_335 : memref<16x128xf32, #tpu.memory_space<vmem>>) offsets(%get3A_332 : vector<16xi32>) semaphore(%arg11 : memref<!tpu.dma_semaphore, #tpu.memory_space<semaphore_mem>>)
        %get3A_339 = arith.index_cast %select_n3A_328 : i32 to index
        %get3A_340 = arith.constant 16 : index
        %get3A_341 = tpu.vector_load %arg5[%get3A_339, %get3A_340] {strides = array<i32>} : memref<64x256xi32, #tpu.memory_space<vmem>>, vector<1x16xi32>,
        %get3A_342 = vector.shape_cast %get3A_341 : vector<1x16xi32> to vector<16xi32>
        %dma_start3A_343 = arith.constant 16 : i32
        %dma_start3A_344 = arith.constant 0 : i32
        %dma_start3A_345 = tpu.memref_slice %arg7[%dma_start3A_343, %dma_start3A_344] : memref<208x128xf32, #tpu.memory_space<vmem>> -> memref<16x128xf32, #tpu.memory_space<vmem>>
        %dma_start3A_346 = arith.constant 0 : i32
        %dma_start3A_347 = arith.constant 0 : i32
        %dma_start3A_348 = tpu.memref_slice %arg3[%dma_start3A_346, %dma_start3A_347] : memref<1000000x128xf32, #tpu.memory_space<hbm>> -> memref<1000000x128xf32, #tpu.memory_space<hbm>>
        tpu.enqueue_indirect_dma source(%dma_start3A_348 : memref<1000000x128xf32, #tpu.memory_space<hbm>>) target(%dma_start3A_345 : memref<16x128xf32, #tpu.memory_space<vmem>>) offsets(%get3A_342 : vector<16xi32>) semaphore(%arg11 : memref<!tpu.dma_semaphore, #tpu.memory_space<semaphore_mem>>)
        %get3A_349 = arith.index_cast %select_n3A_328 : i32 to index
        %get3A_350 = arith.constant 32 : index
        %get3A_351 = tpu.vector_load %arg5[%get3A_349, %get3A_350] {strides = array<i32>} : memref<64x256xi32, #tpu.memory_space<vmem>>, vector<1x16xi32>,
        %get3A_352 = vector.shape_cast %get3A_351 : vector<1x16xi32> to vector<16xi32>
        %dma_start3A_353 = arith.constant 32 : i32
        %dma_start3A_354 = arith.constant 0 : i32
        %dma_start3A_355 = tpu.memref_slice %arg7[%dma_start3A_353, %dma_start3A_354] : memref<208x128xf32, #tpu.memory_space<vmem>> -> memref<16x128xf32, #tpu.memory_space<vmem>>
        %dma_start3A_356 = arith.constant 0 : i32
        %dma_start3A_357 = arith.constant 0 : i32
        %dma_start3A_358 = tpu.memref_slice %arg3[%dma_start3A_356, %dma_start3A_357] : memref<1000000x128xf32, #tpu.memory_space<hbm>> -> memref<1000000x128xf32, #tpu.memory_space<hbm>>
        tpu.enqueue_indirect_dma source(%dma_start3A_358 : memref<1000000x128xf32, #tpu.memory_space<hbm>>) target(%dma_start3A_355 : memref<16x128xf32, #tpu.memory_space<vmem>>) offsets(%get3A_352 : vector<16xi32>) semaphore(%arg11 : memref<!tpu.dma_semaphore, #tpu.memory_space<semaphore_mem>>)
        %get3A_359 = arith.index_cast %select_n3A_328 : i32 to index
        %get3A_360 = arith.constant 48 : index
        %get3A_361 = tpu.vector_load %arg5[%get3A_359, %get3A_360] {strides = array<i32>} : memref<64x256xi32, #tpu.memory_space<vmem>>, vector<1x16xi32>,
        %get3A_362 = vector.shape_cast %get3A_361 : vector<1x16xi32> to vector<16xi32>
        %dma_start3A_363 = arith.constant 48 : i32
        %dma_start3A_364 = arith.constant 0 : i32
        %dma_start3A_365 = tpu.memref_slice %arg7[%dma_start3A_363, %dma_start3A_364] : memref<208x128xf32, #tpu.memory_space<vmem>> -> memref<16x128xf32, #tpu.memory_space<vmem>>
        %dma_start3A_366 = arith.constant 0 : i32
        %dma_start3A_367 = arith.constant 0 : i32
        %dma_start3A_368 = tpu.memref_slice %arg3[%dma_start3A_366, %dma_start3A_367] : memref<1000000x128xf32, #tpu.memory_space<hbm>> -> memref<1000000x128xf32, #tpu.memory_space<hbm>>
        tpu.enqueue_indirect_dma source(%dma_start3A_368 : memref<1000000x128xf32, #tpu.memory_space<hbm>>) target(%dma_start3A_365 : memref<16x128xf32, #tpu.memory_space<vmem>>) offsets(%get3A_362 : vector<16xi32>) semaphore(%arg11 : memref<!tpu.dma_semaphore, #tpu.memory_space<semaphore_mem>>)
        %get3A_369 = arith.index_cast %select_n3A_328 : i32 to index
        %get3A_370 = arith.constant 64 : index
        %get3A_371 = tpu.vector_load %arg5[%get3A_369, %get3A_370] {strides = array<i32>} : memref<64x256xi32, #tpu.memory_space<vmem>>, vector<1x16xi32>,
        %get3A_372 = vector.shape_cast %get3A_371 : vector<1x16xi32> to vector<16xi32>
        %dma_start3A_373 = arith.constant 64 : i32
        %dma_start3A_374 = arith.constant 0 : i32
        %dma_start3A_375 = tpu.memref_slice %arg7[%dma_start3A_373, %dma_start3A_374] : memref<208x128xf32, #tpu.memory_space<vmem>> -> memref<16x128xf32, #tpu.memory_space<vmem>>
        %dma_start3A_376 = arith.constant 0 : i32
        %dma_start3A_377 = arith.constant 0 : i32
        %dma_start3A_378 = tpu.memref_slice %arg3[%dma_start3A_376, %dma_start3A_377] : memref<1000000x128xf32, #tpu.memory_space<hbm>> -> memref<1000000x128xf32, #tpu.memory_space<hbm>>
        tpu.enqueue_indirect_dma source(%dma_start3A_378 : memref<1000000x128xf32, #tpu.memory_space<hbm>>) target(%dma_start3A_375 : memref<16x128xf32, #tpu.memory_space<vmem>>) offsets(%get3A_372 : vector<16xi32>) semaphore(%arg11 : memref<!tpu.dma_semaphore, #tpu.memory_space<semaphore_mem>>)
        %get3A_379 = arith.index_cast %select_n3A_328 : i32 to index
        %get3A_380 = arith.constant 80 : index
        %get3A_381 = tpu.vector_load %arg5[%get3A_379, %get3A_380] {strides = array<i32>} : memref<64x256xi32, #tpu.memory_space<vmem>>, vector<1x16xi32>,
        %get3A_382 = vector.shape_cast %get3A_381 : vector<1x16xi32> to vector<16xi32>
        %dma_start3A_383 = arith.constant 80 : i32
        %dma_start3A_384 = arith.constant 0 : i32
        %dma_start3A_385 = tpu.memref_slice %arg7[%dma_start3A_383, %dma_start3A_384] : memref<208x128xf32, #tpu.memory_space<vmem>> -> memref<16x128xf32, #tpu.memory_space<vmem>>
        %dma_start3A_386 = arith.constant 0 : i32
        %dma_start3A_387 = arith.constant 0 : i32
        %dma_start3A_388 = tpu.memref_slice %arg3[%dma_start3A_386, %dma_start3A_387] : memref<1000000x128xf32, #tpu.memory_space<hbm>> -> memref<1000000x128xf32, #tpu.memory_space<hbm>>
        tpu.enqueue_indirect_dma source(%dma_start3A_388 : memref<1000000x128xf32, #tpu.memory_space<hbm>>) target(%dma_start3A_385 : memref<16x128xf32, #tpu.memory_space<vmem>>) offsets(%get3A_382 : vector<16xi32>) semaphore(%arg11 : memref<!tpu.dma_semaphore, #tpu.memory_space<semaphore_mem>>)
        %get3A_389 = arith.index_cast %select_n3A_328 : i32 to index
        %get3A_390 = arith.constant 96 : index
        %get3A_391 = tpu.vector_load %arg5[%get3A_389, %get3A_390] {strides = array<i32>} : memref<64x256xi32, #tpu.memory_space<vmem>>, vector<1x16xi32>,
        %get3A_392 = vector.shape_cast %get3A_391 : vector<1x16xi32> to vector<16xi32>
        %dma_start3A_393 = arith.constant 96 : i32
        %dma_start3A_394 = arith.constant 0 : i32
        %dma_start3A_395 = tpu.memref_slice %arg7[%dma_start3A_393, %dma_start3A_394] : memref<208x128xf32, #tpu.memory_space<vmem>> -> memref<16x128xf32, #tpu.memory_space<vmem>>
        %dma_start3A_396 = arith.constant 0 : i32
        %dma_start3A_397 = arith.constant 0 : i32
        %dma_start3A_398 = tpu.memref_slice %arg3[%dma_start3A_396, %dma_start3A_397] : memref<1000000x128xf32, #tpu.memory_space<hbm>> -> memref<1000000x128xf32, #tpu.memory_space<hbm>>
        tpu.enqueue_indirect_dma source(%dma_start3A_398 : memref<1000000x128xf32, #tpu.memory_space<hbm>>) target(%dma_start3A_395 : memref<16x128xf32, #tpu.memory_space<vmem>>) offsets(%get3A_392 : vector<16xi32>) semaphore(%arg11 : memref<!tpu.dma_semaphore, #tpu.memory_space<semaphore_mem>>)
        %get3A_399 = arith.index_cast %select_n3A_328 : i32 to index
        %get3A_400 = arith.constant 112 : index
        %get3A_401 = tpu.vector_load %arg5[%get3A_399, %get3A_400] {strides = array<i32>} : memref<64x256xi32, #tpu.memory_space<vmem>>, vector<1x16xi32>,
        %get3A_402 = vector.shape_cast %get3A_401 : vector<1x16xi32> to vector<16xi32>
        %dma_start3A_403 = arith.constant 112 : i32
        %dma_start3A_404 = arith.constant 0 : i32
        %dma_start3A_405 = tpu.memref_slice %arg7[%dma_start3A_403, %dma_start3A_404] : memref<208x128xf32, #tpu.memory_space<vmem>> -> memref<16x128xf32, #tpu.memory_space<vmem>>
        %dma_start3A_406 = arith.constant 0 : i32
        %dma_start3A_407 = arith.constant 0 : i32
        %dma_start3A_408 = tpu.memref_slice %arg3[%dma_start3A_406, %dma_start3A_407] : memref<1000000x128xf32, #tpu.memory_space<hbm>> -> memref<1000000x128xf32, #tpu.memory_space<hbm>>
        tpu.enqueue_indirect_dma source(%dma_start3A_408 : memref<1000000x128xf32, #tpu.memory_space<hbm>>) target(%dma_start3A_405 : memref<16x128xf32, #tpu.memory_space<vmem>>) offsets(%get3A_402 : vector<16xi32>) semaphore(%arg11 : memref<!tpu.dma_semaphore, #tpu.memory_space<semaphore_mem>>)
        %get3A_409 = arith.index_cast %select_n3A_328 : i32 to index
        %get3A_410 = arith.constant 128 : index
        %get3A_411 = tpu.vector_load %arg5[%get3A_409, %get3A_410] {strides = array<i32>} : memref<64x256xi32, #tpu.memory_space<vmem>>, vector<1x16xi32>,
        %get3A_412 = vector.shape_cast %get3A_411 : vector<1x16xi32> to vector<16xi32>
        %dma_start3A_413 = arith.constant 128 : i32
        %dma_start3A_414 = arith.constant 0 : i32
        %dma_start3A_415 = tpu.memref_slice %arg7[%dma_start3A_413, %dma_start3A_414] : memref<208x128xf32, #tpu.memory_space<vmem>> -> memref<16x128xf32, #tpu.memory_space<vmem>>
        %dma_start3A_416 = arith.constant 0 : i32
        %dma_start3A_417 = arith.constant 0 : i32
        %dma_start3A_418 = tpu.memref_slice %arg3[%dma_start3A_416, %dma_start3A_417] : memref<1000000x128xf32, #tpu.memory_space<hbm>> -> memref<1000000x128xf32, #tpu.memory_space<hbm>>
        tpu.enqueue_indirect_dma source(%dma_start3A_418 : memref<1000000x128xf32, #tpu.memory_space<hbm>>) target(%dma_start3A_415 : memref<16x128xf32, #tpu.memory_space<vmem>>) offsets(%get3A_412 : vector<16xi32>) semaphore(%arg11 : memref<!tpu.dma_semaphore, #tpu.memory_space<semaphore_mem>>)
        %get3A_419 = arith.index_cast %select_n3A_328 : i32 to index
        %get3A_420 = arith.constant 144 : index
        %get3A_421 = tpu.vector_load %arg5[%get3A_419, %get3A_420] {strides = array<i32>} : memref<64x256xi32, #tpu.memory_space<vmem>>, vector<1x16xi32>,
        %get3A_422 = vector.shape_cast %get3A_421 : vector<1x16xi32> to vector<16xi32>
        %dma_start3A_423 = arith.constant 144 : i32
        %dma_start3A_424 = arith.constant 0 : i32
        %dma_start3A_425 = tpu.memref_slice %arg7[%dma_start3A_423, %dma_start3A_424] : memref<208x128xf32, #tpu.memory_space<vmem>> -> memref<16x128xf32, #tpu.memory_space<vmem>>
        %dma_start3A_426 = arith.constant 0 : i32
        %dma_start3A_427 = arith.constant 0 : i32
        %dma_start3A_428 = tpu.memref_slice %arg3[%dma_start3A_426, %dma_start3A_427] : memref<1000000x128xf32, #tpu.memory_space<hbm>> -> memref<1000000x128xf32, #tpu.memory_space<hbm>>
        tpu.enqueue_indirect_dma source(%dma_start3A_428 : memref<1000000x128xf32, #tpu.memory_space<hbm>>) target(%dma_start3A_425 : memref<16x128xf32, #tpu.memory_space<vmem>>) offsets(%get3A_422 : vector<16xi32>) semaphore(%arg11 : memref<!tpu.dma_semaphore, #tpu.memory_space<semaphore_mem>>)
        %get3A_429 = arith.index_cast %select_n3A_328 : i32 to index
        %get3A_430 = arith.constant 160 : index
        %get3A_431 = tpu.vector_load %arg5[%get3A_429, %get3A_430] {strides = array<i32>} : memref<64x256xi32, #tpu.memory_space<vmem>>, vector<1x16xi32>,
        %get3A_432 = vector.shape_cast %get3A_431 : vector<1x16xi32> to vector<16xi32>
        %dma_start3A_433 = arith.constant 160 : i32
        %dma_start3A_434 = arith.constant 0 : i32
        %dma_start3A_435 = tpu.memref_slice %arg7[%dma_start3A_433, %dma_start3A_434] : memref<208x128xf32, #tpu.memory_space<vmem>> -> memref<16x128xf32, #tpu.memory_space<vmem>>
        %dma_start3A_436 = arith.constant 0 : i32
        %dma_start3A_437 = arith.constant 0 : i32
        %dma_start3A_438 = tpu.memref_slice %arg3[%dma_start3A_436, %dma_start3A_437] : memref<1000000x128xf32, #tpu.memory_space<hbm>> -> memref<1000000x128xf32, #tpu.memory_space<hbm>>
        tpu.enqueue_indirect_dma source(%dma_start3A_438 : memref<1000000x128xf32, #tpu.memory_space<hbm>>) target(%dma_start3A_435 : memref<16x128xf32, #tpu.memory_space<vmem>>) offsets(%get3A_432 : vector<16xi32>) semaphore(%arg11 : memref<!tpu.dma_semaphore, #tpu.memory_space<semaphore_mem>>)
        %get3A_439 = arith.index_cast %select_n3A_328 : i32 to index
        %get3A_440 = arith.constant 176 : index
        %get3A_441 = tpu.vector_load %arg5[%get3A_439, %get3A_440] {strides = array<i32>} : memref<64x256xi32, #tpu.memory_space<vmem>>, vector<1x16xi32>,
        %get3A_442 = vector.shape_cast %get3A_441 : vector<1x16xi32> to vector<16xi32>
        %dma_start3A_443 = arith.constant 176 : i32
        %dma_start3A_444 = arith.constant 0 : i32
        %dma_start3A_445 = tpu.memref_slice %arg7[%dma_start3A_443, %dma_start3A_444] : memref<208x128xf32, #tpu.memory_space<vmem>> -> memref<16x128xf32, #tpu.memory_space<vmem>>
        %dma_start3A_446 = arith.constant 0 : i32
        %dma_start3A_447 = arith.constant 0 : i32
        %dma_start3A_448 = tpu.memref_slice %arg3[%dma_start3A_446, %dma_start3A_447] : memref<1000000x128xf32, #tpu.memory_space<hbm>> -> memref<1000000x128xf32, #tpu.memory_space<hbm>>
        tpu.enqueue_indirect_dma source(%dma_start3A_448 : memref<1000000x128xf32, #tpu.memory_space<hbm>>) target(%dma_start3A_445 : memref<16x128xf32, #tpu.memory_space<vmem>>) offsets(%get3A_442 : vector<16xi32>) semaphore(%arg11 : memref<!tpu.dma_semaphore, #tpu.memory_space<semaphore_mem>>)
        %get3A_449 = arith.index_cast %select_n3A_328 : i32 to index
        %get3A_450 = arith.constant 184 : index
        %get3A_451 = tpu.vector_load %arg5[%get3A_449, %get3A_450] {strides = array<i32>} : memref<64x256xi32, #tpu.memory_space<vmem>>, vector<1x16xi32>,
        %get3A_452 = vector.shape_cast %get3A_451 : vector<1x16xi32> to vector<16xi32>
        %dma_start3A_453 = arith.constant 184 : i32
        %dma_start3A_454 = arith.constant 0 : i32
        %dma_start3A_455 = tpu.memref_slice %arg7[%dma_start3A_453, %dma_start3A_454] : memref<208x128xf32, #tpu.memory_space<vmem>> -> memref<16x128xf32, #tpu.memory_space<vmem>>
        %dma_start3A_456 = arith.constant 0 : i32
        %dma_start3A_457 = arith.constant 0 : i32
        %dma_start3A_458 = tpu.memref_slice %arg3[%dma_start3A_456, %dma_start3A_457] : memref<1000000x128xf32, #tpu.memory_space<hbm>> -> memref<1000000x128xf32, #tpu.memory_space<hbm>>
        tpu.enqueue_indirect_dma source(%dma_start3A_458 : memref<1000000x128xf32, #tpu.memory_space<hbm>>) target(%dma_start3A_455 : memref<16x128xf32, #tpu.memory_space<vmem>>) offsets(%get3A_452 : vector<16xi32>) semaphore(%arg11 : memref<!tpu.dma_semaphore, #tpu.memory_space<semaphore_mem>>)
      } else {
      }
      %dma_wait3A_184 = arith.constant 0 : i32
      %dma_wait3A_185 = arith.constant 0 : i32
      %dma_wait3A_186 = tpu.memref_slice %arg3[%dma_wait3A_184, %dma_wait3A_185] : memref<1000000x128xf32, #tpu.memory_space<hbm>> -> memref<208x128xf32, #tpu.memory_space<hbm>>
      %dma_wait3A_187 = arith.constant 0 : i32
      %dma_wait3A_188 = arith.constant 0 : i32
      %dma_wait3A_189 = tpu.memref_slice %arg3[%dma_wait3A_187, %dma_wait3A_188] : memref<1000000x128xf32, #tpu.memory_space<hbm>> -> memref<208x128xf32, #tpu.memory_space<hbm>>
      tpu.wait_dma2 semaphore(%arg10 : memref<!tpu.dma_semaphore, #tpu.memory_space<semaphore_mem>>) src(%dma_wait3A_189 : memref<208x128xf32, #tpu.memory_space<hbm>>) dst(%arg6 : memref<208x128xf32, #tpu.memory_space<vmem>>)
      %lt3A_190 = arith.constant 128 : i32
      %lt3A_191 = arith.cmpi slt, %add3A_168, %lt3A_190 : i32
      %jit3A_192 = arith.constant 64 : i32
      %eq3A_193 = arith.constant 0 : i32
      %eq3A_194 = arith.cmpi eq, %jit3A_192, %eq3A_193 : i32
      %jit3A_195 = arith.constant 1 : i32
      %select_n3A_196 = arith.select %eq3A_194, %jit3A_195, %jit3A_192 : i32
      %rem3A_197 = arith.remsi %add3A_168, %select_n3A_196 : i32
      %ne3A_198 = arith.constant 0 : i32
      %ne3A_199 = arith.cmpi ne, %rem3A_197, %ne3A_198 : i32
      %lt3A_200 = arith.constant 0 : i32
      %lt3A_201 = arith.cmpi slt, %rem3A_197, %lt3A_200 : i32
      %lt3A_202 = arith.constant 0 : i32
      %lt3A_203 = arith.cmpi slt, %select_n3A_196, %lt3A_202 : i32
      %ne3A_204 = arith.xori %lt3A_201, %lt3A_203 : i1
      %and3A_205 = arith.andi %ne3A_204, %ne3A_199 : i1
      %add3A_206 = arith.addi %rem3A_197, %select_n3A_196 : i32
      %select_n3A_207 = arith.select %and3A_205, %add3A_206, %rem3A_197 : i32
      %eq3A_208 = arith.constant 0 : i32
      %eq3A_209 = arith.cmpi eq, %select_n3A_207, %eq3A_208 : i32
      %and3A_210 = arith.andi %lt3A_191, %eq3A_209 : i1
      %convert_element_type3A_211 = arith.extui %and3A_210 : i1 to i32
      %cond3A_212 = arith.constant 0 : i32
      %cond3A_213 = arith.cmpi ne, %convert_element_type3A_211, %cond3A_212 : i32
      scf.if %cond3A_213 {
        %jit3A_313 = arith.constant 64 : i32
        %div3A = arith.divsi %add3A_168, %jit3A_313 : i32
        %sign3A = arith.constant 0 : i32
        %sign3A_314 = arith.cmpi sgt, %add3A_168, %sign3A : i32
        %sign3A_315 = arith.extui %sign3A_314 : i1 to i32
        %sign3A_316 = arith.constant 0 : i32
        %sign3A_317 = arith.cmpi slt, %add3A_168, %sign3A_316 : i32
        %sign3A_318 = arith.extui %sign3A_317 : i1 to i32
        %sign3A_319 = arith.subi %sign3A_315, %sign3A_318 : i32
        %sign3A_320 = arith.constant 0 : i32
        %sign3A_321 = arith.cmpi sgt, %jit3A_313, %sign3A_320 : i32
        %sign3A_322 = arith.extui %sign3A_321 : i1 to i32
        %sign3A_323 = arith.constant 0 : i32
        %sign3A_324 = arith.cmpi slt, %jit3A_313, %sign3A_323 : i32
        %sign3A_325 = arith.extui %sign3A_324 : i1 to i32
        %sign3A_326 = arith.subi %sign3A_322, %sign3A_325 : i32
        %ne3A_327 = arith.cmpi ne, %sign3A_319, %sign3A_326 : i32
        %rem3A_328 = arith.remsi %add3A_168, %jit3A_313 : i32
        %ne3A_329 = arith.constant 0 : i32
        %ne3A_330 = arith.cmpi ne, %rem3A_328, %ne3A_329 : i32
        %and3A_331 = arith.andi %ne3A_327, %ne3A_330 : i1
        %sub3A = arith.constant 1 : i32
        %sub3A_332 = arith.subi %div3A, %sub3A : i32
        %select_n3A_333 = arith.select %and3A_331, %sub3A_332, %div3A : i32
        %mul3A_334 = arith.constant 128 : i32
        %mul3A_335 = arith.muli %add3A, %mul3A_334 : i32
        %mul3A_336 = arith.constant 64 : i32
        %mul3A_337 = arith.muli %select_n3A_333, %mul3A_336 : i32
        %add3A_338 = arith.addi %mul3A_335, %mul3A_337 : i32
        "tpu.region"() ({
          %run_scoped3A = tpu.sem_alloc : memref<!tpu.dma_semaphore, #tpu.memory_space<semaphore_mem>>
          %dma_start3A_485 = arith.constant 0 : i32
          %dma_start3A_486 = tpu.memref_slice %arg2[%add3A_338, %dma_start3A_485] : memref<4096x256xi32, #tpu.memory_space<hbm>> -> memref<64x256xi32, #tpu.memory_space<hbm>>
          %dma_start3A_487 = arith.constant 0 : i32
          %dma_start3A_488 = tpu.memref_slice %arg2[%add3A_338, %dma_start3A_487] : memref<4096x256xi32, #tpu.memory_space<hbm>> -> memref<64x256xi32, #tpu.memory_space<hbm>>
          tpu.enqueue_dma source(%dma_start3A_488 : memref<64x256xi32, #tpu.memory_space<hbm>>) target(%arg5 : memref<64x256xi32, #tpu.memory_space<vmem>>) target_semaphore(%run_scoped3A : memref<!tpu.dma_semaphore, #tpu.memory_space<semaphore_mem>>)
          %dma_wait3A_489 = arith.constant 0 : i32
          %dma_wait3A_490 = tpu.memref_slice %arg2[%add3A_338, %dma_wait3A_489] : memref<4096x256xi32, #tpu.memory_space<hbm>> -> memref<64x256xi32, #tpu.memory_space<hbm>>
          %dma_wait3A_491 = arith.constant 0 : i32
          %dma_wait3A_492 = tpu.memref_slice %arg2[%add3A_338, %dma_wait3A_491] : memref<4096x256xi32, #tpu.memory_space<hbm>> -> memref<64x256xi32, #tpu.memory_space<hbm>>
          tpu.wait_dma2 semaphore(%run_scoped3A : memref<!tpu.dma_semaphore, #tpu.memory_space<semaphore_mem>>) src(%dma_wait3A_492 : memref<64x256xi32, #tpu.memory_space<hbm>>) dst(%arg5 : memref<64x256xi32, #tpu.memory_space<vmem>>)
          tpu.yield
        }) : () -> ()
        %jit3A_339 = arith.constant 64 : i32
        %eq3A_340 = arith.constant 0 : i32
        %eq3A_341 = arith.cmpi eq, %jit3A_339, %eq3A_340 : i32
        %jit3A_342 = arith.constant 1 : i32
        %select_n3A_343 = arith.select %eq3A_341, %jit3A_342, %jit3A_339 : i32
        %rem3A_344 = arith.remsi %add3A_168, %select_n3A_343 : i32
        %ne3A_345 = arith.constant 0 : i32
        %ne3A_346 = arith.cmpi ne, %rem3A_344, %ne3A_345 : i32
        %lt3A_347 = arith.constant 0 : i32
        %lt3A_348 = arith.cmpi slt, %rem3A_344, %lt3A_347 : i32
        %lt3A_349 = arith.constant 0 : i32
        %lt3A_350 = arith.cmpi slt, %select_n3A_343, %lt3A_349 : i32
        %ne3A_351 = arith.xori %lt3A_348, %lt3A_350 : i1
        %and3A_352 = arith.andi %ne3A_351, %ne3A_346 : i1
        %add3A_353 = arith.addi %rem3A_344, %select_n3A_343 : i32
        %select_n3A_354 = arith.select %and3A_352, %add3A_353, %rem3A_344 : i32
        %get3A_355 = arith.index_cast %select_n3A_354 : i32 to index
        %get3A_356 = arith.constant 0 : index
        %get3A_357 = tpu.vector_load %arg5[%get3A_355, %get3A_356] {strides = array<i32>} : memref<64x256xi32, #tpu.memory_space<vmem>>, vector<1x16xi32>,
        %get3A_358 = vector.shape_cast %get3A_357 : vector<1x16xi32> to vector<16xi32>
        %dma_start3A_359 = arith.constant 0 : i32
        %dma_start3A_360 = arith.constant 0 : i32
        %dma_start3A_361 = tpu.memref_slice %arg7[%dma_start3A_359, %dma_start3A_360] : memref<208x128xf32, #tpu.memory_space<vmem>> -> memref<16x128xf32, #tpu.memory_space<vmem>>
        %dma_start3A_362 = arith.constant 0 : i32
        %dma_start3A_363 = arith.constant 0 : i32
        %dma_start3A_364 = tpu.memref_slice %arg3[%dma_start3A_362, %dma_start3A_363] : memref<1000000x128xf32, #tpu.memory_space<hbm>> -> memref<1000000x128xf32, #tpu.memory_space<hbm>>
        tpu.enqueue_indirect_dma source(%dma_start3A_364 : memref<1000000x128xf32, #tpu.memory_space<hbm>>) target(%dma_start3A_361 : memref<16x128xf32, #tpu.memory_space<vmem>>) offsets(%get3A_358 : vector<16xi32>) semaphore(%arg11 : memref<!tpu.dma_semaphore, #tpu.memory_space<semaphore_mem>>)
        %get3A_365 = arith.index_cast %select_n3A_354 : i32 to index
        %get3A_366 = arith.constant 16 : index
        %get3A_367 = tpu.vector_load %arg5[%get3A_365, %get3A_366] {strides = array<i32>} : memref<64x256xi32, #tpu.memory_space<vmem>>, vector<1x16xi32>,
        %get3A_368 = vector.shape_cast %get3A_367 : vector<1x16xi32> to vector<16xi32>
        %dma_start3A_369 = arith.constant 16 : i32
        %dma_start3A_370 = arith.constant 0 : i32
        %dma_start3A_371 = tpu.memref_slice %arg7[%dma_start3A_369, %dma_start3A_370] : memref<208x128xf32, #tpu.memory_space<vmem>> -> memref<16x128xf32, #tpu.memory_space<vmem>>
        %dma_start3A_372 = arith.constant 0 : i32
        %dma_start3A_373 = arith.constant 0 : i32
        %dma_start3A_374 = tpu.memref_slice %arg3[%dma_start3A_372, %dma_start3A_373] : memref<1000000x128xf32, #tpu.memory_space<hbm>> -> memref<1000000x128xf32, #tpu.memory_space<hbm>>
        tpu.enqueue_indirect_dma source(%dma_start3A_374 : memref<1000000x128xf32, #tpu.memory_space<hbm>>) target(%dma_start3A_371 : memref<16x128xf32, #tpu.memory_space<vmem>>) offsets(%get3A_368 : vector<16xi32>) semaphore(%arg11 : memref<!tpu.dma_semaphore, #tpu.memory_space<semaphore_mem>>)
        %get3A_375 = arith.index_cast %select_n3A_354 : i32 to index
        %get3A_376 = arith.constant 32 : index
        %get3A_377 = tpu.vector_load %arg5[%get3A_375, %get3A_376] {strides = array<i32>} : memref<64x256xi32, #tpu.memory_space<vmem>>, vector<1x16xi32>,
        %get3A_378 = vector.shape_cast %get3A_377 : vector<1x16xi32> to vector<16xi32>
        %dma_start3A_379 = arith.constant 32 : i32
        %dma_start3A_380 = arith.constant 0 : i32
        %dma_start3A_381 = tpu.memref_slice %arg7[%dma_start3A_379, %dma_start3A_380] : memref<208x128xf32, #tpu.memory_space<vmem>> -> memref<16x128xf32, #tpu.memory_space<vmem>>
        %dma_start3A_382 = arith.constant 0 : i32
        %dma_start3A_383 = arith.constant 0 : i32
        %dma_start3A_384 = tpu.memref_slice %arg3[%dma_start3A_382, %dma_start3A_383] : memref<1000000x128xf32, #tpu.memory_space<hbm>> -> memref<1000000x128xf32, #tpu.memory_space<hbm>>
        tpu.enqueue_indirect_dma source(%dma_start3A_384 : memref<1000000x128xf32, #tpu.memory_space<hbm>>) target(%dma_start3A_381 : memref<16x128xf32, #tpu.memory_space<vmem>>) offsets(%get3A_378 : vector<16xi32>) semaphore(%arg11 : memref<!tpu.dma_semaphore, #tpu.memory_space<semaphore_mem>>)
        %get3A_385 = arith.index_cast %select_n3A_354 : i32 to index
        %get3A_386 = arith.constant 48 : index
        %get3A_387 = tpu.vector_load %arg5[%get3A_385, %get3A_386] {strides = array<i32>} : memref<64x256xi32, #tpu.memory_space<vmem>>, vector<1x16xi32>,
        %get3A_388 = vector.shape_cast %get3A_387 : vector<1x16xi32> to vector<16xi32>
        %dma_start3A_389 = arith.constant 48 : i32
        %dma_start3A_390 = arith.constant 0 : i32
        %dma_start3A_391 = tpu.memref_slice %arg7[%dma_start3A_389, %dma_start3A_390] : memref<208x128xf32, #tpu.memory_space<vmem>> -> memref<16x128xf32, #tpu.memory_space<vmem>>
        %dma_start3A_392 = arith.constant 0 : i32
        %dma_start3A_393 = arith.constant 0 : i32
        %dma_start3A_394 = tpu.memref_slice %arg3[%dma_start3A_392, %dma_start3A_393] : memref<1000000x128xf32, #tpu.memory_space<hbm>> -> memref<1000000x128xf32, #tpu.memory_space<hbm>>
        tpu.enqueue_indirect_dma source(%dma_start3A_394 : memref<1000000x128xf32, #tpu.memory_space<hbm>>) target(%dma_start3A_391 : memref<16x128xf32, #tpu.memory_space<vmem>>) offsets(%get3A_388 : vector<16xi32>) semaphore(%arg11 : memref<!tpu.dma_semaphore, #tpu.memory_space<semaphore_mem>>)
        %get3A_395 = arith.index_cast %select_n3A_354 : i32 to index
        %get3A_396 = arith.constant 64 : index
        %get3A_397 = tpu.vector_load %arg5[%get3A_395, %get3A_396] {strides = array<i32>} : memref<64x256xi32, #tpu.memory_space<vmem>>, vector<1x16xi32>,
        %get3A_398 = vector.shape_cast %get3A_397 : vector<1x16xi32> to vector<16xi32>
        %dma_start3A_399 = arith.constant 64 : i32
        %dma_start3A_400 = arith.constant 0 : i32
        %dma_start3A_401 = tpu.memref_slice %arg7[%dma_start3A_399, %dma_start3A_400] : memref<208x128xf32, #tpu.memory_space<vmem>> -> memref<16x128xf32, #tpu.memory_space<vmem>>
        %dma_start3A_402 = arith.constant 0 : i32
        %dma_start3A_403 = arith.constant 0 : i32
        %dma_start3A_404 = tpu.memref_slice %arg3[%dma_start3A_402, %dma_start3A_403] : memref<1000000x128xf32, #tpu.memory_space<hbm>> -> memref<1000000x128xf32, #tpu.memory_space<hbm>>
        tpu.enqueue_indirect_dma source(%dma_start3A_404 : memref<1000000x128xf32, #tpu.memory_space<hbm>>) target(%dma_start3A_401 : memref<16x128xf32, #tpu.memory_space<vmem>>) offsets(%get3A_398 : vector<16xi32>) semaphore(%arg11 : memref<!tpu.dma_semaphore, #tpu.memory_space<semaphore_mem>>)
        %get3A_405 = arith.index_cast %select_n3A_354 : i32 to index
        %get3A_406 = arith.constant 80 : index
        %get3A_407 = tpu.vector_load %arg5[%get3A_405, %get3A_406] {strides = array<i32>} : memref<64x256xi32, #tpu.memory_space<vmem>>, vector<1x16xi32>,
        %get3A_408 = vector.shape_cast %get3A_407 : vector<1x16xi32> to vector<16xi32>
        %dma_start3A_409 = arith.constant 80 : i32
        %dma_start3A_410 = arith.constant 0 : i32
        %dma_start3A_411 = tpu.memref_slice %arg7[%dma_start3A_409, %dma_start3A_410] : memref<208x128xf32, #tpu.memory_space<vmem>> -> memref<16x128xf32, #tpu.memory_space<vmem>>
        %dma_start3A_412 = arith.constant 0 : i32
        %dma_start3A_413 = arith.constant 0 : i32
        %dma_start3A_414 = tpu.memref_slice %arg3[%dma_start3A_412, %dma_start3A_413] : memref<1000000x128xf32, #tpu.memory_space<hbm>> -> memref<1000000x128xf32, #tpu.memory_space<hbm>>
        tpu.enqueue_indirect_dma source(%dma_start3A_414 : memref<1000000x128xf32, #tpu.memory_space<hbm>>) target(%dma_start3A_411 : memref<16x128xf32, #tpu.memory_space<vmem>>) offsets(%get3A_408 : vector<16xi32>) semaphore(%arg11 : memref<!tpu.dma_semaphore, #tpu.memory_space<semaphore_mem>>)
        %get3A_415 = arith.index_cast %select_n3A_354 : i32 to index
        %get3A_416 = arith.constant 96 : index
        %get3A_417 = tpu.vector_load %arg5[%get3A_415, %get3A_416] {strides = array<i32>} : memref<64x256xi32, #tpu.memory_space<vmem>>, vector<1x16xi32>,
        %get3A_418 = vector.shape_cast %get3A_417 : vector<1x16xi32> to vector<16xi32>
        %dma_start3A_419 = arith.constant 96 : i32
        %dma_start3A_420 = arith.constant 0 : i32
        %dma_start3A_421 = tpu.memref_slice %arg7[%dma_start3A_419, %dma_start3A_420] : memref<208x128xf32, #tpu.memory_space<vmem>> -> memref<16x128xf32, #tpu.memory_space<vmem>>
        %dma_start3A_422 = arith.constant 0 : i32
        %dma_start3A_423 = arith.constant 0 : i32
        %dma_start3A_424 = tpu.memref_slice %arg3[%dma_start3A_422, %dma_start3A_423] : memref<1000000x128xf32, #tpu.memory_space<hbm>> -> memref<1000000x128xf32, #tpu.memory_space<hbm>>
        tpu.enqueue_indirect_dma source(%dma_start3A_424 : memref<1000000x128xf32, #tpu.memory_space<hbm>>) target(%dma_start3A_421 : memref<16x128xf32, #tpu.memory_space<vmem>>) offsets(%get3A_418 : vector<16xi32>) semaphore(%arg11 : memref<!tpu.dma_semaphore, #tpu.memory_space<semaphore_mem>>)
        %get3A_425 = arith.index_cast %select_n3A_354 : i32 to index
        %get3A_426 = arith.constant 112 : index
        %get3A_427 = tpu.vector_load %arg5[%get3A_425, %get3A_426] {strides = array<i32>} : memref<64x256xi32, #tpu.memory_space<vmem>>, vector<1x16xi32>,
        %get3A_428 = vector.shape_cast %get3A_427 : vector<1x16xi32> to vector<16xi32>
        %dma_start3A_429 = arith.constant 112 : i32
        %dma_start3A_430 = arith.constant 0 : i32
        %dma_start3A_431 = tpu.memref_slice %arg7[%dma_start3A_429, %dma_start3A_430] : memref<208x128xf32, #tpu.memory_space<vmem>> -> memref<16x128xf32, #tpu.memory_space<vmem>>
        %dma_start3A_432 = arith.constant 0 : i32
        %dma_start3A_433 = arith.constant 0 : i32
        %dma_start3A_434 = tpu.memref_slice %arg3[%dma_start3A_432, %dma_start3A_433] : memref<1000000x128xf32, #tpu.memory_space<hbm>> -> memref<1000000x128xf32, #tpu.memory_space<hbm>>
        tpu.enqueue_indirect_dma source(%dma_start3A_434 : memref<1000000x128xf32, #tpu.memory_space<hbm>>) target(%dma_start3A_431 : memref<16x128xf32, #tpu.memory_space<vmem>>) offsets(%get3A_428 : vector<16xi32>) semaphore(%arg11 : memref<!tpu.dma_semaphore, #tpu.memory_space<semaphore_mem>>)
        %get3A_435 = arith.index_cast %select_n3A_354 : i32 to index
        %get3A_436 = arith.constant 128 : index
        %get3A_437 = tpu.vector_load %arg5[%get3A_435, %get3A_436] {strides = array<i32>} : memref<64x256xi32, #tpu.memory_space<vmem>>, vector<1x16xi32>,
        %get3A_438 = vector.shape_cast %get3A_437 : vector<1x16xi32> to vector<16xi32>
        %dma_start3A_439 = arith.constant 128 : i32
        %dma_start3A_440 = arith.constant 0 : i32
        %dma_start3A_441 = tpu.memref_slice %arg7[%dma_start3A_439, %dma_start3A_440] : memref<208x128xf32, #tpu.memory_space<vmem>> -> memref<16x128xf32, #tpu.memory_space<vmem>>
        %dma_start3A_442 = arith.constant 0 : i32
        %dma_start3A_443 = arith.constant 0 : i32
        %dma_start3A_444 = tpu.memref_slice %arg3[%dma_start3A_442, %dma_start3A_443] : memref<1000000x128xf32, #tpu.memory_space<hbm>> -> memref<1000000x128xf32, #tpu.memory_space<hbm>>
        tpu.enqueue_indirect_dma source(%dma_start3A_444 : memref<1000000x128xf32, #tpu.memory_space<hbm>>) target(%dma_start3A_441 : memref<16x128xf32, #tpu.memory_space<vmem>>) offsets(%get3A_438 : vector<16xi32>) semaphore(%arg11 : memref<!tpu.dma_semaphore, #tpu.memory_space<semaphore_mem>>)
        %get3A_445 = arith.index_cast %select_n3A_354 : i32 to index
        %get3A_446 = arith.constant 144 : index
        %get3A_447 = tpu.vector_load %arg5[%get3A_445, %get3A_446] {strides = array<i32>} : memref<64x256xi32, #tpu.memory_space<vmem>>, vector<1x16xi32>,
        %get3A_448 = vector.shape_cast %get3A_447 : vector<1x16xi32> to vector<16xi32>
        %dma_start3A_449 = arith.constant 144 : i32
        %dma_start3A_450 = arith.constant 0 : i32
        %dma_start3A_451 = tpu.memref_slice %arg7[%dma_start3A_449, %dma_start3A_450] : memref<208x128xf32, #tpu.memory_space<vmem>> -> memref<16x128xf32, #tpu.memory_space<vmem>>
        %dma_start3A_452 = arith.constant 0 : i32
        %dma_start3A_453 = arith.constant 0 : i32
        %dma_start3A_454 = tpu.memref_slice %arg3[%dma_start3A_452, %dma_start3A_453] : memref<1000000x128xf32, #tpu.memory_space<hbm>> -> memref<1000000x128xf32, #tpu.memory_space<hbm>>
        tpu.enqueue_indirect_dma source(%dma_start3A_454 : memref<1000000x128xf32, #tpu.memory_space<hbm>>) target(%dma_start3A_451 : memref<16x128xf32, #tpu.memory_space<vmem>>) offsets(%get3A_448 : vector<16xi32>) semaphore(%arg11 : memref<!tpu.dma_semaphore, #tpu.memory_space<semaphore_mem>>)
        %get3A_455 = arith.index_cast %select_n3A_354 : i32 to index
        %get3A_456 = arith.constant 160 : index
        %get3A_457 = tpu.vector_load %arg5[%get3A_455, %get3A_456] {strides = array<i32>} : memref<64x256xi32, #tpu.memory_space<vmem>>, vector<1x16xi32>,
        %get3A_458 = vector.shape_cast %get3A_457 : vector<1x16xi32> to vector<16xi32>
        %dma_start3A_459 = arith.constant 160 : i32
        %dma_start3A_460 = arith.constant 0 : i32
        %dma_start3A_461 = tpu.memref_slice %arg7[%dma_start3A_459, %dma_start3A_460] : memref<208x128xf32, #tpu.memory_space<vmem>> -> memref<16x128xf32, #tpu.memory_space<vmem>>
        %dma_start3A_462 = arith.constant 0 : i32
        %dma_start3A_463 = arith.constant 0 : i32
        %dma_start3A_464 = tpu.memref_slice %arg3[%dma_start3A_462, %dma_start3A_463] : memref<1000000x128xf32, #tpu.memory_space<hbm>> -> memref<1000000x128xf32, #tpu.memory_space<hbm>>
        tpu.enqueue_indirect_dma source(%dma_start3A_464 : memref<1000000x128xf32, #tpu.memory_space<hbm>>) target(%dma_start3A_461 : memref<16x128xf32, #tpu.memory_space<vmem>>) offsets(%get3A_458 : vector<16xi32>) semaphore(%arg11 : memref<!tpu.dma_semaphore, #tpu.memory_space<semaphore_mem>>)
        %get3A_465 = arith.index_cast %select_n3A_354 : i32 to index
        %get3A_466 = arith.constant 176 : index
        %get3A_467 = tpu.vector_load %arg5[%get3A_465, %get3A_466] {strides = array<i32>} : memref<64x256xi32, #tpu.memory_space<vmem>>, vector<1x16xi32>,
        %get3A_468 = vector.shape_cast %get3A_467 : vector<1x16xi32> to vector<16xi32>
        %dma_start3A_469 = arith.constant 176 : i32
        %dma_start3A_470 = arith.constant 0 : i32
        %dma_start3A_471 = tpu.memref_slice %arg7[%dma_start3A_469, %dma_start3A_470] : memref<208x128xf32, #tpu.memory_space<vmem>> -> memref<16x128xf32, #tpu.memory_space<vmem>>
        %dma_start3A_472 = arith.constant 0 : i32
        %dma_start3A_473 = arith.constant 0 : i32
        %dma_start3A_474 = tpu.memref_slice %arg3[%dma_start3A_472, %dma_start3A_473] : memref<1000000x128xf32, #tpu.memory_space<hbm>> -> memref<1000000x128xf32, #tpu.memory_space<hbm>>
        tpu.enqueue_indirect_dma source(%dma_start3A_474 : memref<1000000x128xf32, #tpu.memory_space<hbm>>) target(%dma_start3A_471 : memref<16x128xf32, #tpu.memory_space<vmem>>) offsets(%get3A_468 : vector<16xi32>) semaphore(%arg11 : memref<!tpu.dma_semaphore, #tpu.memory_space<semaphore_mem>>)
        %get3A_475 = arith.index_cast %select_n3A_354 : i32 to index
        %get3A_476 = arith.constant 184 : index
        %get3A_477 = tpu.vector_load %arg5[%get3A_475, %get3A_476] {strides = array<i32>} : memref<64x256xi32, #tpu.memory_space<vmem>>, vector<1x16xi32>,
        %get3A_478 = vector.shape_cast %get3A_477 : vector<1x16xi32> to vector<16xi32>
        %dma_start3A_479 = arith.constant 184 : i32
        %dma_start3A_480 = arith.constant 0 : i32
        %dma_start3A_481 = tpu.memref_slice %arg7[%dma_start3A_479, %dma_start3A_480] : memref<208x128xf32, #tpu.memory_space<vmem>> -> memref<16x128xf32, #tpu.memory_space<vmem>>
        %dma_start3A_482 = arith.constant 0 : i32
        %dma_start3A_483 = arith.constant 0 : i32
        %dma_start3A_484 = tpu.memref_slice %arg3[%dma_start3A_482, %dma_start3A_483] : memref<1000000x128xf32, #tpu.memory_space<hbm>> -> memref<1000000x128xf32, #tpu.memory_space<hbm>>
        tpu.enqueue_indirect_dma source(%dma_start3A_484 : memref<1000000x128xf32, #tpu.memory_space<hbm>>) target(%dma_start3A_481 : memref<16x128xf32, #tpu.memory_space<vmem>>) offsets(%get3A_478 : vector<16xi32>) semaphore(%arg11 : memref<!tpu.dma_semaphore, #tpu.memory_space<semaphore_mem>>)
      } else {
      }
      %ge3A = arith.constant 2 : i32
      %ge3A_214 = arith.cmpi sge, %add3A_166, %ge3A : i32
      %convert_element_type3A_215 = arith.extui %ge3A_214 : i1 to i32
      %cond3A_216 = arith.constant 0 : i32
      %cond3A_217 = arith.cmpi ne, %convert_element_type3A_215, %cond3A_216 : i32
      scf.if %cond3A_217 {
        %dma_wait3A_313 = arith.constant 0 : i32
        %dma_wait3A_314 = arith.constant 0 : i32
        %dma_wait3A_315 = tpu.memref_slice %arg4[%dma_wait3A_313, %dma_wait3A_314] : memref<819200x64xf32, #tpu.memory_space<hbm>> -> memref<200x64xf32, #tpu.memory_space<hbm>>
        %dma_wait3A_316 = arith.constant 0 : i32
        %dma_wait3A_317 = arith.constant 0 : i32
        %dma_wait3A_318 = tpu.memref_slice %arg4[%dma_wait3A_316, %dma_wait3A_317] : memref<819200x64xf32, #tpu.memory_space<hbm>> -> memref<200x64xf32, #tpu.memory_space<hbm>>
        tpu.wait_dma2 semaphore(%arg12 : memref<!tpu.dma_semaphore, #tpu.memory_space<semaphore_mem>>) src(%arg8 : memref<200x64xf32, #tpu.memory_space<vmem>>) dst(%dma_wait3A_318 : memref<200x64xf32, #tpu.memory_space<hbm>>)
      } else {
      }
      %scan3A_218 = arith.constant 0 : i32
      %scan3A_219 = arith.constant 0 : i32
      %scan3A_220 = arith.constant 25 : i32
      %scan3A_221 = arith.addi %scan3A_219, %scan3A_220 : i32
      %scan3A_222 = arith.constant 1 : i32
      scf.for %scan3A_313 = %scan3A_219 to %scan3A_221 step %scan3A_222  : i32 {
        %mul3A_314 = arith.constant 8 : i32
        %mul3A_315 = arith.muli %scan3A_313, %mul3A_314 : i32
        %add3A_316 = arith.constant 0 : i32
        %add3A_317 = arith.addi %mul3A_315, %add3A_316 : i32
        %get3A_318 = arith.index_cast %add3A_317 : i32 to index
        %get3A_319 = arith.constant 0 : index
        %get3A_320 = tpu.vector_load %arg6[%get3A_318, %get3A_319] {strides = array<i32>} : memref<208x128xf32, #tpu.memory_space<vmem>>, vector<1x16xf32>,
        %get3A_321 = vector.shape_cast %get3A_320 : vector<1x16xf32> to vector<16xf32>
        %mul3A_322 = arith.constant 8.000000e+00 : f32
        %mul3A_323 = vector.broadcast %mul3A_322 : f32 to vector<16xf32>
        %mul3A_324 = arith.mulf %get3A_321, %mul3A_323 : vector<16xf32>
        %add3A_325 = arith.constant 0 : i32
        %add3A_326 = arith.addi %mul3A_315, %add3A_325 : i32
        %swap3A = arith.index_cast %add3A_326 : i32 to index
        %swap3A_327 = arith.constant 0 : index
        %swap3A_328 = tpu.vector_load %arg8[%swap3A, %swap3A_327] {strides = array<i32>} : memref<200x64xf32, #tpu.memory_space<vmem>>, vector<1x16xf32>,
        %swap3A_329 = vector.shape_cast %swap3A_328 : vector<1x16xf32> to vector<16xf32>
        %swap3A_330 = vector.shape_cast %mul3A_324 : vector<16xf32> to vector<1x16xf32>
        tpu.vector_store %arg8[%swap3A, %swap3A_327], %swap3A_330 {strides = array<i32>} : memref<200x64xf32, #tpu.memory_space<vmem>>, vector<1x16xf32>,
        %add3A_331 = arith.constant 0 : i32
        %add3A_332 = arith.addi %mul3A_315, %add3A_331 : i32
        %get3A_333 = arith.index_cast %add3A_332 : i32 to index
        %get3A_334 = arith.constant 16 : index
        %get3A_335 = tpu.vector_load %arg6[%get3A_333, %get3A_334] {strides = array<i32>} : memref<208x128xf32, #tpu.memory_space<vmem>>, vector<1x16xf32>,
        %get3A_336 = vector.shape_cast %get3A_335 : vector<1x16xf32> to vector<16xf32>
        %mul3A_337 = arith.constant 8.000000e+00 : f32
        %mul3A_338 = vector.broadcast %mul3A_337 : f32 to vector<16xf32>
        %mul3A_339 = arith.mulf %get3A_336, %mul3A_338 : vector<16xf32>
        %add3A_340 = arith.constant 0 : i32
        %add3A_341 = arith.addi %mul3A_315, %add3A_340 : i32
        %swap3A_342 = arith.index_cast %add3A_341 : i32 to index
        %swap3A_343 = arith.constant 16 : index
        %swap3A_344 = tpu.vector_load %arg8[%swap3A_342, %swap3A_343] {strides = array<i32>} : memref<200x64xf32, #tpu.memory_space<vmem>>, vector<1x16xf32>,
        %swap3A_345 = vector.shape_cast %swap3A_344 : vector<1x16xf32> to vector<16xf32>
        %swap3A_346 = vector.shape_cast %mul3A_339 : vector<16xf32> to vector<1x16xf32>
        tpu.vector_store %arg8[%swap3A_342, %swap3A_343], %swap3A_346 {strides = array<i32>} : memref<200x64xf32, #tpu.memory_space<vmem>>, vector<1x16xf32>,
        %add3A_347 = arith.constant 0 : i32
        %add3A_348 = arith.addi %mul3A_315, %add3A_347 : i32
        %get3A_349 = arith.index_cast %add3A_348 : i32 to index
        %get3A_350 = arith.constant 32 : index
        %get3A_351 = tpu.vector_load %arg6[%get3A_349, %get3A_350] {strides = array<i32>} : memref<208x128xf32, #tpu.memory_space<vmem>>, vector<1x16xf32>,
        %get3A_352 = vector.shape_cast %get3A_351 : vector<1x16xf32> to vector<16xf32>
        %mul3A_353 = arith.constant 8.000000e+00 : f32
        %mul3A_354 = vector.broadcast %mul3A_353 : f32 to vector<16xf32>
        %mul3A_355 = arith.mulf %get3A_352, %mul3A_354 : vector<16xf32>
        %add3A_356 = arith.constant 0 : i32
        %add3A_357 = arith.addi %mul3A_315, %add3A_356 : i32
        %swap3A_358 = arith.index_cast %add3A_357 : i32 to index
        %swap3A_359 = arith.constant 32 : index
        %swap3A_360 = tpu.vector_load %arg8[%swap3A_358, %swap3A_359] {strides = array<i32>} : memref<200x64xf32, #tpu.memory_space<vmem>>, vector<1x16xf32>,
        %swap3A_361 = vector.shape_cast %swap3A_360 : vector<1x16xf32> to vector<16xf32>
        %swap3A_362 = vector.shape_cast %mul3A_355 : vector<16xf32> to vector<1x16xf32>
        tpu.vector_store %arg8[%swap3A_358, %swap3A_359], %swap3A_362 {strides = array<i32>} : memref<200x64xf32, #tpu.memory_space<vmem>>, vector<1x16xf32>,
        %add3A_363 = arith.constant 0 : i32
        %add3A_364 = arith.addi %mul3A_315, %add3A_363 : i32
        %get3A_365 = arith.index_cast %add3A_364 : i32 to index
        %get3A_366 = arith.constant 48 : index
        %get3A_367 = tpu.vector_load %arg6[%get3A_365, %get3A_366] {strides = array<i32>} : memref<208x128xf32, #tpu.memory_space<vmem>>, vector<1x16xf32>,
        %get3A_368 = vector.shape_cast %get3A_367 : vector<1x16xf32> to vector<16xf32>
        %mul3A_369 = arith.constant 8.000000e+00 : f32
        %mul3A_370 = vector.broadcast %mul3A_369 : f32 to vector<16xf32>
        %mul3A_371 = arith.mulf %get3A_368, %mul3A_370 : vector<16xf32>
        %add3A_372 = arith.constant 0 : i32
        %add3A_373 = arith.addi %mul3A_315, %add3A_372 : i32
        %swap3A_374 = arith.index_cast %add3A_373 : i32 to index
        %swap3A_375 = arith.constant 48 : index
        %swap3A_376 = tpu.vector_load %arg8[%swap3A_374, %swap3A_375] {strides = array<i32>} : memref<200x64xf32, #tpu.memory_space<vmem>>, vector<1x16xf32>,
        %swap3A_377 = vector.shape_cast %swap3A_376 : vector<1x16xf32> to vector<16xf32>
        %swap3A_378 = vector.shape_cast %mul3A_371 : vector<16xf32> to vector<1x16xf32>
        tpu.vector_store %arg8[%swap3A_374, %swap3A_375], %swap3A_378 {strides = array<i32>} : memref<200x64xf32, #tpu.memory_space<vmem>>, vector<1x16xf32>,
        %add3A_379 = arith.constant 1 : i32
        %add3A_380 = arith.addi %mul3A_315, %add3A_379 : i32
        %get3A_381 = arith.index_cast %add3A_380 : i32 to index
        %get3A_382 = arith.constant 0 : index
        %get3A_383 = tpu.vector_load %arg6[%get3A_381, %get3A_382] {strides = array<i32>} : memref<208x128xf32, #tpu.memory_space<vmem>>, vector<1x16xf32>,
        %get3A_384 = vector.shape_cast %get3A_383 : vector<1x16xf32> to vector<16xf32>
        %mul3A_385 = arith.constant 8.000000e+00 : f32
        %mul3A_386 = vector.broadcast %mul3A_385 : f32 to vector<16xf32>
        %mul3A_387 = arith.mulf %get3A_384, %mul3A_386 : vector<16xf32>
        %add3A_388 = arith.constant 1 : i32
        %add3A_389 = arith.addi %mul3A_315, %add3A_388 : i32
        %swap3A_390 = arith.index_cast %add3A_389 : i32 to index
        %swap3A_391 = arith.constant 0 : index
        %swap3A_392 = tpu.vector_load %arg8[%swap3A_390, %swap3A_391] {strides = array<i32>} : memref<200x64xf32, #tpu.memory_space<vmem>>, vector<1x16xf32>,
        %swap3A_393 = vector.shape_cast %swap3A_392 : vector<1x16xf32> to vector<16xf32>
        %swap3A_394 = vector.shape_cast %mul3A_387 : vector<16xf32> to vector<1x16xf32>
        tpu.vector_store %arg8[%swap3A_390, %swap3A_391], %swap3A_394 {strides = array<i32>} : memref<200x64xf32, #tpu.memory_space<vmem>>, vector<1x16xf32>,
        %add3A_395 = arith.constant 1 : i32
        %add3A_396 = arith.addi %mul3A_315, %add3A_395 : i32
        %get3A_397 = arith.index_cast %add3A_396 : i32 to index
        %get3A_398 = arith.constant 16 : index
        %get3A_399 = tpu.vector_load %arg6[%get3A_397, %get3A_398] {strides = array<i32>} : memref<208x128xf32, #tpu.memory_space<vmem>>, vector<1x16xf32>,
        %get3A_400 = vector.shape_cast %get3A_399 : vector<1x16xf32> to vector<16xf32>
        %mul3A_401 = arith.constant 8.000000e+00 : f32
        %mul3A_402 = vector.broadcast %mul3A_401 : f32 to vector<16xf32>
        %mul3A_403 = arith.mulf %get3A_400, %mul3A_402 : vector<16xf32>
        %add3A_404 = arith.constant 1 : i32
        %add3A_405 = arith.addi %mul3A_315, %add3A_404 : i32
        %swap3A_406 = arith.index_cast %add3A_405 : i32 to index
        %swap3A_407 = arith.constant 16 : index
        %swap3A_408 = tpu.vector_load %arg8[%swap3A_406, %swap3A_407] {strides = array<i32>} : memref<200x64xf32, #tpu.memory_space<vmem>>, vector<1x16xf32>,
        %swap3A_409 = vector.shape_cast %swap3A_408 : vector<1x16xf32> to vector<16xf32>
        %swap3A_410 = vector.shape_cast %mul3A_403 : vector<16xf32> to vector<1x16xf32>
        tpu.vector_store %arg8[%swap3A_406, %swap3A_407], %swap3A_410 {strides = array<i32>} : memref<200x64xf32, #tpu.memory_space<vmem>>, vector<1x16xf32>,
        %add3A_411 = arith.constant 1 : i32
        %add3A_412 = arith.addi %mul3A_315, %add3A_411 : i32
        %get3A_413 = arith.index_cast %add3A_412 : i32 to index
        %get3A_414 = arith.constant 32 : index
        %get3A_415 = tpu.vector_load %arg6[%get3A_413, %get3A_414] {strides = array<i32>} : memref<208x128xf32, #tpu.memory_space<vmem>>, vector<1x16xf32>,
        %get3A_416 = vector.shape_cast %get3A_415 : vector<1x16xf32> to vector<16xf32>
        %mul3A_417 = arith.constant 8.000000e+00 : f32
        %mul3A_418 = vector.broadcast %mul3A_417 : f32 to vector<16xf32>
        %mul3A_419 = arith.mulf %get3A_416, %mul3A_418 : vector<16xf32>
        %add3A_420 = arith.constant 1 : i32
        %add3A_421 = arith.addi %mul3A_315, %add3A_420 : i32
        %swap3A_422 = arith.index_cast %add3A_421 : i32 to index
        %swap3A_423 = arith.constant 32 : index
        %swap3A_424 = tpu.vector_load %arg8[%swap3A_422, %swap3A_423] {strides = array<i32>} : memref<200x64xf32, #tpu.memory_space<vmem>>, vector<1x16xf32>,
        %swap3A_425 = vector.shape_cast %swap3A_424 : vector<1x16xf32> to vector<16xf32>
        %swap3A_426 = vector.shape_cast %mul3A_419 : vector<16xf32> to vector<1x16xf32>
        tpu.vector_store %arg8[%swap3A_422, %swap3A_423], %swap3A_426 {strides = array<i32>} : memref<200x64xf32, #tpu.memory_space<vmem>>, vector<1x16xf32>,
        %add3A_427 = arith.constant 1 : i32
        %add3A_428 = arith.addi %mul3A_315, %add3A_427 : i32
        %get3A_429 = arith.index_cast %add3A_428 : i32 to index
        %get3A_430 = arith.constant 48 : index
        %get3A_431 = tpu.vector_load %arg6[%get3A_429, %get3A_430] {strides = array<i32>} : memref<208x128xf32, #tpu.memory_space<vmem>>, vector<1x16xf32>,
        %get3A_432 = vector.shape_cast %get3A_431 : vector<1x16xf32> to vector<16xf32>
        %mul3A_433 = arith.constant 8.000000e+00 : f32
        %mul3A_434 = vector.broadcast %mul3A_433 : f32 to vector<16xf32>
        %mul3A_435 = arith.mulf %get3A_432, %mul3A_434 : vector<16xf32>
        %add3A_436 = arith.constant 1 : i32
        %add3A_437 = arith.addi %mul3A_315, %add3A_436 : i32
        %swap3A_438 = arith.index_cast %add3A_437 : i32 to index
        %swap3A_439 = arith.constant 48 : index
        %swap3A_440 = tpu.vector_load %arg8[%swap3A_438, %swap3A_439] {strides = array<i32>} : memref<200x64xf32, #tpu.memory_space<vmem>>, vector<1x16xf32>,
        %swap3A_441 = vector.shape_cast %swap3A_440 : vector<1x16xf32> to vector<16xf32>
        %swap3A_442 = vector.shape_cast %mul3A_435 : vector<16xf32> to vector<1x16xf32>
        tpu.vector_store %arg8[%swap3A_438, %swap3A_439], %swap3A_442 {strides = array<i32>} : memref<200x64xf32, #tpu.memory_space<vmem>>, vector<1x16xf32>,
        %add3A_443 = arith.constant 2 : i32
        %add3A_444 = arith.addi %mul3A_315, %add3A_443 : i32
        %get3A_445 = arith.index_cast %add3A_444 : i32 to index
        %get3A_446 = arith.constant 0 : index
        %get3A_447 = tpu.vector_load %arg6[%get3A_445, %get3A_446] {strides = array<i32>} : memref<208x128xf32, #tpu.memory_space<vmem>>, vector<1x16xf32>,
        %get3A_448 = vector.shape_cast %get3A_447 : vector<1x16xf32> to vector<16xf32>
        %mul3A_449 = arith.constant 8.000000e+00 : f32
        %mul3A_450 = vector.broadcast %mul3A_449 : f32 to vector<16xf32>
        %mul3A_451 = arith.mulf %get3A_448, %mul3A_450 : vector<16xf32>
        %add3A_452 = arith.constant 2 : i32
        %add3A_453 = arith.addi %mul3A_315, %add3A_452 : i32
        %swap3A_454 = arith.index_cast %add3A_453 : i32 to index
        %swap3A_455 = arith.constant 0 : index
        %swap3A_456 = tpu.vector_load %arg8[%swap3A_454, %swap3A_455] {strides = array<i32>} : memref<200x64xf32, #tpu.memory_space<vmem>>, vector<1x16xf32>,
        %swap3A_457 = vector.shape_cast %swap3A_456 : vector<1x16xf32> to vector<16xf32>
        %swap3A_458 = vector.shape_cast %mul3A_451 : vector<16xf32> to vector<1x16xf32>
        tpu.vector_store %arg8[%swap3A_454, %swap3A_455], %swap3A_458 {strides = array<i32>} : memref<200x64xf32, #tpu.memory_space<vmem>>, vector<1x16xf32>,
        %add3A_459 = arith.constant 2 : i32
        %add3A_460 = arith.addi %mul3A_315, %add3A_459 : i32
        %get3A_461 = arith.index_cast %add3A_460 : i32 to index
        %get3A_462 = arith.constant 16 : index
        %get3A_463 = tpu.vector_load %arg6[%get3A_461, %get3A_462] {strides = array<i32>} : memref<208x128xf32, #tpu.memory_space<vmem>>, vector<1x16xf32>,
        %get3A_464 = vector.shape_cast %get3A_463 : vector<1x16xf32> to vector<16xf32>
        %mul3A_465 = arith.constant 8.000000e+00 : f32
        %mul3A_466 = vector.broadcast %mul3A_465 : f32 to vector<16xf32>
        %mul3A_467 = arith.mulf %get3A_464, %mul3A_466 : vector<16xf32>
        %add3A_468 = arith.constant 2 : i32
        %add3A_469 = arith.addi %mul3A_315, %add3A_468 : i32
        %swap3A_470 = arith.index_cast %add3A_469 : i32 to index
        %swap3A_471 = arith.constant 16 : index
        %swap3A_472 = tpu.vector_load %arg8[%swap3A_470, %swap3A_471] {strides = array<i32>} : memref<200x64xf32, #tpu.memory_space<vmem>>, vector<1x16xf32>,
        %swap3A_473 = vector.shape_cast %swap3A_472 : vector<1x16xf32> to vector<16xf32>
        %swap3A_474 = vector.shape_cast %mul3A_467 : vector<16xf32> to vector<1x16xf32>
        tpu.vector_store %arg8[%swap3A_470, %swap3A_471], %swap3A_474 {strides = array<i32>} : memref<200x64xf32, #tpu.memory_space<vmem>>, vector<1x16xf32>,
        %add3A_475 = arith.constant 2 : i32
        %add3A_476 = arith.addi %mul3A_315, %add3A_475 : i32
        %get3A_477 = arith.index_cast %add3A_476 : i32 to index
        %get3A_478 = arith.constant 32 : index
        %get3A_479 = tpu.vector_load %arg6[%get3A_477, %get3A_478] {strides = array<i32>} : memref<208x128xf32, #tpu.memory_space<vmem>>, vector<1x16xf32>,
        %get3A_480 = vector.shape_cast %get3A_479 : vector<1x16xf32> to vector<16xf32>
        %mul3A_481 = arith.constant 8.000000e+00 : f32
        %mul3A_482 = vector.broadcast %mul3A_481 : f32 to vector<16xf32>
        %mul3A_483 = arith.mulf %get3A_480, %mul3A_482 : vector<16xf32>
        %add3A_484 = arith.constant 2 : i32
        %add3A_485 = arith.addi %mul3A_315, %add3A_484 : i32
        %swap3A_486 = arith.index_cast %add3A_485 : i32 to index
        %swap3A_487 = arith.constant 32 : index
        %swap3A_488 = tpu.vector_load %arg8[%swap3A_486, %swap3A_487] {strides = array<i32>} : memref<200x64xf32, #tpu.memory_space<vmem>>, vector<1x16xf32>,
        %swap3A_489 = vector.shape_cast %swap3A_488 : vector<1x16xf32> to vector<16xf32>
        %swap3A_490 = vector.shape_cast %mul3A_483 : vector<16xf32> to vector<1x16xf32>
        tpu.vector_store %arg8[%swap3A_486, %swap3A_487], %swap3A_490 {strides = array<i32>} : memref<200x64xf32, #tpu.memory_space<vmem>>, vector<1x16xf32>,
        %add3A_491 = arith.constant 2 : i32
        %add3A_492 = arith.addi %mul3A_315, %add3A_491 : i32
        %get3A_493 = arith.index_cast %add3A_492 : i32 to index
        %get3A_494 = arith.constant 48 : index
        %get3A_495 = tpu.vector_load %arg6[%get3A_493, %get3A_494] {strides = array<i32>} : memref<208x128xf32, #tpu.memory_space<vmem>>, vector<1x16xf32>,
        %get3A_496 = vector.shape_cast %get3A_495 : vector<1x16xf32> to vector<16xf32>
        %mul3A_497 = arith.constant 8.000000e+00 : f32
        %mul3A_498 = vector.broadcast %mul3A_497 : f32 to vector<16xf32>
        %mul3A_499 = arith.mulf %get3A_496, %mul3A_498 : vector<16xf32>
        %add3A_500 = arith.constant 2 : i32
        %add3A_501 = arith.addi %mul3A_315, %add3A_500 : i32
        %swap3A_502 = arith.index_cast %add3A_501 : i32 to index
        %swap3A_503 = arith.constant 48 : index
        %swap3A_504 = tpu.vector_load %arg8[%swap3A_502, %swap3A_503] {strides = array<i32>} : memref<200x64xf32, #tpu.memory_space<vmem>>, vector<1x16xf32>,
        %swap3A_505 = vector.shape_cast %swap3A_504 : vector<1x16xf32> to vector<16xf32>
        %swap3A_506 = vector.shape_cast %mul3A_499 : vector<16xf32> to vector<1x16xf32>
        tpu.vector_store %arg8[%swap3A_502, %swap3A_503], %swap3A_506 {strides = array<i32>} : memref<200x64xf32, #tpu.memory_space<vmem>>, vector<1x16xf32>,
        %add3A_507 = arith.constant 3 : i32
        %add3A_508 = arith.addi %mul3A_315, %add3A_507 : i32
        %get3A_509 = arith.index_cast %add3A_508 : i32 to index
        %get3A_510 = arith.constant 0 : index
        %get3A_511 = tpu.vector_load %arg6[%get3A_509, %get3A_510] {strides = array<i32>} : memref<208x128xf32, #tpu.memory_space<vmem>>, vector<1x16xf32>,
        %get3A_512 = vector.shape_cast %get3A_511 : vector<1x16xf32> to vector<16xf32>
        %mul3A_513 = arith.constant 8.000000e+00 : f32
        %mul3A_514 = vector.broadcast %mul3A_513 : f32 to vector<16xf32>
        %mul3A_515 = arith.mulf %get3A_512, %mul3A_514 : vector<16xf32>
        %add3A_516 = arith.constant 3 : i32
        %add3A_517 = arith.addi %mul3A_315, %add3A_516 : i32
        %swap3A_518 = arith.index_cast %add3A_517 : i32 to index
        %swap3A_519 = arith.constant 0 : index
        %swap3A_520 = tpu.vector_load %arg8[%swap3A_518, %swap3A_519] {strides = array<i32>} : memref<200x64xf32, #tpu.memory_space<vmem>>, vector<1x16xf32>,
        %swap3A_521 = vector.shape_cast %swap3A_520 : vector<1x16xf32> to vector<16xf32>
        %swap3A_522 = vector.shape_cast %mul3A_515 : vector<16xf32> to vector<1x16xf32>
        tpu.vector_store %arg8[%swap3A_518, %swap3A_519], %swap3A_522 {strides = array<i32>} : memref<200x64xf32, #tpu.memory_space<vmem>>, vector<1x16xf32>,
        %add3A_523 = arith.constant 3 : i32
        %add3A_524 = arith.addi %mul3A_315, %add3A_523 : i32
        %get3A_525 = arith.index_cast %add3A_524 : i32 to index
        %get3A_526 = arith.constant 16 : index
        %get3A_527 = tpu.vector_load %arg6[%get3A_525, %get3A_526] {strides = array<i32>} : memref<208x128xf32, #tpu.memory_space<vmem>>, vector<1x16xf32>,
        %get3A_528 = vector.shape_cast %get3A_527 : vector<1x16xf32> to vector<16xf32>
        %mul3A_529 = arith.constant 8.000000e+00 : f32
        %mul3A_530 = vector.broadcast %mul3A_529 : f32 to vector<16xf32>
        %mul3A_531 = arith.mulf %get3A_528, %mul3A_530 : vector<16xf32>
        %add3A_532 = arith.constant 3 : i32
        %add3A_533 = arith.addi %mul3A_315, %add3A_532 : i32
        %swap3A_534 = arith.index_cast %add3A_533 : i32 to index
        %swap3A_535 = arith.constant 16 : index
        %swap3A_536 = tpu.vector_load %arg8[%swap3A_534, %swap3A_535] {strides = array<i32>} : memref<200x64xf32, #tpu.memory_space<vmem>>, vector<1x16xf32>,
        %swap3A_537 = vector.shape_cast %swap3A_536 : vector<1x16xf32> to vector<16xf32>
        %swap3A_538 = vector.shape_cast %mul3A_531 : vector<16xf32> to vector<1x16xf32>
        tpu.vector_store %arg8[%swap3A_534, %swap3A_535], %swap3A_538 {strides = array<i32>} : memref<200x64xf32, #tpu.memory_space<vmem>>, vector<1x16xf32>,
        %add3A_539 = arith.constant 3 : i32
        %add3A_540 = arith.addi %mul3A_315, %add3A_539 : i32
        %get3A_541 = arith.index_cast %add3A_540 : i32 to index
        %get3A_542 = arith.constant 32 : index
        %get3A_543 = tpu.vector_load %arg6[%get3A_541, %get3A_542] {strides = array<i32>} : memref<208x128xf32, #tpu.memory_space<vmem>>, vector<1x16xf32>,
        %get3A_544 = vector.shape_cast %get3A_543 : vector<1x16xf32> to vector<16xf32>
        %mul3A_545 = arith.constant 8.000000e+00 : f32
        %mul3A_546 = vector.broadcast %mul3A_545 : f32 to vector<16xf32>
        %mul3A_547 = arith.mulf %get3A_544, %mul3A_546 : vector<16xf32>
        %add3A_548 = arith.constant 3 : i32
        %add3A_549 = arith.addi %mul3A_315, %add3A_548 : i32
        %swap3A_550 = arith.index_cast %add3A_549 : i32 to index
        %swap3A_551 = arith.constant 32 : index
        %swap3A_552 = tpu.vector_load %arg8[%swap3A_550, %swap3A_551] {strides = array<i32>} : memref<200x64xf32, #tpu.memory_space<vmem>>, vector<1x16xf32>,
        %swap3A_553 = vector.shape_cast %swap3A_552 : vector<1x16xf32> to vector<16xf32>
        %swap3A_554 = vector.shape_cast %mul3A_547 : vector<16xf32> to vector<1x16xf32>
        tpu.vector_store %arg8[%swap3A_550, %swap3A_551], %swap3A_554 {strides = array<i32>} : memref<200x64xf32, #tpu.memory_space<vmem>>, vector<1x16xf32>,
        %add3A_555 = arith.constant 3 : i32
        %add3A_556 = arith.addi %mul3A_315, %add3A_555 : i32
        %get3A_557 = arith.index_cast %add3A_556 : i32 to index
        %get3A_558 = arith.constant 48 : index
        %get3A_559 = tpu.vector_load %arg6[%get3A_557, %get3A_558] {strides = array<i32>} : memref<208x128xf32, #tpu.memory_space<vmem>>, vector<1x16xf32>,
        %get3A_560 = vector.shape_cast %get3A_559 : vector<1x16xf32> to vector<16xf32>
        %mul3A_561 = arith.constant 8.000000e+00 : f32
        %mul3A_562 = vector.broadcast %mul3A_561 : f32 to vector<16xf32>
        %mul3A_563 = arith.mulf %get3A_560, %mul3A_562 : vector<16xf32>
        %add3A_564 = arith.constant 3 : i32
        %add3A_565 = arith.addi %mul3A_315, %add3A_564 : i32
        %swap3A_566 = arith.index_cast %add3A_565 : i32 to index
        %swap3A_567 = arith.constant 48 : index
        %swap3A_568 = tpu.vector_load %arg8[%swap3A_566, %swap3A_567] {strides = array<i32>} : memref<200x64xf32, #tpu.memory_space<vmem>>, vector<1x16xf32>,
        %swap3A_569 = vector.shape_cast %swap3A_568 : vector<1x16xf32> to vector<16xf32>
        %swap3A_570 = vector.shape_cast %mul3A_563 : vector<16xf32> to vector<1x16xf32>
        tpu.vector_store %arg8[%swap3A_566, %swap3A_567], %swap3A_570 {strides = array<i32>} : memref<200x64xf32, #tpu.memory_space<vmem>>, vector<1x16xf32>,
        %add3A_571 = arith.constant 4 : i32
        %add3A_572 = arith.addi %mul3A_315, %add3A_571 : i32
        %get3A_573 = arith.index_cast %add3A_572 : i32 to index
        %get3A_574 = arith.constant 0 : index
        %get3A_575 = tpu.vector_load %arg6[%get3A_573, %get3A_574] {strides = array<i32>} : memref<208x128xf32, #tpu.memory_space<vmem>>, vector<1x16xf32>,
        %get3A_576 = vector.shape_cast %get3A_575 : vector<1x16xf32> to vector<16xf32>
        %mul3A_577 = arith.constant 8.000000e+00 : f32
        %mul3A_578 = vector.broadcast %mul3A_577 : f32 to vector<16xf32>
        %mul3A_579 = arith.mulf %get3A_576, %mul3A_578 : vector<16xf32>
        %add3A_580 = arith.constant 4 : i32
        %add3A_581 = arith.addi %mul3A_315, %add3A_580 : i32
        %swap3A_582 = arith.index_cast %add3A_581 : i32 to index
        %swap3A_583 = arith.constant 0 : index
        %swap3A_584 = tpu.vector_load %arg8[%swap3A_582, %swap3A_583] {strides = array<i32>} : memref<200x64xf32, #tpu.memory_space<vmem>>, vector<1x16xf32>,
        %swap3A_585 = vector.shape_cast %swap3A_584 : vector<1x16xf32> to vector<16xf32>
        %swap3A_586 = vector.shape_cast %mul3A_579 : vector<16xf32> to vector<1x16xf32>
        tpu.vector_store %arg8[%swap3A_582, %swap3A_583], %swap3A_586 {strides = array<i32>} : memref<200x64xf32, #tpu.memory_space<vmem>>, vector<1x16xf32>,
        %add3A_587 = arith.constant 4 : i32
        %add3A_588 = arith.addi %mul3A_315, %add3A_587 : i32
        %get3A_589 = arith.index_cast %add3A_588 : i32 to index
        %get3A_590 = arith.constant 16 : index
        %get3A_591 = tpu.vector_load %arg6[%get3A_589, %get3A_590] {strides = array<i32>} : memref<208x128xf32, #tpu.memory_space<vmem>>, vector<1x16xf32>,
        %get3A_592 = vector.shape_cast %get3A_591 : vector<1x16xf32> to vector<16xf32>
        %mul3A_593 = arith.constant 8.000000e+00 : f32
        %mul3A_594 = vector.broadcast %mul3A_593 : f32 to vector<16xf32>
        %mul3A_595 = arith.mulf %get3A_592, %mul3A_594 : vector<16xf32>
        %add3A_596 = arith.constant 4 : i32
        %add3A_597 = arith.addi %mul3A_315, %add3A_596 : i32
        %swap3A_598 = arith.index_cast %add3A_597 : i32 to index
        %swap3A_599 = arith.constant 16 : index
        %swap3A_600 = tpu.vector_load %arg8[%swap3A_598, %swap3A_599] {strides = array<i32>} : memref<200x64xf32, #tpu.memory_space<vmem>>, vector<1x16xf32>,
        %swap3A_601 = vector.shape_cast %swap3A_600 : vector<1x16xf32> to vector<16xf32>
        %swap3A_602 = vector.shape_cast %mul3A_595 : vector<16xf32> to vector<1x16xf32>
        tpu.vector_store %arg8[%swap3A_598, %swap3A_599], %swap3A_602 {strides = array<i32>} : memref<200x64xf32, #tpu.memory_space<vmem>>, vector<1x16xf32>,
        %add3A_603 = arith.constant 4 : i32
        %add3A_604 = arith.addi %mul3A_315, %add3A_603 : i32
        %get3A_605 = arith.index_cast %add3A_604 : i32 to index
        %get3A_606 = arith.constant 32 : index
        %get3A_607 = tpu.vector_load %arg6[%get3A_605, %get3A_606] {strides = array<i32>} : memref<208x128xf32, #tpu.memory_space<vmem>>, vector<1x16xf32>,
        %get3A_608 = vector.shape_cast %get3A_607 : vector<1x16xf32> to vector<16xf32>
        %mul3A_609 = arith.constant 8.000000e+00 : f32
        %mul3A_610 = vector.broadcast %mul3A_609 : f32 to vector<16xf32>
        %mul3A_611 = arith.mulf %get3A_608, %mul3A_610 : vector<16xf32>
        %add3A_612 = arith.constant 4 : i32
        %add3A_613 = arith.addi %mul3A_315, %add3A_612 : i32
        %swap3A_614 = arith.index_cast %add3A_613 : i32 to index
        %swap3A_615 = arith.constant 32 : index
        %swap3A_616 = tpu.vector_load %arg8[%swap3A_614, %swap3A_615] {strides = array<i32>} : memref<200x64xf32, #tpu.memory_space<vmem>>, vector<1x16xf32>,
        %swap3A_617 = vector.shape_cast %swap3A_616 : vector<1x16xf32> to vector<16xf32>
        %swap3A_618 = vector.shape_cast %mul3A_611 : vector<16xf32> to vector<1x16xf32>
        tpu.vector_store %arg8[%swap3A_614, %swap3A_615], %swap3A_618 {strides = array<i32>} : memref<200x64xf32, #tpu.memory_space<vmem>>, vector<1x16xf32>,
        %add3A_619 = arith.constant 4 : i32
        %add3A_620 = arith.addi %mul3A_315, %add3A_619 : i32
        %get3A_621 = arith.index_cast %add3A_620 : i32 to index
        %get3A_622 = arith.constant 48 : index
        %get3A_623 = tpu.vector_load %arg6[%get3A_621, %get3A_622] {strides = array<i32>} : memref<208x128xf32, #tpu.memory_space<vmem>>, vector<1x16xf32>,
        %get3A_624 = vector.shape_cast %get3A_623 : vector<1x16xf32> to vector<16xf32>
        %mul3A_625 = arith.constant 8.000000e+00 : f32
        %mul3A_626 = vector.broadcast %mul3A_625 : f32 to vector<16xf32>
        %mul3A_627 = arith.mulf %get3A_624, %mul3A_626 : vector<16xf32>
        %add3A_628 = arith.constant 4 : i32
        %add3A_629 = arith.addi %mul3A_315, %add3A_628 : i32
        %swap3A_630 = arith.index_cast %add3A_629 : i32 to index
        %swap3A_631 = arith.constant 48 : index
        %swap3A_632 = tpu.vector_load %arg8[%swap3A_630, %swap3A_631] {strides = array<i32>} : memref<200x64xf32, #tpu.memory_space<vmem>>, vector<1x16xf32>,
        %swap3A_633 = vector.shape_cast %swap3A_632 : vector<1x16xf32> to vector<16xf32>
        %swap3A_634 = vector.shape_cast %mul3A_627 : vector<16xf32> to vector<1x16xf32>
        tpu.vector_store %arg8[%swap3A_630, %swap3A_631], %swap3A_634 {strides = array<i32>} : memref<200x64xf32, #tpu.memory_space<vmem>>, vector<1x16xf32>,
        %add3A_635 = arith.constant 5 : i32
        %add3A_636 = arith.addi %mul3A_315, %add3A_635 : i32
        %get3A_637 = arith.index_cast %add3A_636 : i32 to index
        %get3A_638 = arith.constant 0 : index
        %get3A_639 = tpu.vector_load %arg6[%get3A_637, %get3A_638] {strides = array<i32>} : memref<208x128xf32, #tpu.memory_space<vmem>>, vector<1x16xf32>,
        %get3A_640 = vector.shape_cast %get3A_639 : vector<1x16xf32> to vector<16xf32>
        %mul3A_641 = arith.constant 8.000000e+00 : f32
        %mul3A_642 = vector.broadcast %mul3A_641 : f32 to vector<16xf32>
        %mul3A_643 = arith.mulf %get3A_640, %mul3A_642 : vector<16xf32>
        %add3A_644 = arith.constant 5 : i32
        %add3A_645 = arith.addi %mul3A_315, %add3A_644 : i32
        %swap3A_646 = arith.index_cast %add3A_645 : i32 to index
        %swap3A_647 = arith.constant 0 : index
        %swap3A_648 = tpu.vector_load %arg8[%swap3A_646, %swap3A_647] {strides = array<i32>} : memref<200x64xf32, #tpu.memory_space<vmem>>, vector<1x16xf32>,
        %swap3A_649 = vector.shape_cast %swap3A_648 : vector<1x16xf32> to vector<16xf32>
        %swap3A_650 = vector.shape_cast %mul3A_643 : vector<16xf32> to vector<1x16xf32>
        tpu.vector_store %arg8[%swap3A_646, %swap3A_647], %swap3A_650 {strides = array<i32>} : memref<200x64xf32, #tpu.memory_space<vmem>>, vector<1x16xf32>,
        %add3A_651 = arith.constant 5 : i32
        %add3A_652 = arith.addi %mul3A_315, %add3A_651 : i32
        %get3A_653 = arith.index_cast %add3A_652 : i32 to index
        %get3A_654 = arith.constant 16 : index
        %get3A_655 = tpu.vector_load %arg6[%get3A_653, %get3A_654] {strides = array<i32>} : memref<208x128xf32, #tpu.memory_space<vmem>>, vector<1x16xf32>,
        %get3A_656 = vector.shape_cast %get3A_655 : vector<1x16xf32> to vector<16xf32>
        %mul3A_657 = arith.constant 8.000000e+00 : f32
        %mul3A_658 = vector.broadcast %mul3A_657 : f32 to vector<16xf32>
        %mul3A_659 = arith.mulf %get3A_656, %mul3A_658 : vector<16xf32>
        %add3A_660 = arith.constant 5 : i32
        %add3A_661 = arith.addi %mul3A_315, %add3A_660 : i32
        %swap3A_662 = arith.index_cast %add3A_661 : i32 to index
        %swap3A_663 = arith.constant 16 : index
        %swap3A_664 = tpu.vector_load %arg8[%swap3A_662, %swap3A_663] {strides = array<i32>} : memref<200x64xf32, #tpu.memory_space<vmem>>, vector<1x16xf32>,
        %swap3A_665 = vector.shape_cast %swap3A_664 : vector<1x16xf32> to vector<16xf32>
        %swap3A_666 = vector.shape_cast %mul3A_659 : vector<16xf32> to vector<1x16xf32>
        tpu.vector_store %arg8[%swap3A_662, %swap3A_663], %swap3A_666 {strides = array<i32>} : memref<200x64xf32, #tpu.memory_space<vmem>>, vector<1x16xf32>,
        %add3A_667 = arith.constant 5 : i32
        %add3A_668 = arith.addi %mul3A_315, %add3A_667 : i32
        %get3A_669 = arith.index_cast %add3A_668 : i32 to index
        %get3A_670 = arith.constant 32 : index
        %get3A_671 = tpu.vector_load %arg6[%get3A_669, %get3A_670] {strides = array<i32>} : memref<208x128xf32, #tpu.memory_space<vmem>>, vector<1x16xf32>,
        %get3A_672 = vector.shape_cast %get3A_671 : vector<1x16xf32> to vector<16xf32>
        %mul3A_673 = arith.constant 8.000000e+00 : f32
        %mul3A_674 = vector.broadcast %mul3A_673 : f32 to vector<16xf32>
        %mul3A_675 = arith.mulf %get3A_672, %mul3A_674 : vector<16xf32>
        %add3A_676 = arith.constant 5 : i32
        %add3A_677 = arith.addi %mul3A_315, %add3A_676 : i32
        %swap3A_678 = arith.index_cast %add3A_677 : i32 to index
        %swap3A_679 = arith.constant 32 : index
        %swap3A_680 = tpu.vector_load %arg8[%swap3A_678, %swap3A_679] {strides = array<i32>} : memref<200x64xf32, #tpu.memory_space<vmem>>, vector<1x16xf32>,
        %swap3A_681 = vector.shape_cast %swap3A_680 : vector<1x16xf32> to vector<16xf32>
        %swap3A_682 = vector.shape_cast %mul3A_675 : vector<16xf32> to vector<1x16xf32>
        tpu.vector_store %arg8[%swap3A_678, %swap3A_679], %swap3A_682 {strides = array<i32>} : memref<200x64xf32, #tpu.memory_space<vmem>>, vector<1x16xf32>,
        %add3A_683 = arith.constant 5 : i32
        %add3A_684 = arith.addi %mul3A_315, %add3A_683 : i32
        %get3A_685 = arith.index_cast %add3A_684 : i32 to index
        %get3A_686 = arith.constant 48 : index
        %get3A_687 = tpu.vector_load %arg6[%get3A_685, %get3A_686] {strides = array<i32>} : memref<208x128xf32, #tpu.memory_space<vmem>>, vector<1x16xf32>,
        %get3A_688 = vector.shape_cast %get3A_687 : vector<1x16xf32> to vector<16xf32>
        %mul3A_689 = arith.constant 8.000000e+00 : f32
        %mul3A_690 = vector.broadcast %mul3A_689 : f32 to vector<16xf32>
        %mul3A_691 = arith.mulf %get3A_688, %mul3A_690 : vector<16xf32>
        %add3A_692 = arith.constant 5 : i32
        %add3A_693 = arith.addi %mul3A_315, %add3A_692 : i32
        %swap3A_694 = arith.index_cast %add3A_693 : i32 to index
        %swap3A_695 = arith.constant 48 : index
        %swap3A_696 = tpu.vector_load %arg8[%swap3A_694, %swap3A_695] {strides = array<i32>} : memref<200x64xf32, #tpu.memory_space<vmem>>, vector<1x16xf32>,
        %swap3A_697 = vector.shape_cast %swap3A_696 : vector<1x16xf32> to vector<16xf32>
        %swap3A_698 = vector.shape_cast %mul3A_691 : vector<16xf32> to vector<1x16xf32>
        tpu.vector_store %arg8[%swap3A_694, %swap3A_695], %swap3A_698 {strides = array<i32>} : memref<200x64xf32, #tpu.memory_space<vmem>>, vector<1x16xf32>,
        %add3A_699 = arith.constant 6 : i32
        %add3A_700 = arith.addi %mul3A_315, %add3A_699 : i32
        %get3A_701 = arith.index_cast %add3A_700 : i32 to index
        %get3A_702 = arith.constant 0 : index
        %get3A_703 = tpu.vector_load %arg6[%get3A_701, %get3A_702] {strides = array<i32>} : memref<208x128xf32, #tpu.memory_space<vmem>>, vector<1x16xf32>,
        %get3A_704 = vector.shape_cast %get3A_703 : vector<1x16xf32> to vector<16xf32>
        %mul3A_705 = arith.constant 8.000000e+00 : f32
        %mul3A_706 = vector.broadcast %mul3A_705 : f32 to vector<16xf32>
        %mul3A_707 = arith.mulf %get3A_704, %mul3A_706 : vector<16xf32>
        %add3A_708 = arith.constant 6 : i32
        %add3A_709 = arith.addi %mul3A_315, %add3A_708 : i32
        %swap3A_710 = arith.index_cast %add3A_709 : i32 to index
        %swap3A_711 = arith.constant 0 : index
        %swap3A_712 = tpu.vector_load %arg8[%swap3A_710, %swap3A_711] {strides = array<i32>} : memref<200x64xf32, #tpu.memory_space<vmem>>, vector<1x16xf32>,
        %swap3A_713 = vector.shape_cast %swap3A_712 : vector<1x16xf32> to vector<16xf32>
        %swap3A_714 = vector.shape_cast %mul3A_707 : vector<16xf32> to vector<1x16xf32>
        tpu.vector_store %arg8[%swap3A_710, %swap3A_711], %swap3A_714 {strides = array<i32>} : memref<200x64xf32, #tpu.memory_space<vmem>>, vector<1x16xf32>,
        %add3A_715 = arith.constant 6 : i32
        %add3A_716 = arith.addi %mul3A_315, %add3A_715 : i32
        %get3A_717 = arith.index_cast %add3A_716 : i32 to index
        %get3A_718 = arith.constant 16 : index
        %get3A_719 = tpu.vector_load %arg6[%get3A_717, %get3A_718] {strides = array<i32>} : memref<208x128xf32, #tpu.memory_space<vmem>>, vector<1x16xf32>,
        %get3A_720 = vector.shape_cast %get3A_719 : vector<1x16xf32> to vector<16xf32>
        %mul3A_721 = arith.constant 8.000000e+00 : f32
        %mul3A_722 = vector.broadcast %mul3A_721 : f32 to vector<16xf32>
        %mul3A_723 = arith.mulf %get3A_720, %mul3A_722 : vector<16xf32>
        %add3A_724 = arith.constant 6 : i32
        %add3A_725 = arith.addi %mul3A_315, %add3A_724 : i32
        %swap3A_726 = arith.index_cast %add3A_725 : i32 to index
        %swap3A_727 = arith.constant 16 : index
        %swap3A_728 = tpu.vector_load %arg8[%swap3A_726, %swap3A_727] {strides = array<i32>} : memref<200x64xf32, #tpu.memory_space<vmem>>, vector<1x16xf32>,
        %swap3A_729 = vector.shape_cast %swap3A_728 : vector<1x16xf32> to vector<16xf32>
        %swap3A_730 = vector.shape_cast %mul3A_723 : vector<16xf32> to vector<1x16xf32>
        tpu.vector_store %arg8[%swap3A_726, %swap3A_727], %swap3A_730 {strides = array<i32>} : memref<200x64xf32, #tpu.memory_space<vmem>>, vector<1x16xf32>,
        %add3A_731 = arith.constant 6 : i32
        %add3A_732 = arith.addi %mul3A_315, %add3A_731 : i32
        %get3A_733 = arith.index_cast %add3A_732 : i32 to index
        %get3A_734 = arith.constant 32 : index
        %get3A_735 = tpu.vector_load %arg6[%get3A_733, %get3A_734] {strides = array<i32>} : memref<208x128xf32, #tpu.memory_space<vmem>>, vector<1x16xf32>,
        %get3A_736 = vector.shape_cast %get3A_735 : vector<1x16xf32> to vector<16xf32>
        %mul3A_737 = arith.constant 8.000000e+00 : f32
        %mul3A_738 = vector.broadcast %mul3A_737 : f32 to vector<16xf32>
        %mul3A_739 = arith.mulf %get3A_736, %mul3A_738 : vector<16xf32>
        %add3A_740 = arith.constant 6 : i32
        %add3A_741 = arith.addi %mul3A_315, %add3A_740 : i32
        %swap3A_742 = arith.index_cast %add3A_741 : i32 to index
        %swap3A_743 = arith.constant 32 : index
        %swap3A_744 = tpu.vector_load %arg8[%swap3A_742, %swap3A_743] {strides = array<i32>} : memref<200x64xf32, #tpu.memory_space<vmem>>, vector<1x16xf32>,
        %swap3A_745 = vector.shape_cast %swap3A_744 : vector<1x16xf32> to vector<16xf32>
        %swap3A_746 = vector.shape_cast %mul3A_739 : vector<16xf32> to vector<1x16xf32>
        tpu.vector_store %arg8[%swap3A_742, %swap3A_743], %swap3A_746 {strides = array<i32>} : memref<200x64xf32, #tpu.memory_space<vmem>>, vector<1x16xf32>,
        %add3A_747 = arith.constant 6 : i32
        %add3A_748 = arith.addi %mul3A_315, %add3A_747 : i32
        %get3A_749 = arith.index_cast %add3A_748 : i32 to index
        %get3A_750 = arith.constant 48 : index
        %get3A_751 = tpu.vector_load %arg6[%get3A_749, %get3A_750] {strides = array<i32>} : memref<208x128xf32, #tpu.memory_space<vmem>>, vector<1x16xf32>,
        %get3A_752 = vector.shape_cast %get3A_751 : vector<1x16xf32> to vector<16xf32>
        %mul3A_753 = arith.constant 8.000000e+00 : f32
        %mul3A_754 = vector.broadcast %mul3A_753 : f32 to vector<16xf32>
        %mul3A_755 = arith.mulf %get3A_752, %mul3A_754 : vector<16xf32>
        %add3A_756 = arith.constant 6 : i32
        %add3A_757 = arith.addi %mul3A_315, %add3A_756 : i32
        %swap3A_758 = arith.index_cast %add3A_757 : i32 to index
        %swap3A_759 = arith.constant 48 : index
        %swap3A_760 = tpu.vector_load %arg8[%swap3A_758, %swap3A_759] {strides = array<i32>} : memref<200x64xf32, #tpu.memory_space<vmem>>, vector<1x16xf32>,
        %swap3A_761 = vector.shape_cast %swap3A_760 : vector<1x16xf32> to vector<16xf32>
        %swap3A_762 = vector.shape_cast %mul3A_755 : vector<16xf32> to vector<1x16xf32>
        tpu.vector_store %arg8[%swap3A_758, %swap3A_759], %swap3A_762 {strides = array<i32>} : memref<200x64xf32, #tpu.memory_space<vmem>>, vector<1x16xf32>,
        %add3A_763 = arith.constant 7 : i32
        %add3A_764 = arith.addi %mul3A_315, %add3A_763 : i32
        %get3A_765 = arith.index_cast %add3A_764 : i32 to index
        %get3A_766 = arith.constant 0 : index
        %get3A_767 = tpu.vector_load %arg6[%get3A_765, %get3A_766] {strides = array<i32>} : memref<208x128xf32, #tpu.memory_space<vmem>>, vector<1x16xf32>,
        %get3A_768 = vector.shape_cast %get3A_767 : vector<1x16xf32> to vector<16xf32>
        %mul3A_769 = arith.constant 8.000000e+00 : f32
        %mul3A_770 = vector.broadcast %mul3A_769 : f32 to vector<16xf32>
        %mul3A_771 = arith.mulf %get3A_768, %mul3A_770 : vector<16xf32>
        %add3A_772 = arith.constant 7 : i32
        %add3A_773 = arith.addi %mul3A_315, %add3A_772 : i32
        %swap3A_774 = arith.index_cast %add3A_773 : i32 to index
        %swap3A_775 = arith.constant 0 : index
        %swap3A_776 = tpu.vector_load %arg8[%swap3A_774, %swap3A_775] {strides = array<i32>} : memref<200x64xf32, #tpu.memory_space<vmem>>, vector<1x16xf32>,
        %swap3A_777 = vector.shape_cast %swap3A_776 : vector<1x16xf32> to vector<16xf32>
        %swap3A_778 = vector.shape_cast %mul3A_771 : vector<16xf32> to vector<1x16xf32>
        tpu.vector_store %arg8[%swap3A_774, %swap3A_775], %swap3A_778 {strides = array<i32>} : memref<200x64xf32, #tpu.memory_space<vmem>>, vector<1x16xf32>,
        %add3A_779 = arith.constant 7 : i32
        %add3A_780 = arith.addi %mul3A_315, %add3A_779 : i32
        %get3A_781 = arith.index_cast %add3A_780 : i32 to index
        %get3A_782 = arith.constant 16 : index
        %get3A_783 = tpu.vector_load %arg6[%get3A_781, %get3A_782] {strides = array<i32>} : memref<208x128xf32, #tpu.memory_space<vmem>>, vector<1x16xf32>,
        %get3A_784 = vector.shape_cast %get3A_783 : vector<1x16xf32> to vector<16xf32>
        %mul3A_785 = arith.constant 8.000000e+00 : f32
        %mul3A_786 = vector.broadcast %mul3A_785 : f32 to vector<16xf32>
        %mul3A_787 = arith.mulf %get3A_784, %mul3A_786 : vector<16xf32>
        %add3A_788 = arith.constant 7 : i32
        %add3A_789 = arith.addi %mul3A_315, %add3A_788 : i32
        %swap3A_790 = arith.index_cast %add3A_789 : i32 to index
        %swap3A_791 = arith.constant 16 : index
        %swap3A_792 = tpu.vector_load %arg8[%swap3A_790, %swap3A_791] {strides = array<i32>} : memref<200x64xf32, #tpu.memory_space<vmem>>, vector<1x16xf32>,
        %swap3A_793 = vector.shape_cast %swap3A_792 : vector<1x16xf32> to vector<16xf32>
        %swap3A_794 = vector.shape_cast %mul3A_787 : vector<16xf32> to vector<1x16xf32>
        tpu.vector_store %arg8[%swap3A_790, %swap3A_791], %swap3A_794 {strides = array<i32>} : memref<200x64xf32, #tpu.memory_space<vmem>>, vector<1x16xf32>,
        %add3A_795 = arith.constant 7 : i32
        %add3A_796 = arith.addi %mul3A_315, %add3A_795 : i32
        %get3A_797 = arith.index_cast %add3A_796 : i32 to index
        %get3A_798 = arith.constant 32 : index
        %get3A_799 = tpu.vector_load %arg6[%get3A_797, %get3A_798] {strides = array<i32>} : memref<208x128xf32, #tpu.memory_space<vmem>>, vector<1x16xf32>,
        %get3A_800 = vector.shape_cast %get3A_799 : vector<1x16xf32> to vector<16xf32>
        %mul3A_801 = arith.constant 8.000000e+00 : f32
        %mul3A_802 = vector.broadcast %mul3A_801 : f32 to vector<16xf32>
        %mul3A_803 = arith.mulf %get3A_800, %mul3A_802 : vector<16xf32>
        %add3A_804 = arith.constant 7 : i32
        %add3A_805 = arith.addi %mul3A_315, %add3A_804 : i32
        %swap3A_806 = arith.index_cast %add3A_805 : i32 to index
        %swap3A_807 = arith.constant 32 : index
        %swap3A_808 = tpu.vector_load %arg8[%swap3A_806, %swap3A_807] {strides = array<i32>} : memref<200x64xf32, #tpu.memory_space<vmem>>, vector<1x16xf32>,
        %swap3A_809 = vector.shape_cast %swap3A_808 : vector<1x16xf32> to vector<16xf32>
        %swap3A_810 = vector.shape_cast %mul3A_803 : vector<16xf32> to vector<1x16xf32>
        tpu.vector_store %arg8[%swap3A_806, %swap3A_807], %swap3A_810 {strides = array<i32>} : memref<200x64xf32, #tpu.memory_space<vmem>>, vector<1x16xf32>,
        %add3A_811 = arith.constant 7 : i32
        %add3A_812 = arith.addi %mul3A_315, %add3A_811 : i32
        %get3A_813 = arith.index_cast %add3A_812 : i32 to index
        %get3A_814 = arith.constant 48 : index
        %get3A_815 = tpu.vector_load %arg6[%get3A_813, %get3A_814] {strides = array<i32>} : memref<208x128xf32, #tpu.memory_space<vmem>>, vector<1x16xf32>,
        %get3A_816 = vector.shape_cast %get3A_815 : vector<1x16xf32> to vector<16xf32>
        %mul3A_817 = arith.constant 8.000000e+00 : f32
        %mul3A_818 = vector.broadcast %mul3A_817 : f32 to vector<16xf32>
        %mul3A_819 = arith.mulf %get3A_816, %mul3A_818 : vector<16xf32>
        %add3A_820 = arith.constant 7 : i32
        %add3A_821 = arith.addi %mul3A_315, %add3A_820 : i32
        %swap3A_822 = arith.index_cast %add3A_821 : i32 to index
        %swap3A_823 = arith.constant 48 : index
        %swap3A_824 = tpu.vector_load %arg8[%swap3A_822, %swap3A_823] {strides = array<i32>} : memref<200x64xf32, #tpu.memory_space<vmem>>, vector<1x16xf32>,
        %swap3A_825 = vector.shape_cast %swap3A_824 : vector<1x16xf32> to vector<16xf32>
        %swap3A_826 = vector.shape_cast %mul3A_819 : vector<16xf32> to vector<1x16xf32>
        tpu.vector_store %arg8[%swap3A_822, %swap3A_823], %swap3A_826 {strides = array<i32>} : memref<200x64xf32, #tpu.memory_space<vmem>>, vector<1x16xf32>,
      }
      %scan3A_223 = arith.constant 25 : i32
      %mul3A_224 = arith.constant 128 : i32
      %mul3A_225 = arith.muli %add3A, %mul3A_224 : i32
      %add3A_226 = arith.addi %mul3A_225, %add3A_166 : i32
      %mul3A_227 = arith.constant 200 : i32
      %mul3A_228 = arith.muli %add3A_226, %mul3A_227 : i32
      %dma_start3A_229 = arith.constant 0 : i32
      %dma_start3A_230 = tpu.memref_slice %arg4[%mul3A_228, %dma_start3A_229] : memref<819200x64xf32, #tpu.memory_space<hbm>> -> memref<200x64xf32, #tpu.memory_space<hbm>>
      %dma_start3A_231 = arith.constant 0 : i32
      %dma_start3A_232 = tpu.memref_slice %arg4[%mul3A_228, %dma_start3A_231] : memref<819200x64xf32, #tpu.memory_space<hbm>> -> memref<200x64xf32, #tpu.memory_space<hbm>>
      tpu.enqueue_dma source(%arg8 : memref<200x64xf32, #tpu.memory_space<vmem>>) target(%dma_start3A_232 : memref<200x64xf32, #tpu.memory_space<hbm>>) target_semaphore(%arg12 : memref<!tpu.dma_semaphore, #tpu.memory_space<semaphore_mem>>)
      %mul3A_233 = arith.constant 2 : i32
      %mul3A_234 = arith.muli %mul3A_233, %scan3A_162 : i32
      %add3A_235 = arith.constant 1 : i32
      %add3A_236 = arith.addi %mul3A_234, %add3A_235 : i32
      %add3A_237 = arith.constant 1 : i32
      %add3A_238 = arith.addi %add3A_236, %add3A_237 : i32
      %lt3A_239 = arith.constant 128 : i32
      %lt3A_240 = arith.cmpi slt, %add3A_238, %lt3A_239 : i32
      %jit3A_241 = arith.constant 64 : i32
      %eq3A_242 = arith.constant 0 : i32
      %eq3A_243 = arith.cmpi eq, %jit3A_241, %eq3A_242 : i32
      %jit3A_244 = arith.constant 1 : i32
      %select_n3A_245 = arith.select %eq3A_243, %jit3A_244, %jit3A_241 : i32
      %rem3A_246 = arith.remsi %add3A_238, %select_n3A_245 : i32
      %ne3A_247 = arith.constant 0 : i32
      %ne3A_248 = arith.cmpi ne, %rem3A_246, %ne3A_247 : i32
      %lt3A_249 = arith.constant 0 : i32
      %lt3A_250 = arith.cmpi slt, %rem3A_246, %lt3A_249 : i32
      %lt3A_251 = arith.constant 0 : i32
      %lt3A_252 = arith.cmpi slt, %select_n3A_245, %lt3A_251 : i32
      %ne3A_253 = arith.xori %lt3A_250, %lt3A_252 : i1
      %and3A_254 = arith.andi %ne3A_253, %ne3A_248 : i1
      %add3A_255 = arith.addi %rem3A_246, %select_n3A_245 : i32
      %select_n3A_256 = arith.select %and3A_254, %add3A_255, %rem3A_246 : i32
      %ne3A_257 = arith.constant 0 : i32
      %ne3A_258 = arith.cmpi ne, %select_n3A_256, %ne3A_257 : i32
      %and3A_259 = arith.andi %lt3A_240, %ne3A_258 : i1
      %convert_element_type3A_260 = arith.extui %and3A_259 : i1 to i32
      %cond3A_261 = arith.constant 0 : i32
      %cond3A_262 = arith.cmpi ne, %convert_element_type3A_260, %cond3A_261 : i32
      scf.if %cond3A_262 {
        %jit3A_313 = arith.constant 64 : i32
        %eq3A_314 = arith.constant 0 : i32
        %eq3A_315 = arith.cmpi eq, %jit3A_313, %eq3A_314 : i32
        %jit3A_316 = arith.constant 1 : i32
        %select_n3A_317 = arith.select %eq3A_315, %jit3A_316, %jit3A_313 : i32
        %rem3A_318 = arith.remsi %add3A_238, %select_n3A_317 : i32
        %ne3A_319 = arith.constant 0 : i32
        %ne3A_320 = arith.cmpi ne, %rem3A_318, %ne3A_319 : i32
        %lt3A_321 = arith.constant 0 : i32
        %lt3A_322 = arith.cmpi slt, %rem3A_318, %lt3A_321 : i32
        %lt3A_323 = arith.constant 0 : i32
        %lt3A_324 = arith.cmpi slt, %select_n3A_317, %lt3A_323 : i32
        %ne3A_325 = arith.xori %lt3A_322, %lt3A_324 : i1
        %and3A_326 = arith.andi %ne3A_325, %ne3A_320 : i1
        %add3A_327 = arith.addi %rem3A_318, %select_n3A_317 : i32
        %select_n3A_328 = arith.select %and3A_326, %add3A_327, %rem3A_318 : i32
        %get3A_329 = arith.index_cast %select_n3A_328 : i32 to index
        %get3A_330 = arith.constant 0 : index
        %get3A_331 = tpu.vector_load %arg5[%get3A_329, %get3A_330] {strides = array<i32>} : memref<64x256xi32, #tpu.memory_space<vmem>>, vector<1x16xi32>,
        %get3A_332 = vector.shape_cast %get3A_331 : vector<1x16xi32> to vector<16xi32>
        %dma_start3A_333 = arith.constant 0 : i32
        %dma_start3A_334 = arith.constant 0 : i32
        %dma_start3A_335 = tpu.memref_slice %arg6[%dma_start3A_333, %dma_start3A_334] : memref<208x128xf32, #tpu.memory_space<vmem>> -> memref<16x128xf32, #tpu.memory_space<vmem>>
        %dma_start3A_336 = arith.constant 0 : i32
        %dma_start3A_337 = arith.constant 0 : i32
        %dma_start3A_338 = tpu.memref_slice %arg3[%dma_start3A_336, %dma_start3A_337] : memref<1000000x128xf32, #tpu.memory_space<hbm>> -> memref<1000000x128xf32, #tpu.memory_space<hbm>>
        tpu.enqueue_indirect_dma source(%dma_start3A_338 : memref<1000000x128xf32, #tpu.memory_space<hbm>>) target(%dma_start3A_335 : memref<16x128xf32, #tpu.memory_space<vmem>>) offsets(%get3A_332 : vector<16xi32>) semaphore(%arg10 : memref<!tpu.dma_semaphore, #tpu.memory_space<semaphore_mem>>)
        %get3A_339 = arith.index_cast %select_n3A_328 : i32 to index
        %get3A_340 = arith.constant 16 : index
        %get3A_341 = tpu.vector_load %arg5[%get3A_339, %get3A_340] {strides = array<i32>} : memref<64x256xi32, #tpu.memory_space<vmem>>, vector<1x16xi32>,
        %get3A_342 = vector.shape_cast %get3A_341 : vector<1x16xi32> to vector<16xi32>
        %dma_start3A_343 = arith.constant 16 : i32
        %dma_start3A_344 = arith.constant 0 : i32
        %dma_start3A_345 = tpu.memref_slice %arg6[%dma_start3A_343, %dma_start3A_344] : memref<208x128xf32, #tpu.memory_space<vmem>> -> memref<16x128xf32, #tpu.memory_space<vmem>>
        %dma_start3A_346 = arith.constant 0 : i32
        %dma_start3A_347 = arith.constant 0 : i32
        %dma_start3A_348 = tpu.memref_slice %arg3[%dma_start3A_346, %dma_start3A_347] : memref<1000000x128xf32, #tpu.memory_space<hbm>> -> memref<1000000x128xf32, #tpu.memory_space<hbm>>
        tpu.enqueue_indirect_dma source(%dma_start3A_348 : memref<1000000x128xf32, #tpu.memory_space<hbm>>) target(%dma_start3A_345 : memref<16x128xf32, #tpu.memory_space<vmem>>) offsets(%get3A_342 : vector<16xi32>) semaphore(%arg10 : memref<!tpu.dma_semaphore, #tpu.memory_space<semaphore_mem>>)
        %get3A_349 = arith.index_cast %select_n3A_328 : i32 to index
        %get3A_350 = arith.constant 32 : index
        %get3A_351 = tpu.vector_load %arg5[%get3A_349, %get3A_350] {strides = array<i32>} : memref<64x256xi32, #tpu.memory_space<vmem>>, vector<1x16xi32>,
        %get3A_352 = vector.shape_cast %get3A_351 : vector<1x16xi32> to vector<16xi32>
        %dma_start3A_353 = arith.constant 32 : i32
        %dma_start3A_354 = arith.constant 0 : i32
        %dma_start3A_355 = tpu.memref_slice %arg6[%dma_start3A_353, %dma_start3A_354] : memref<208x128xf32, #tpu.memory_space<vmem>> -> memref<16x128xf32, #tpu.memory_space<vmem>>
        %dma_start3A_356 = arith.constant 0 : i32
        %dma_start3A_357 = arith.constant 0 : i32
        %dma_start3A_358 = tpu.memref_slice %arg3[%dma_start3A_356, %dma_start3A_357] : memref<1000000x128xf32, #tpu.memory_space<hbm>> -> memref<1000000x128xf32, #tpu.memory_space<hbm>>
        tpu.enqueue_indirect_dma source(%dma_start3A_358 : memref<1000000x128xf32, #tpu.memory_space<hbm>>) target(%dma_start3A_355 : memref<16x128xf32, #tpu.memory_space<vmem>>) offsets(%get3A_352 : vector<16xi32>) semaphore(%arg10 : memref<!tpu.dma_semaphore, #tpu.memory_space<semaphore_mem>>)
        %get3A_359 = arith.index_cast %select_n3A_328 : i32 to index
        %get3A_360 = arith.constant 48 : index
        %get3A_361 = tpu.vector_load %arg5[%get3A_359, %get3A_360] {strides = array<i32>} : memref<64x256xi32, #tpu.memory_space<vmem>>, vector<1x16xi32>,
        %get3A_362 = vector.shape_cast %get3A_361 : vector<1x16xi32> to vector<16xi32>
        %dma_start3A_363 = arith.constant 48 : i32
        %dma_start3A_364 = arith.constant 0 : i32
        %dma_start3A_365 = tpu.memref_slice %arg6[%dma_start3A_363, %dma_start3A_364] : memref<208x128xf32, #tpu.memory_space<vmem>> -> memref<16x128xf32, #tpu.memory_space<vmem>>
        %dma_start3A_366 = arith.constant 0 : i32
        %dma_start3A_367 = arith.constant 0 : i32
        %dma_start3A_368 = tpu.memref_slice %arg3[%dma_start3A_366, %dma_start3A_367] : memref<1000000x128xf32, #tpu.memory_space<hbm>> -> memref<1000000x128xf32, #tpu.memory_space<hbm>>
        tpu.enqueue_indirect_dma source(%dma_start3A_368 : memref<1000000x128xf32, #tpu.memory_space<hbm>>) target(%dma_start3A_365 : memref<16x128xf32, #tpu.memory_space<vmem>>) offsets(%get3A_362 : vector<16xi32>) semaphore(%arg10 : memref<!tpu.dma_semaphore, #tpu.memory_space<semaphore_mem>>)
        %get3A_369 = arith.index_cast %select_n3A_328 : i32 to index
        %get3A_370 = arith.constant 64 : index
        %get3A_371 = tpu.vector_load %arg5[%get3A_369, %get3A_370] {strides = array<i32>} : memref<64x256xi32, #tpu.memory_space<vmem>>, vector<1x16xi32>,
        %get3A_372 = vector.shape_cast %get3A_371 : vector<1x16xi32> to vector<16xi32>
        %dma_start3A_373 = arith.constant 64 : i32
        %dma_start3A_374 = arith.constant 0 : i32
        %dma_start3A_375 = tpu.memref_slice %arg6[%dma_start3A_373, %dma_start3A_374] : memref<208x128xf32, #tpu.memory_space<vmem>> -> memref<16x128xf32, #tpu.memory_space<vmem>>
        %dma_start3A_376 = arith.constant 0 : i32
        %dma_start3A_377 = arith.constant 0 : i32
        %dma_start3A_378 = tpu.memref_slice %arg3[%dma_start3A_376, %dma_start3A_377] : memref<1000000x128xf32, #tpu.memory_space<hbm>> -> memref<1000000x128xf32, #tpu.memory_space<hbm>>
        tpu.enqueue_indirect_dma source(%dma_start3A_378 : memref<1000000x128xf32, #tpu.memory_space<hbm>>) target(%dma_start3A_375 : memref<16x128xf32, #tpu.memory_space<vmem>>) offsets(%get3A_372 : vector<16xi32>) semaphore(%arg10 : memref<!tpu.dma_semaphore, #tpu.memory_space<semaphore_mem>>)
        %get3A_379 = arith.index_cast %select_n3A_328 : i32 to index
        %get3A_380 = arith.constant 80 : index
        %get3A_381 = tpu.vector_load %arg5[%get3A_379, %get3A_380] {strides = array<i32>} : memref<64x256xi32, #tpu.memory_space<vmem>>, vector<1x16xi32>,
        %get3A_382 = vector.shape_cast %get3A_381 : vector<1x16xi32> to vector<16xi32>
        %dma_start3A_383 = arith.constant 80 : i32
        %dma_start3A_384 = arith.constant 0 : i32
        %dma_start3A_385 = tpu.memref_slice %arg6[%dma_start3A_383, %dma_start3A_384] : memref<208x128xf32, #tpu.memory_space<vmem>> -> memref<16x128xf32, #tpu.memory_space<vmem>>
        %dma_start3A_386 = arith.constant 0 : i32
        %dma_start3A_387 = arith.constant 0 : i32
        %dma_start3A_388 = tpu.memref_slice %arg3[%dma_start3A_386, %dma_start3A_387] : memref<1000000x128xf32, #tpu.memory_space<hbm>> -> memref<1000000x128xf32, #tpu.memory_space<hbm>>
        tpu.enqueue_indirect_dma source(%dma_start3A_388 : memref<1000000x128xf32, #tpu.memory_space<hbm>>) target(%dma_start3A_385 : memref<16x128xf32, #tpu.memory_space<vmem>>) offsets(%get3A_382 : vector<16xi32>) semaphore(%arg10 : memref<!tpu.dma_semaphore, #tpu.memory_space<semaphore_mem>>)
        %get3A_389 = arith.index_cast %select_n3A_328 : i32 to index
        %get3A_390 = arith.constant 96 : index
        %get3A_391 = tpu.vector_load %arg5[%get3A_389, %get3A_390] {strides = array<i32>} : memref<64x256xi32, #tpu.memory_space<vmem>>, vector<1x16xi32>,
        %get3A_392 = vector.shape_cast %get3A_391 : vector<1x16xi32> to vector<16xi32>
        %dma_start3A_393 = arith.constant 96 : i32
        %dma_start3A_394 = arith.constant 0 : i32
        %dma_start3A_395 = tpu.memref_slice %arg6[%dma_start3A_393, %dma_start3A_394] : memref<208x128xf32, #tpu.memory_space<vmem>> -> memref<16x128xf32, #tpu.memory_space<vmem>>
        %dma_start3A_396 = arith.constant 0 : i32
        %dma_start3A_397 = arith.constant 0 : i32
        %dma_start3A_398 = tpu.memref_slice %arg3[%dma_start3A_396, %dma_start3A_397] : memref<1000000x128xf32, #tpu.memory_space<hbm>> -> memref<1000000x128xf32, #tpu.memory_space<hbm>>
        tpu.enqueue_indirect_dma source(%dma_start3A_398 : memref<1000000x128xf32, #tpu.memory_space<hbm>>) target(%dma_start3A_395 : memref<16x128xf32, #tpu.memory_space<vmem>>) offsets(%get3A_392 : vector<16xi32>) semaphore(%arg10 : memref<!tpu.dma_semaphore, #tpu.memory_space<semaphore_mem>>)
        %get3A_399 = arith.index_cast %select_n3A_328 : i32 to index
        %get3A_400 = arith.constant 112 : index
        %get3A_401 = tpu.vector_load %arg5[%get3A_399, %get3A_400] {strides = array<i32>} : memref<64x256xi32, #tpu.memory_space<vmem>>, vector<1x16xi32>,
        %get3A_402 = vector.shape_cast %get3A_401 : vector<1x16xi32> to vector<16xi32>
        %dma_start3A_403 = arith.constant 112 : i32
        %dma_start3A_404 = arith.constant 0 : i32
        %dma_start3A_405 = tpu.memref_slice %arg6[%dma_start3A_403, %dma_start3A_404] : memref<208x128xf32, #tpu.memory_space<vmem>> -> memref<16x128xf32, #tpu.memory_space<vmem>>
        %dma_start3A_406 = arith.constant 0 : i32
        %dma_start3A_407 = arith.constant 0 : i32
        %dma_start3A_408 = tpu.memref_slice %arg3[%dma_start3A_406, %dma_start3A_407] : memref<1000000x128xf32, #tpu.memory_space<hbm>> -> memref<1000000x128xf32, #tpu.memory_space<hbm>>
        tpu.enqueue_indirect_dma source(%dma_start3A_408 : memref<1000000x128xf32, #tpu.memory_space<hbm>>) target(%dma_start3A_405 : memref<16x128xf32, #tpu.memory_space<vmem>>) offsets(%get3A_402 : vector<16xi32>) semaphore(%arg10 : memref<!tpu.dma_semaphore, #tpu.memory_space<semaphore_mem>>)
        %get3A_409 = arith.index_cast %select_n3A_328 : i32 to index
        %get3A_410 = arith.constant 128 : index
        %get3A_411 = tpu.vector_load %arg5[%get3A_409, %get3A_410] {strides = array<i32>} : memref<64x256xi32, #tpu.memory_space<vmem>>, vector<1x16xi32>,
        %get3A_412 = vector.shape_cast %get3A_411 : vector<1x16xi32> to vector<16xi32>
        %dma_start3A_413 = arith.constant 128 : i32
        %dma_start3A_414 = arith.constant 0 : i32
        %dma_start3A_415 = tpu.memref_slice %arg6[%dma_start3A_413, %dma_start3A_414] : memref<208x128xf32, #tpu.memory_space<vmem>> -> memref<16x128xf32, #tpu.memory_space<vmem>>
        %dma_start3A_416 = arith.constant 0 : i32
        %dma_start3A_417 = arith.constant 0 : i32
        %dma_start3A_418 = tpu.memref_slice %arg3[%dma_start3A_416, %dma_start3A_417] : memref<1000000x128xf32, #tpu.memory_space<hbm>> -> memref<1000000x128xf32, #tpu.memory_space<hbm>>
        tpu.enqueue_indirect_dma source(%dma_start3A_418 : memref<1000000x128xf32, #tpu.memory_space<hbm>>) target(%dma_start3A_415 : memref<16x128xf32, #tpu.memory_space<vmem>>) offsets(%get3A_412 : vector<16xi32>) semaphore(%arg10 : memref<!tpu.dma_semaphore, #tpu.memory_space<semaphore_mem>>)
        %get3A_419 = arith.index_cast %select_n3A_328 : i32 to index
        %get3A_420 = arith.constant 144 : index
        %get3A_421 = tpu.vector_load %arg5[%get3A_419, %get3A_420] {strides = array<i32>} : memref<64x256xi32, #tpu.memory_space<vmem>>, vector<1x16xi32>,
        %get3A_422 = vector.shape_cast %get3A_421 : vector<1x16xi32> to vector<16xi32>
        %dma_start3A_423 = arith.constant 144 : i32
        %dma_start3A_424 = arith.constant 0 : i32
        %dma_start3A_425 = tpu.memref_slice %arg6[%dma_start3A_423, %dma_start3A_424] : memref<208x128xf32, #tpu.memory_space<vmem>> -> memref<16x128xf32, #tpu.memory_space<vmem>>
        %dma_start3A_426 = arith.constant 0 : i32
        %dma_start3A_427 = arith.constant 0 : i32
        %dma_start3A_428 = tpu.memref_slice %arg3[%dma_start3A_426, %dma_start3A_427] : memref<1000000x128xf32, #tpu.memory_space<hbm>> -> memref<1000000x128xf32, #tpu.memory_space<hbm>>
        tpu.enqueue_indirect_dma source(%dma_start3A_428 : memref<1000000x128xf32, #tpu.memory_space<hbm>>) target(%dma_start3A_425 : memref<16x128xf32, #tpu.memory_space<vmem>>) offsets(%get3A_422 : vector<16xi32>) semaphore(%arg10 : memref<!tpu.dma_semaphore, #tpu.memory_space<semaphore_mem>>)
        %get3A_429 = arith.index_cast %select_n3A_328 : i32 to index
        %get3A_430 = arith.constant 160 : index
        %get3A_431 = tpu.vector_load %arg5[%get3A_429, %get3A_430] {strides = array<i32>} : memref<64x256xi32, #tpu.memory_space<vmem>>, vector<1x16xi32>,
        %get3A_432 = vector.shape_cast %get3A_431 : vector<1x16xi32> to vector<16xi32>
        %dma_start3A_433 = arith.constant 160 : i32
        %dma_start3A_434 = arith.constant 0 : i32
        %dma_start3A_435 = tpu.memref_slice %arg6[%dma_start3A_433, %dma_start3A_434] : memref<208x128xf32, #tpu.memory_space<vmem>> -> memref<16x128xf32, #tpu.memory_space<vmem>>
        %dma_start3A_436 = arith.constant 0 : i32
        %dma_start3A_437 = arith.constant 0 : i32
        %dma_start3A_438 = tpu.memref_slice %arg3[%dma_start3A_436, %dma_start3A_437] : memref<1000000x128xf32, #tpu.memory_space<hbm>> -> memref<1000000x128xf32, #tpu.memory_space<hbm>>
        tpu.enqueue_indirect_dma source(%dma_start3A_438 : memref<1000000x128xf32, #tpu.memory_space<hbm>>) target(%dma_start3A_435 : memref<16x128xf32, #tpu.memory_space<vmem>>) offsets(%get3A_432 : vector<16xi32>) semaphore(%arg10 : memref<!tpu.dma_semaphore, #tpu.memory_space<semaphore_mem>>)
        %get3A_439 = arith.index_cast %select_n3A_328 : i32 to index
        %get3A_440 = arith.constant 176 : index
        %get3A_441 = tpu.vector_load %arg5[%get3A_439, %get3A_440] {strides = array<i32>} : memref<64x256xi32, #tpu.memory_space<vmem>>, vector<1x16xi32>,
        %get3A_442 = vector.shape_cast %get3A_441 : vector<1x16xi32> to vector<16xi32>
        %dma_start3A_443 = arith.constant 176 : i32
        %dma_start3A_444 = arith.constant 0 : i32
        %dma_start3A_445 = tpu.memref_slice %arg6[%dma_start3A_443, %dma_start3A_444] : memref<208x128xf32, #tpu.memory_space<vmem>> -> memref<16x128xf32, #tpu.memory_space<vmem>>
        %dma_start3A_446 = arith.constant 0 : i32
        %dma_start3A_447 = arith.constant 0 : i32
        %dma_start3A_448 = tpu.memref_slice %arg3[%dma_start3A_446, %dma_start3A_447] : memref<1000000x128xf32, #tpu.memory_space<hbm>> -> memref<1000000x128xf32, #tpu.memory_space<hbm>>
        tpu.enqueue_indirect_dma source(%dma_start3A_448 : memref<1000000x128xf32, #tpu.memory_space<hbm>>) target(%dma_start3A_445 : memref<16x128xf32, #tpu.memory_space<vmem>>) offsets(%get3A_442 : vector<16xi32>) semaphore(%arg10 : memref<!tpu.dma_semaphore, #tpu.memory_space<semaphore_mem>>)
        %get3A_449 = arith.index_cast %select_n3A_328 : i32 to index
        %get3A_450 = arith.constant 184 : index
        %get3A_451 = tpu.vector_load %arg5[%get3A_449, %get3A_450] {strides = array<i32>} : memref<64x256xi32, #tpu.memory_space<vmem>>, vector<1x16xi32>,
        %get3A_452 = vector.shape_cast %get3A_451 : vector<1x16xi32> to vector<16xi32>
        %dma_start3A_453 = arith.constant 184 : i32
        %dma_start3A_454 = arith.constant 0 : i32
        %dma_start3A_455 = tpu.memref_slice %arg6[%dma_start3A_453, %dma_start3A_454] : memref<208x128xf32, #tpu.memory_space<vmem>> -> memref<16x128xf32, #tpu.memory_space<vmem>>
        %dma_start3A_456 = arith.constant 0 : i32
        %dma_start3A_457 = arith.constant 0 : i32
        %dma_start3A_458 = tpu.memref_slice %arg3[%dma_start3A_456, %dma_start3A_457] : memref<1000000x128xf32, #tpu.memory_space<hbm>> -> memref<1000000x128xf32, #tpu.memory_space<hbm>>
        tpu.enqueue_indirect_dma source(%dma_start3A_458 : memref<1000000x128xf32, #tpu.memory_space<hbm>>) target(%dma_start3A_455 : memref<16x128xf32, #tpu.memory_space<vmem>>) offsets(%get3A_452 : vector<16xi32>) semaphore(%arg10 : memref<!tpu.dma_semaphore, #tpu.memory_space<semaphore_mem>>)
      } else {
      }
      %dma_wait3A_263 = arith.constant 0 : i32
      %dma_wait3A_264 = arith.constant 0 : i32
      %dma_wait3A_265 = tpu.memref_slice %arg3[%dma_wait3A_263, %dma_wait3A_264] : memref<1000000x128xf32, #tpu.memory_space<hbm>> -> memref<208x128xf32, #tpu.memory_space<hbm>>
      %dma_wait3A_266 = arith.constant 0 : i32
      %dma_wait3A_267 = arith.constant 0 : i32
      %dma_wait3A_268 = tpu.memref_slice %arg3[%dma_wait3A_266, %dma_wait3A_267] : memref<1000000x128xf32, #tpu.memory_space<hbm>> -> memref<208x128xf32, #tpu.memory_space<hbm>>
      tpu.wait_dma2 semaphore(%arg11 : memref<!tpu.dma_semaphore, #tpu.memory_space<semaphore_mem>>) src(%dma_wait3A_268 : memref<208x128xf32, #tpu.memory_space<hbm>>) dst(%arg7 : memref<208x128xf32, #tpu.memory_space<vmem>>)
      %lt3A_269 = arith.constant 128 : i32
      %lt3A_270 = arith.cmpi slt, %add3A_238, %lt3A_269 : i32
      %jit3A_271 = arith.constant 64 : i32
      %eq3A_272 = arith.constant 0 : i32
      %eq3A_273 = arith.cmpi eq, %jit3A_271, %eq3A_272 : i32
      %jit3A_274 = arith.constant 1 : i32
      %select_n3A_275 = arith.select %eq3A_273, %jit3A_274, %jit3A_271 : i32
      %rem3A_276 = arith.remsi %add3A_238, %select_n3A_275 : i32
      %ne3A_277 = arith.constant 0 : i32
      %ne3A_278 = arith.cmpi ne, %rem3A_276, %ne3A_277 : i32
      %lt3A_279 = arith.constant 0 : i32
      %lt3A_280 = arith.cmpi slt, %rem3A_276, %lt3A_279 : i32
      %lt3A_281 = arith.constant 0 : i32
      %lt3A_282 = arith.cmpi slt, %select_n3A_275, %lt3A_281 : i32
      %ne3A_283 = arith.xori %lt3A_280, %lt3A_282 : i1
      %and3A_284 = arith.andi %ne3A_283, %ne3A_278 : i1
      %add3A_285 = arith.addi %rem3A_276, %select_n3A_275 : i32
      %select_n3A_286 = arith.select %and3A_284, %add3A_285, %rem3A_276 : i32
      %eq3A_287 = arith.constant 0 : i32
      %eq3A_288 = arith.cmpi eq, %select_n3A_286, %eq3A_287 : i32
      %and3A_289 = arith.andi %lt3A_270, %eq3A_288 : i1
      %convert_element_type3A_290 = arith.extui %and3A_289 : i1 to i32
      %cond3A_291 = arith.constant 0 : i32
      %cond3A_292 = arith.cmpi ne, %convert_element_type3A_290, %cond3A_291 : i32
      scf.if %cond3A_292 {
        %jit3A_313 = arith.constant 64 : i32
        %div3A = arith.divsi %add3A_238, %jit3A_313 : i32
        %sign3A = arith.constant 0 : i32
        %sign3A_314 = arith.cmpi sgt, %add3A_238, %sign3A : i32
        %sign3A_315 = arith.extui %sign3A_314 : i1 to i32
        %sign3A_316 = arith.constant 0 : i32
        %sign3A_317 = arith.cmpi slt, %add3A_238, %sign3A_316 : i32
        %sign3A_318 = arith.extui %sign3A_317 : i1 to i32
        %sign3A_319 = arith.subi %sign3A_315, %sign3A_318 : i32
        %sign3A_320 = arith.constant 0 : i32
        %sign3A_321 = arith.cmpi sgt, %jit3A_313, %sign3A_320 : i32
        %sign3A_322 = arith.extui %sign3A_321 : i1 to i32
        %sign3A_323 = arith.constant 0 : i32
        %sign3A_324 = arith.cmpi slt, %jit3A_313, %sign3A_323 : i32
        %sign3A_325 = arith.extui %sign3A_324 : i1 to i32
        %sign3A_326 = arith.subi %sign3A_322, %sign3A_325 : i32
        %ne3A_327 = arith.cmpi ne, %sign3A_319, %sign3A_326 : i32
        %rem3A_328 = arith.remsi %add3A_238, %jit3A_313 : i32
        %ne3A_329 = arith.constant 0 : i32
        %ne3A_330 = arith.cmpi ne, %rem3A_328, %ne3A_329 : i32
        %and3A_331 = arith.andi %ne3A_327, %ne3A_330 : i1
        %sub3A = arith.constant 1 : i32
        %sub3A_332 = arith.subi %div3A, %sub3A : i32
        %select_n3A_333 = arith.select %and3A_331, %sub3A_332, %div3A : i32
        %mul3A_334 = arith.constant 128 : i32
        %mul3A_335 = arith.muli %add3A, %mul3A_334 : i32
        %mul3A_336 = arith.constant 64 : i32
        %mul3A_337 = arith.muli %select_n3A_333, %mul3A_336 : i32
        %add3A_338 = arith.addi %mul3A_335, %mul3A_337 : i32
        "tpu.region"() ({
          %run_scoped3A = tpu.sem_alloc : memref<!tpu.dma_semaphore, #tpu.memory_space<semaphore_mem>>
          %dma_start3A_485 = arith.constant 0 : i32
          %dma_start3A_486 = tpu.memref_slice %arg2[%add3A_338, %dma_start3A_485] : memref<4096x256xi32, #tpu.memory_space<hbm>> -> memref<64x256xi32, #tpu.memory_space<hbm>>
          %dma_start3A_487 = arith.constant 0 : i32
          %dma_start3A_488 = tpu.memref_slice %arg2[%add3A_338, %dma_start3A_487] : memref<4096x256xi32, #tpu.memory_space<hbm>> -> memref<64x256xi32, #tpu.memory_space<hbm>>
          tpu.enqueue_dma source(%dma_start3A_488 : memref<64x256xi32, #tpu.memory_space<hbm>>) target(%arg5 : memref<64x256xi32, #tpu.memory_space<vmem>>) target_semaphore(%run_scoped3A : memref<!tpu.dma_semaphore, #tpu.memory_space<semaphore_mem>>)
          %dma_wait3A_489 = arith.constant 0 : i32
          %dma_wait3A_490 = tpu.memref_slice %arg2[%add3A_338, %dma_wait3A_489] : memref<4096x256xi32, #tpu.memory_space<hbm>> -> memref<64x256xi32, #tpu.memory_space<hbm>>
          %dma_wait3A_491 = arith.constant 0 : i32
          %dma_wait3A_492 = tpu.memref_slice %arg2[%add3A_338, %dma_wait3A_491] : memref<4096x256xi32, #tpu.memory_space<hbm>> -> memref<64x256xi32, #tpu.memory_space<hbm>>
          tpu.wait_dma2 semaphore(%run_scoped3A : memref<!tpu.dma_semaphore, #tpu.memory_space<semaphore_mem>>) src(%dma_wait3A_492 : memref<64x256xi32, #tpu.memory_space<hbm>>) dst(%arg5 : memref<64x256xi32, #tpu.memory_space<vmem>>)
          tpu.yield
        }) : () -> ()
        %jit3A_339 = arith.constant 64 : i32
        %eq3A_340 = arith.constant 0 : i32
        %eq3A_341 = arith.cmpi eq, %jit3A_339, %eq3A_340 : i32
        %jit3A_342 = arith.constant 1 : i32
        %select_n3A_343 = arith.select %eq3A_341, %jit3A_342, %jit3A_339 : i32
        %rem3A_344 = arith.remsi %add3A_238, %select_n3A_343 : i32
        %ne3A_345 = arith.constant 0 : i32
        %ne3A_346 = arith.cmpi ne, %rem3A_344, %ne3A_345 : i32
        %lt3A_347 = arith.constant 0 : i32
        %lt3A_348 = arith.cmpi slt, %rem3A_344, %lt3A_347 : i32
        %lt3A_349 = arith.constant 0 : i32
        %lt3A_350 = arith.cmpi slt, %select_n3A_343, %lt3A_349 : i32
        %ne3A_351 = arith.xori %lt3A_348, %lt3A_350 : i1
        %and3A_352 = arith.andi %ne3A_351, %ne3A_346 : i1
        %add3A_353 = arith.addi %rem3A_344, %select_n3A_343 : i32
        %select_n3A_354 = arith.select %and3A_352, %add3A_353, %rem3A_344 : i32
        %get3A_355 = arith.index_cast %select_n3A_354 : i32 to index
        %get3A_356 = arith.constant 0 : index
        %get3A_357 = tpu.vector_load %arg5[%get3A_355, %get3A_356] {strides = array<i32>} : memref<64x256xi32, #tpu.memory_space<vmem>>, vector<1x16xi32>,
        %get3A_358 = vector.shape_cast %get3A_357 : vector<1x16xi32> to vector<16xi32>
        %dma_start3A_359 = arith.constant 0 : i32
        %dma_start3A_360 = arith.constant 0 : i32
        %dma_start3A_361 = tpu.memref_slice %arg6[%dma_start3A_359, %dma_start3A_360] : memref<208x128xf32, #tpu.memory_space<vmem>> -> memref<16x128xf32, #tpu.memory_space<vmem>>
        %dma_start3A_362 = arith.constant 0 : i32
        %dma_start3A_363 = arith.constant 0 : i32
        %dma_start3A_364 = tpu.memref_slice %arg3[%dma_start3A_362, %dma_start3A_363] : memref<1000000x128xf32, #tpu.memory_space<hbm>> -> memref<1000000x128xf32, #tpu.memory_space<hbm>>
        tpu.enqueue_indirect_dma source(%dma_start3A_364 : memref<1000000x128xf32, #tpu.memory_space<hbm>>) target(%dma_start3A_361 : memref<16x128xf32, #tpu.memory_space<vmem>>) offsets(%get3A_358 : vector<16xi32>) semaphore(%arg10 : memref<!tpu.dma_semaphore, #tpu.memory_space<semaphore_mem>>)
        %get3A_365 = arith.index_cast %select_n3A_354 : i32 to index
        %get3A_366 = arith.constant 16 : index
        %get3A_367 = tpu.vector_load %arg5[%get3A_365, %get3A_366] {strides = array<i32>} : memref<64x256xi32, #tpu.memory_space<vmem>>, vector<1x16xi32>,
        %get3A_368 = vector.shape_cast %get3A_367 : vector<1x16xi32> to vector<16xi32>
        %dma_start3A_369 = arith.constant 16 : i32
        %dma_start3A_370 = arith.constant 0 : i32
        %dma_start3A_371 = tpu.memref_slice %arg6[%dma_start3A_369, %dma_start3A_370] : memref<208x128xf32, #tpu.memory_space<vmem>> -> memref<16x128xf32, #tpu.memory_space<vmem>>
        %dma_start3A_372 = arith.constant 0 : i32
        %dma_start3A_373 = arith.constant 0 : i32
        %dma_start3A_374 = tpu.memref_slice %arg3[%dma_start3A_372, %dma_start3A_373] : memref<1000000x128xf32, #tpu.memory_space<hbm>> -> memref<1000000x128xf32, #tpu.memory_space<hbm>>
        tpu.enqueue_indirect_dma source(%dma_start3A_374 : memref<1000000x128xf32, #tpu.memory_space<hbm>>) target(%dma_start3A_371 : memref<16x128xf32, #tpu.memory_space<vmem>>) offsets(%get3A_368 : vector<16xi32>) semaphore(%arg10 : memref<!tpu.dma_semaphore, #tpu.memory_space<semaphore_mem>>)
        %get3A_375 = arith.index_cast %select_n3A_354 : i32 to index
        %get3A_376 = arith.constant 32 : index
        %get3A_377 = tpu.vector_load %arg5[%get3A_375, %get3A_376] {strides = array<i32>} : memref<64x256xi32, #tpu.memory_space<vmem>>, vector<1x16xi32>,
        %get3A_378 = vector.shape_cast %get3A_377 : vector<1x16xi32> to vector<16xi32>
        %dma_start3A_379 = arith.constant 32 : i32
        %dma_start3A_380 = arith.constant 0 : i32
        %dma_start3A_381 = tpu.memref_slice %arg6[%dma_start3A_379, %dma_start3A_380] : memref<208x128xf32, #tpu.memory_space<vmem>> -> memref<16x128xf32, #tpu.memory_space<vmem>>
        %dma_start3A_382 = arith.constant 0 : i32
        %dma_start3A_383 = arith.constant 0 : i32
        %dma_start3A_384 = tpu.memref_slice %arg3[%dma_start3A_382, %dma_start3A_383] : memref<1000000x128xf32, #tpu.memory_space<hbm>> -> memref<1000000x128xf32, #tpu.memory_space<hbm>>
        tpu.enqueue_indirect_dma source(%dma_start3A_384 : memref<1000000x128xf32, #tpu.memory_space<hbm>>) target(%dma_start3A_381 : memref<16x128xf32, #tpu.memory_space<vmem>>) offsets(%get3A_378 : vector<16xi32>) semaphore(%arg10 : memref<!tpu.dma_semaphore, #tpu.memory_space<semaphore_mem>>)
        %get3A_385 = arith.index_cast %select_n3A_354 : i32 to index
        %get3A_386 = arith.constant 48 : index
        %get3A_387 = tpu.vector_load %arg5[%get3A_385, %get3A_386] {strides = array<i32>} : memref<64x256xi32, #tpu.memory_space<vmem>>, vector<1x16xi32>,
        %get3A_388 = vector.shape_cast %get3A_387 : vector<1x16xi32> to vector<16xi32>
        %dma_start3A_389 = arith.constant 48 : i32
        %dma_start3A_390 = arith.constant 0 : i32
        %dma_start3A_391 = tpu.memref_slice %arg6[%dma_start3A_389, %dma_start3A_390] : memref<208x128xf32, #tpu.memory_space<vmem>> -> memref<16x128xf32, #tpu.memory_space<vmem>>
        %dma_start3A_392 = arith.constant 0 : i32
        %dma_start3A_393 = arith.constant 0 : i32
        %dma_start3A_394 = tpu.memref_slice %arg3[%dma_start3A_392, %dma_start3A_393] : memref<1000000x128xf32, #tpu.memory_space<hbm>> -> memref<1000000x128xf32, #tpu.memory_space<hbm>>
        tpu.enqueue_indirect_dma source(%dma_start3A_394 : memref<1000000x128xf32, #tpu.memory_space<hbm>>) target(%dma_start3A_391 : memref<16x128xf32, #tpu.memory_space<vmem>>) offsets(%get3A_388 : vector<16xi32>) semaphore(%arg10 : memref<!tpu.dma_semaphore, #tpu.memory_space<semaphore_mem>>)
        %get3A_395 = arith.index_cast %select_n3A_354 : i32 to index
        %get3A_396 = arith.constant 64 : index
        %get3A_397 = tpu.vector_load %arg5[%get3A_395, %get3A_396] {strides = array<i32>} : memref<64x256xi32, #tpu.memory_space<vmem>>, vector<1x16xi32>,
        %get3A_398 = vector.shape_cast %get3A_397 : vector<1x16xi32> to vector<16xi32>
        %dma_start3A_399 = arith.constant 64 : i32
        %dma_start3A_400 = arith.constant 0 : i32
        %dma_start3A_401 = tpu.memref_slice %arg6[%dma_start3A_399, %dma_start3A_400] : memref<208x128xf32, #tpu.memory_space<vmem>> -> memref<16x128xf32, #tpu.memory_space<vmem>>
        %dma_start3A_402 = arith.constant 0 : i32
        %dma_start3A_403 = arith.constant 0 : i32
        %dma_start3A_404 = tpu.memref_slice %arg3[%dma_start3A_402, %dma_start3A_403] : memref<1000000x128xf32, #tpu.memory_space<hbm>> -> memref<1000000x128xf32, #tpu.memory_space<hbm>>
        tpu.enqueue_indirect_dma source(%dma_start3A_404 : memref<1000000x128xf32, #tpu.memory_space<hbm>>) target(%dma_start3A_401 : memref<16x128xf32, #tpu.memory_space<vmem>>) offsets(%get3A_398 : vector<16xi32>) semaphore(%arg10 : memref<!tpu.dma_semaphore, #tpu.memory_space<semaphore_mem>>)
        %get3A_405 = arith.index_cast %select_n3A_354 : i32 to index
        %get3A_406 = arith.constant 80 : index
        %get3A_407 = tpu.vector_load %arg5[%get3A_405, %get3A_406] {strides = array<i32>} : memref<64x256xi32, #tpu.memory_space<vmem>>, vector<1x16xi32>,
        %get3A_408 = vector.shape_cast %get3A_407 : vector<1x16xi32> to vector<16xi32>
        %dma_start3A_409 = arith.constant 80 : i32
        %dma_start3A_410 = arith.constant 0 : i32
        %dma_start3A_411 = tpu.memref_slice %arg6[%dma_start3A_409, %dma_start3A_410] : memref<208x128xf32, #tpu.memory_space<vmem>> -> memref<16x128xf32, #tpu.memory_space<vmem>>
        %dma_start3A_412 = arith.constant 0 : i32
        %dma_start3A_413 = arith.constant 0 : i32
        %dma_start3A_414 = tpu.memref_slice %arg3[%dma_start3A_412, %dma_start3A_413] : memref<1000000x128xf32, #tpu.memory_space<hbm>> -> memref<1000000x128xf32, #tpu.memory_space<hbm>>
        tpu.enqueue_indirect_dma source(%dma_start3A_414 : memref<1000000x128xf32, #tpu.memory_space<hbm>>) target(%dma_start3A_411 : memref<16x128xf32, #tpu.memory_space<vmem>>) offsets(%get3A_408 : vector<16xi32>) semaphore(%arg10 : memref<!tpu.dma_semaphore, #tpu.memory_space<semaphore_mem>>)
        %get3A_415 = arith.index_cast %select_n3A_354 : i32 to index
        %get3A_416 = arith.constant 96 : index
        %get3A_417 = tpu.vector_load %arg5[%get3A_415, %get3A_416] {strides = array<i32>} : memref<64x256xi32, #tpu.memory_space<vmem>>, vector<1x16xi32>,
        %get3A_418 = vector.shape_cast %get3A_417 : vector<1x16xi32> to vector<16xi32>
        %dma_start3A_419 = arith.constant 96 : i32
        %dma_start3A_420 = arith.constant 0 : i32
        %dma_start3A_421 = tpu.memref_slice %arg6[%dma_start3A_419, %dma_start3A_420] : memref<208x128xf32, #tpu.memory_space<vmem>> -> memref<16x128xf32, #tpu.memory_space<vmem>>
        %dma_start3A_422 = arith.constant 0 : i32
        %dma_start3A_423 = arith.constant 0 : i32
        %dma_start3A_424 = tpu.memref_slice %arg3[%dma_start3A_422, %dma_start3A_423] : memref<1000000x128xf32, #tpu.memory_space<hbm>> -> memref<1000000x128xf32, #tpu.memory_space<hbm>>
        tpu.enqueue_indirect_dma source(%dma_start3A_424 : memref<1000000x128xf32, #tpu.memory_space<hbm>>) target(%dma_start3A_421 : memref<16x128xf32, #tpu.memory_space<vmem>>) offsets(%get3A_418 : vector<16xi32>) semaphore(%arg10 : memref<!tpu.dma_semaphore, #tpu.memory_space<semaphore_mem>>)
        %get3A_425 = arith.index_cast %select_n3A_354 : i32 to index
        %get3A_426 = arith.constant 112 : index
        %get3A_427 = tpu.vector_load %arg5[%get3A_425, %get3A_426] {strides = array<i32>} : memref<64x256xi32, #tpu.memory_space<vmem>>, vector<1x16xi32>,
        %get3A_428 = vector.shape_cast %get3A_427 : vector<1x16xi32> to vector<16xi32>
        %dma_start3A_429 = arith.constant 112 : i32
        %dma_start3A_430 = arith.constant 0 : i32
        %dma_start3A_431 = tpu.memref_slice %arg6[%dma_start3A_429, %dma_start3A_430] : memref<208x128xf32, #tpu.memory_space<vmem>> -> memref<16x128xf32, #tpu.memory_space<vmem>>
        %dma_start3A_432 = arith.constant 0 : i32
        %dma_start3A_433 = arith.constant 0 : i32
        %dma_start3A_434 = tpu.memref_slice %arg3[%dma_start3A_432, %dma_start3A_433] : memref<1000000x128xf32, #tpu.memory_space<hbm>> -> memref<1000000x128xf32, #tpu.memory_space<hbm>>
        tpu.enqueue_indirect_dma source(%dma_start3A_434 : memref<1000000x128xf32, #tpu.memory_space<hbm>>) target(%dma_start3A_431 : memref<16x128xf32, #tpu.memory_space<vmem>>) offsets(%get3A_428 : vector<16xi32>) semaphore(%arg10 : memref<!tpu.dma_semaphore, #tpu.memory_space<semaphore_mem>>)
        %get3A_435 = arith.index_cast %select_n3A_354 : i32 to index
        %get3A_436 = arith.constant 128 : index
        %get3A_437 = tpu.vector_load %arg5[%get3A_435, %get3A_436] {strides = array<i32>} : memref<64x256xi32, #tpu.memory_space<vmem>>, vector<1x16xi32>,
        %get3A_438 = vector.shape_cast %get3A_437 : vector<1x16xi32> to vector<16xi32>
        %dma_start3A_439 = arith.constant 128 : i32
        %dma_start3A_440 = arith.constant 0 : i32
        %dma_start3A_441 = tpu.memref_slice %arg6[%dma_start3A_439, %dma_start3A_440] : memref<208x128xf32, #tpu.memory_space<vmem>> -> memref<16x128xf32, #tpu.memory_space<vmem>>
        %dma_start3A_442 = arith.constant 0 : i32
        %dma_start3A_443 = arith.constant 0 : i32
        %dma_start3A_444 = tpu.memref_slice %arg3[%dma_start3A_442, %dma_start3A_443] : memref<1000000x128xf32, #tpu.memory_space<hbm>> -> memref<1000000x128xf32, #tpu.memory_space<hbm>>
        tpu.enqueue_indirect_dma source(%dma_start3A_444 : memref<1000000x128xf32, #tpu.memory_space<hbm>>) target(%dma_start3A_441 : memref<16x128xf32, #tpu.memory_space<vmem>>) offsets(%get3A_438 : vector<16xi32>) semaphore(%arg10 : memref<!tpu.dma_semaphore, #tpu.memory_space<semaphore_mem>>)
        %get3A_445 = arith.index_cast %select_n3A_354 : i32 to index
        %get3A_446 = arith.constant 144 : index
        %get3A_447 = tpu.vector_load %arg5[%get3A_445, %get3A_446] {strides = array<i32>} : memref<64x256xi32, #tpu.memory_space<vmem>>, vector<1x16xi32>,
        %get3A_448 = vector.shape_cast %get3A_447 : vector<1x16xi32> to vector<16xi32>
        %dma_start3A_449 = arith.constant 144 : i32
        %dma_start3A_450 = arith.constant 0 : i32
        %dma_start3A_451 = tpu.memref_slice %arg6[%dma_start3A_449, %dma_start3A_450] : memref<208x128xf32, #tpu.memory_space<vmem>> -> memref<16x128xf32, #tpu.memory_space<vmem>>
        %dma_start3A_452 = arith.constant 0 : i32
        %dma_start3A_453 = arith.constant 0 : i32
        %dma_start3A_454 = tpu.memref_slice %arg3[%dma_start3A_452, %dma_start3A_453] : memref<1000000x128xf32, #tpu.memory_space<hbm>> -> memref<1000000x128xf32, #tpu.memory_space<hbm>>
        tpu.enqueue_indirect_dma source(%dma_start3A_454 : memref<1000000x128xf32, #tpu.memory_space<hbm>>) target(%dma_start3A_451 : memref<16x128xf32, #tpu.memory_space<vmem>>) offsets(%get3A_448 : vector<16xi32>) semaphore(%arg10 : memref<!tpu.dma_semaphore, #tpu.memory_space<semaphore_mem>>)
        %get3A_455 = arith.index_cast %select_n3A_354 : i32 to index
        %get3A_456 = arith.constant 160 : index
        %get3A_457 = tpu.vector_load %arg5[%get3A_455, %get3A_456] {strides = array<i32>} : memref<64x256xi32, #tpu.memory_space<vmem>>, vector<1x16xi32>,
        %get3A_458 = vector.shape_cast %get3A_457 : vector<1x16xi32> to vector<16xi32>
        %dma_start3A_459 = arith.constant 160 : i32
        %dma_start3A_460 = arith.constant 0 : i32
        %dma_start3A_461 = tpu.memref_slice %arg6[%dma_start3A_459, %dma_start3A_460] : memref<208x128xf32, #tpu.memory_space<vmem>> -> memref<16x128xf32, #tpu.memory_space<vmem>>
        %dma_start3A_462 = arith.constant 0 : i32
        %dma_start3A_463 = arith.constant 0 : i32
        %dma_start3A_464 = tpu.memref_slice %arg3[%dma_start3A_462, %dma_start3A_463] : memref<1000000x128xf32, #tpu.memory_space<hbm>> -> memref<1000000x128xf32, #tpu.memory_space<hbm>>
        tpu.enqueue_indirect_dma source(%dma_start3A_464 : memref<1000000x128xf32, #tpu.memory_space<hbm>>) target(%dma_start3A_461 : memref<16x128xf32, #tpu.memory_space<vmem>>) offsets(%get3A_458 : vector<16xi32>) semaphore(%arg10 : memref<!tpu.dma_semaphore, #tpu.memory_space<semaphore_mem>>)
        %get3A_465 = arith.index_cast %select_n3A_354 : i32 to index
        %get3A_466 = arith.constant 176 : index
        %get3A_467 = tpu.vector_load %arg5[%get3A_465, %get3A_466] {strides = array<i32>} : memref<64x256xi32, #tpu.memory_space<vmem>>, vector<1x16xi32>,
        %get3A_468 = vector.shape_cast %get3A_467 : vector<1x16xi32> to vector<16xi32>
        %dma_start3A_469 = arith.constant 176 : i32
        %dma_start3A_470 = arith.constant 0 : i32
        %dma_start3A_471 = tpu.memref_slice %arg6[%dma_start3A_469, %dma_start3A_470] : memref<208x128xf32, #tpu.memory_space<vmem>> -> memref<16x128xf32, #tpu.memory_space<vmem>>
        %dma_start3A_472 = arith.constant 0 : i32
        %dma_start3A_473 = arith.constant 0 : i32
        %dma_start3A_474 = tpu.memref_slice %arg3[%dma_start3A_472, %dma_start3A_473] : memref<1000000x128xf32, #tpu.memory_space<hbm>> -> memref<1000000x128xf32, #tpu.memory_space<hbm>>
        tpu.enqueue_indirect_dma source(%dma_start3A_474 : memref<1000000x128xf32, #tpu.memory_space<hbm>>) target(%dma_start3A_471 : memref<16x128xf32, #tpu.memory_space<vmem>>) offsets(%get3A_468 : vector<16xi32>) semaphore(%arg10 : memref<!tpu.dma_semaphore, #tpu.memory_space<semaphore_mem>>)
        %get3A_475 = arith.index_cast %select_n3A_354 : i32 to index
        %get3A_476 = arith.constant 184 : index
        %get3A_477 = tpu.vector_load %arg5[%get3A_475, %get3A_476] {strides = array<i32>} : memref<64x256xi32, #tpu.memory_space<vmem>>, vector<1x16xi32>,
        %get3A_478 = vector.shape_cast %get3A_477 : vector<1x16xi32> to vector<16xi32>
        %dma_start3A_479 = arith.constant 184 : i32
        %dma_start3A_480 = arith.constant 0 : i32
        %dma_start3A_481 = tpu.memref_slice %arg6[%dma_start3A_479, %dma_start3A_480] : memref<208x128xf32, #tpu.memory_space<vmem>> -> memref<16x128xf32, #tpu.memory_space<vmem>>
        %dma_start3A_482 = arith.constant 0 : i32
        %dma_start3A_483 = arith.constant 0 : i32
        %dma_start3A_484 = tpu.memref_slice %arg3[%dma_start3A_482, %dma_start3A_483] : memref<1000000x128xf32, #tpu.memory_space<hbm>> -> memref<1000000x128xf32, #tpu.memory_space<hbm>>
        tpu.enqueue_indirect_dma source(%dma_start3A_484 : memref<1000000x128xf32, #tpu.memory_space<hbm>>) target(%dma_start3A_481 : memref<16x128xf32, #tpu.memory_space<vmem>>) offsets(%get3A_478 : vector<16xi32>) semaphore(%arg10 : memref<!tpu.dma_semaphore, #tpu.memory_space<semaphore_mem>>)
      } else {
      }
      %ge3A_293 = arith.constant 2 : i32
      %ge3A_294 = arith.cmpi sge, %add3A_236, %ge3A_293 : i32
      %convert_element_type3A_295 = arith.extui %ge3A_294 : i1 to i32
      %cond3A_296 = arith.constant 0 : i32
      %cond3A_297 = arith.cmpi ne, %convert_element_type3A_295, %cond3A_296 : i32
      scf.if %cond3A_297 {
        %dma_wait3A_313 = arith.constant 0 : i32
        %dma_wait3A_314 = arith.constant 0 : i32
        %dma_wait3A_315 = tpu.memref_slice %arg4[%dma_wait3A_313, %dma_wait3A_314] : memref<819200x64xf32, #tpu.memory_space<hbm>> -> memref<200x64xf32, #tpu.memory_space<hbm>>
        %dma_wait3A_316 = arith.constant 0 : i32
        %dma_wait3A_317 = arith.constant 0 : i32
        %dma_wait3A_318 = tpu.memref_slice %arg4[%dma_wait3A_316, %dma_wait3A_317] : memref<819200x64xf32, #tpu.memory_space<hbm>> -> memref<200x64xf32, #tpu.memory_space<hbm>>
        tpu.wait_dma2 semaphore(%arg13 : memref<!tpu.dma_semaphore, #tpu.memory_space<semaphore_mem>>) src(%arg9 : memref<200x64xf32, #tpu.memory_space<vmem>>) dst(%dma_wait3A_318 : memref<200x64xf32, #tpu.memory_space<hbm>>)
      } else {
      }
      %scan3A_298 = arith.constant 0 : i32
      %scan3A_299 = arith.constant 0 : i32
      %scan3A_300 = arith.constant 25 : i32
      %scan3A_301 = arith.addi %scan3A_299, %scan3A_300 : i32
      %scan3A_302 = arith.constant 1 : i32
      scf.for %scan3A_313 = %scan3A_299 to %scan3A_301 step %scan3A_302  : i32 {
        %mul3A_314 = arith.constant 8 : i32
        %mul3A_315 = arith.muli %scan3A_313, %mul3A_314 : i32
        %add3A_316 = arith.constant 0 : i32
        %add3A_317 = arith.addi %mul3A_315, %add3A_316 : i32
        %get3A_318 = arith.index_cast %add3A_317 : i32 to index
        %get3A_319 = arith.constant 0 : index
        %get3A_320 = tpu.vector_load %arg7[%get3A_318, %get3A_319] {strides = array<i32>} : memref<208x128xf32, #tpu.memory_space<vmem>>, vector<1x16xf32>,
        %get3A_321 = vector.shape_cast %get3A_320 : vector<1x16xf32> to vector<16xf32>
        %mul3A_322 = arith.constant 8.000000e+00 : f32
        %mul3A_323 = vector.broadcast %mul3A_322 : f32 to vector<16xf32>
        %mul3A_324 = arith.mulf %get3A_321, %mul3A_323 : vector<16xf32>
        %add3A_325 = arith.constant 0 : i32
        %add3A_326 = arith.addi %mul3A_315, %add3A_325 : i32
        %swap3A = arith.index_cast %add3A_326 : i32 to index
        %swap3A_327 = arith.constant 0 : index
        %swap3A_328 = tpu.vector_load %arg9[%swap3A, %swap3A_327] {strides = array<i32>} : memref<200x64xf32, #tpu.memory_space<vmem>>, vector<1x16xf32>,
        %swap3A_329 = vector.shape_cast %swap3A_328 : vector<1x16xf32> to vector<16xf32>
        %swap3A_330 = vector.shape_cast %mul3A_324 : vector<16xf32> to vector<1x16xf32>
        tpu.vector_store %arg9[%swap3A, %swap3A_327], %swap3A_330 {strides = array<i32>} : memref<200x64xf32, #tpu.memory_space<vmem>>, vector<1x16xf32>,
        %add3A_331 = arith.constant 0 : i32
        %add3A_332 = arith.addi %mul3A_315, %add3A_331 : i32
        %get3A_333 = arith.index_cast %add3A_332 : i32 to index
        %get3A_334 = arith.constant 16 : index
        %get3A_335 = tpu.vector_load %arg7[%get3A_333, %get3A_334] {strides = array<i32>} : memref<208x128xf32, #tpu.memory_space<vmem>>, vector<1x16xf32>,
        %get3A_336 = vector.shape_cast %get3A_335 : vector<1x16xf32> to vector<16xf32>
        %mul3A_337 = arith.constant 8.000000e+00 : f32
        %mul3A_338 = vector.broadcast %mul3A_337 : f32 to vector<16xf32>
        %mul3A_339 = arith.mulf %get3A_336, %mul3A_338 : vector<16xf32>
        %add3A_340 = arith.constant 0 : i32
        %add3A_341 = arith.addi %mul3A_315, %add3A_340 : i32
        %swap3A_342 = arith.index_cast %add3A_341 : i32 to index
        %swap3A_343 = arith.constant 16 : index
        %swap3A_344 = tpu.vector_load %arg9[%swap3A_342, %swap3A_343] {strides = array<i32>} : memref<200x64xf32, #tpu.memory_space<vmem>>, vector<1x16xf32>,
        %swap3A_345 = vector.shape_cast %swap3A_344 : vector<1x16xf32> to vector<16xf32>
        %swap3A_346 = vector.shape_cast %mul3A_339 : vector<16xf32> to vector<1x16xf32>
        tpu.vector_store %arg9[%swap3A_342, %swap3A_343], %swap3A_346 {strides = array<i32>} : memref<200x64xf32, #tpu.memory_space<vmem>>, vector<1x16xf32>,
        %add3A_347 = arith.constant 0 : i32
        %add3A_348 = arith.addi %mul3A_315, %add3A_347 : i32
        %get3A_349 = arith.index_cast %add3A_348 : i32 to index
        %get3A_350 = arith.constant 32 : index
        %get3A_351 = tpu.vector_load %arg7[%get3A_349, %get3A_350] {strides = array<i32>} : memref<208x128xf32, #tpu.memory_space<vmem>>, vector<1x16xf32>,
        %get3A_352 = vector.shape_cast %get3A_351 : vector<1x16xf32> to vector<16xf32>
        %mul3A_353 = arith.constant 8.000000e+00 : f32
        %mul3A_354 = vector.broadcast %mul3A_353 : f32 to vector<16xf32>
        %mul3A_355 = arith.mulf %get3A_352, %mul3A_354 : vector<16xf32>
        %add3A_356 = arith.constant 0 : i32
        %add3A_357 = arith.addi %mul3A_315, %add3A_356 : i32
        %swap3A_358 = arith.index_cast %add3A_357 : i32 to index
        %swap3A_359 = arith.constant 32 : index
        %swap3A_360 = tpu.vector_load %arg9[%swap3A_358, %swap3A_359] {strides = array<i32>} : memref<200x64xf32, #tpu.memory_space<vmem>>, vector<1x16xf32>,
        %swap3A_361 = vector.shape_cast %swap3A_360 : vector<1x16xf32> to vector<16xf32>
        %swap3A_362 = vector.shape_cast %mul3A_355 : vector<16xf32> to vector<1x16xf32>
        tpu.vector_store %arg9[%swap3A_358, %swap3A_359], %swap3A_362 {strides = array<i32>} : memref<200x64xf32, #tpu.memory_space<vmem>>, vector<1x16xf32>,
        %add3A_363 = arith.constant 0 : i32
        %add3A_364 = arith.addi %mul3A_315, %add3A_363 : i32
        %get3A_365 = arith.index_cast %add3A_364 : i32 to index
        %get3A_366 = arith.constant 48 : index
        %get3A_367 = tpu.vector_load %arg7[%get3A_365, %get3A_366] {strides = array<i32>} : memref<208x128xf32, #tpu.memory_space<vmem>>, vector<1x16xf32>,
        %get3A_368 = vector.shape_cast %get3A_367 : vector<1x16xf32> to vector<16xf32>
        %mul3A_369 = arith.constant 8.000000e+00 : f32
        %mul3A_370 = vector.broadcast %mul3A_369 : f32 to vector<16xf32>
        %mul3A_371 = arith.mulf %get3A_368, %mul3A_370 : vector<16xf32>
        %add3A_372 = arith.constant 0 : i32
        %add3A_373 = arith.addi %mul3A_315, %add3A_372 : i32
        %swap3A_374 = arith.index_cast %add3A_373 : i32 to index
        %swap3A_375 = arith.constant 48 : index
        %swap3A_376 = tpu.vector_load %arg9[%swap3A_374, %swap3A_375] {strides = array<i32>} : memref<200x64xf32, #tpu.memory_space<vmem>>, vector<1x16xf32>,
        %swap3A_377 = vector.shape_cast %swap3A_376 : vector<1x16xf32> to vector<16xf32>
        %swap3A_378 = vector.shape_cast %mul3A_371 : vector<16xf32> to vector<1x16xf32>
        tpu.vector_store %arg9[%swap3A_374, %swap3A_375], %swap3A_378 {strides = array<i32>} : memref<200x64xf32, #tpu.memory_space<vmem>>, vector<1x16xf32>,
        %add3A_379 = arith.constant 1 : i32
        %add3A_380 = arith.addi %mul3A_315, %add3A_379 : i32
        %get3A_381 = arith.index_cast %add3A_380 : i32 to index
        %get3A_382 = arith.constant 0 : index
        %get3A_383 = tpu.vector_load %arg7[%get3A_381, %get3A_382] {strides = array<i32>} : memref<208x128xf32, #tpu.memory_space<vmem>>, vector<1x16xf32>,
        %get3A_384 = vector.shape_cast %get3A_383 : vector<1x16xf32> to vector<16xf32>
        %mul3A_385 = arith.constant 8.000000e+00 : f32
        %mul3A_386 = vector.broadcast %mul3A_385 : f32 to vector<16xf32>
        %mul3A_387 = arith.mulf %get3A_384, %mul3A_386 : vector<16xf32>
        %add3A_388 = arith.constant 1 : i32
        %add3A_389 = arith.addi %mul3A_315, %add3A_388 : i32
        %swap3A_390 = arith.index_cast %add3A_389 : i32 to index
        %swap3A_391 = arith.constant 0 : index
        %swap3A_392 = tpu.vector_load %arg9[%swap3A_390, %swap3A_391] {strides = array<i32>} : memref<200x64xf32, #tpu.memory_space<vmem>>, vector<1x16xf32>,
        %swap3A_393 = vector.shape_cast %swap3A_392 : vector<1x16xf32> to vector<16xf32>
        %swap3A_394 = vector.shape_cast %mul3A_387 : vector<16xf32> to vector<1x16xf32>
        tpu.vector_store %arg9[%swap3A_390, %swap3A_391], %swap3A_394 {strides = array<i32>} : memref<200x64xf32, #tpu.memory_space<vmem>>, vector<1x16xf32>,
        %add3A_395 = arith.constant 1 : i32
        %add3A_396 = arith.addi %mul3A_315, %add3A_395 : i32
        %get3A_397 = arith.index_cast %add3A_396 : i32 to index
        %get3A_398 = arith.constant 16 : index
        %get3A_399 = tpu.vector_load %arg7[%get3A_397, %get3A_398] {strides = array<i32>} : memref<208x128xf32, #tpu.memory_space<vmem>>, vector<1x16xf32>,
        %get3A_400 = vector.shape_cast %get3A_399 : vector<1x16xf32> to vector<16xf32>
        %mul3A_401 = arith.constant 8.000000e+00 : f32
        %mul3A_402 = vector.broadcast %mul3A_401 : f32 to vector<16xf32>
        %mul3A_403 = arith.mulf %get3A_400, %mul3A_402 : vector<16xf32>
        %add3A_404 = arith.constant 1 : i32
        %add3A_405 = arith.addi %mul3A_315, %add3A_404 : i32
        %swap3A_406 = arith.index_cast %add3A_405 : i32 to index
        %swap3A_407 = arith.constant 16 : index
        %swap3A_408 = tpu.vector_load %arg9[%swap3A_406, %swap3A_407] {strides = array<i32>} : memref<200x64xf32, #tpu.memory_space<vmem>>, vector<1x16xf32>,
        %swap3A_409 = vector.shape_cast %swap3A_408 : vector<1x16xf32> to vector<16xf32>
        %swap3A_410 = vector.shape_cast %mul3A_403 : vector<16xf32> to vector<1x16xf32>
        tpu.vector_store %arg9[%swap3A_406, %swap3A_407], %swap3A_410 {strides = array<i32>} : memref<200x64xf32, #tpu.memory_space<vmem>>, vector<1x16xf32>,
        %add3A_411 = arith.constant 1 : i32
        %add3A_412 = arith.addi %mul3A_315, %add3A_411 : i32
        %get3A_413 = arith.index_cast %add3A_412 : i32 to index
        %get3A_414 = arith.constant 32 : index
        %get3A_415 = tpu.vector_load %arg7[%get3A_413, %get3A_414] {strides = array<i32>} : memref<208x128xf32, #tpu.memory_space<vmem>>, vector<1x16xf32>,
        %get3A_416 = vector.shape_cast %get3A_415 : vector<1x16xf32> to vector<16xf32>
        %mul3A_417 = arith.constant 8.000000e+00 : f32
        %mul3A_418 = vector.broadcast %mul3A_417 : f32 to vector<16xf32>
        %mul3A_419 = arith.mulf %get3A_416, %mul3A_418 : vector<16xf32>
        %add3A_420 = arith.constant 1 : i32
        %add3A_421 = arith.addi %mul3A_315, %add3A_420 : i32
        %swap3A_422 = arith.index_cast %add3A_421 : i32 to index
        %swap3A_423 = arith.constant 32 : index
        %swap3A_424 = tpu.vector_load %arg9[%swap3A_422, %swap3A_423] {strides = array<i32>} : memref<200x64xf32, #tpu.memory_space<vmem>>, vector<1x16xf32>,
        %swap3A_425 = vector.shape_cast %swap3A_424 : vector<1x16xf32> to vector<16xf32>
        %swap3A_426 = vector.shape_cast %mul3A_419 : vector<16xf32> to vector<1x16xf32>
        tpu.vector_store %arg9[%swap3A_422, %swap3A_423], %swap3A_426 {strides = array<i32>} : memref<200x64xf32, #tpu.memory_space<vmem>>, vector<1x16xf32>,
        %add3A_427 = arith.constant 1 : i32
        %add3A_428 = arith.addi %mul3A_315, %add3A_427 : i32
        %get3A_429 = arith.index_cast %add3A_428 : i32 to index
        %get3A_430 = arith.constant 48 : index
        %get3A_431 = tpu.vector_load %arg7[%get3A_429, %get3A_430] {strides = array<i32>} : memref<208x128xf32, #tpu.memory_space<vmem>>, vector<1x16xf32>,
        %get3A_432 = vector.shape_cast %get3A_431 : vector<1x16xf32> to vector<16xf32>
        %mul3A_433 = arith.constant 8.000000e+00 : f32
        %mul3A_434 = vector.broadcast %mul3A_433 : f32 to vector<16xf32>
        %mul3A_435 = arith.mulf %get3A_432, %mul3A_434 : vector<16xf32>
        %add3A_436 = arith.constant 1 : i32
        %add3A_437 = arith.addi %mul3A_315, %add3A_436 : i32
        %swap3A_438 = arith.index_cast %add3A_437 : i32 to index
        %swap3A_439 = arith.constant 48 : index
        %swap3A_440 = tpu.vector_load %arg9[%swap3A_438, %swap3A_439] {strides = array<i32>} : memref<200x64xf32, #tpu.memory_space<vmem>>, vector<1x16xf32>,
        %swap3A_441 = vector.shape_cast %swap3A_440 : vector<1x16xf32> to vector<16xf32>
        %swap3A_442 = vector.shape_cast %mul3A_435 : vector<16xf32> to vector<1x16xf32>
        tpu.vector_store %arg9[%swap3A_438, %swap3A_439], %swap3A_442 {strides = array<i32>} : memref<200x64xf32, #tpu.memory_space<vmem>>, vector<1x16xf32>,
        %add3A_443 = arith.constant 2 : i32
        %add3A_444 = arith.addi %mul3A_315, %add3A_443 : i32
        %get3A_445 = arith.index_cast %add3A_444 : i32 to index
        %get3A_446 = arith.constant 0 : index
        %get3A_447 = tpu.vector_load %arg7[%get3A_445, %get3A_446] {strides = array<i32>} : memref<208x128xf32, #tpu.memory_space<vmem>>, vector<1x16xf32>,
        %get3A_448 = vector.shape_cast %get3A_447 : vector<1x16xf32> to vector<16xf32>
        %mul3A_449 = arith.constant 8.000000e+00 : f32
        %mul3A_450 = vector.broadcast %mul3A_449 : f32 to vector<16xf32>
        %mul3A_451 = arith.mulf %get3A_448, %mul3A_450 : vector<16xf32>
        %add3A_452 = arith.constant 2 : i32
        %add3A_453 = arith.addi %mul3A_315, %add3A_452 : i32
        %swap3A_454 = arith.index_cast %add3A_453 : i32 to index
        %swap3A_455 = arith.constant 0 : index
        %swap3A_456 = tpu.vector_load %arg9[%swap3A_454, %swap3A_455] {strides = array<i32>} : memref<200x64xf32, #tpu.memory_space<vmem>>, vector<1x16xf32>,
        %swap3A_457 = vector.shape_cast %swap3A_456 : vector<1x16xf32> to vector<16xf32>
        %swap3A_458 = vector.shape_cast %mul3A_451 : vector<16xf32> to vector<1x16xf32>
        tpu.vector_store %arg9[%swap3A_454, %swap3A_455], %swap3A_458 {strides = array<i32>} : memref<200x64xf32, #tpu.memory_space<vmem>>, vector<1x16xf32>,
        %add3A_459 = arith.constant 2 : i32
        %add3A_460 = arith.addi %mul3A_315, %add3A_459 : i32
        %get3A_461 = arith.index_cast %add3A_460 : i32 to index
        %get3A_462 = arith.constant 16 : index
        %get3A_463 = tpu.vector_load %arg7[%get3A_461, %get3A_462] {strides = array<i32>} : memref<208x128xf32, #tpu.memory_space<vmem>>, vector<1x16xf32>,
        %get3A_464 = vector.shape_cast %get3A_463 : vector<1x16xf32> to vector<16xf32>
        %mul3A_465 = arith.constant 8.000000e+00 : f32
        %mul3A_466 = vector.broadcast %mul3A_465 : f32 to vector<16xf32>
        %mul3A_467 = arith.mulf %get3A_464, %mul3A_466 : vector<16xf32>
        %add3A_468 = arith.constant 2 : i32
        %add3A_469 = arith.addi %mul3A_315, %add3A_468 : i32
        %swap3A_470 = arith.index_cast %add3A_469 : i32 to index
        %swap3A_471 = arith.constant 16 : index
        %swap3A_472 = tpu.vector_load %arg9[%swap3A_470, %swap3A_471] {strides = array<i32>} : memref<200x64xf32, #tpu.memory_space<vmem>>, vector<1x16xf32>,
        %swap3A_473 = vector.shape_cast %swap3A_472 : vector<1x16xf32> to vector<16xf32>
        %swap3A_474 = vector.shape_cast %mul3A_467 : vector<16xf32> to vector<1x16xf32>
        tpu.vector_store %arg9[%swap3A_470, %swap3A_471], %swap3A_474 {strides = array<i32>} : memref<200x64xf32, #tpu.memory_space<vmem>>, vector<1x16xf32>,
        %add3A_475 = arith.constant 2 : i32
        %add3A_476 = arith.addi %mul3A_315, %add3A_475 : i32
        %get3A_477 = arith.index_cast %add3A_476 : i32 to index
        %get3A_478 = arith.constant 32 : index
        %get3A_479 = tpu.vector_load %arg7[%get3A_477, %get3A_478] {strides = array<i32>} : memref<208x128xf32, #tpu.memory_space<vmem>>, vector<1x16xf32>,
        %get3A_480 = vector.shape_cast %get3A_479 : vector<1x16xf32> to vector<16xf32>
        %mul3A_481 = arith.constant 8.000000e+00 : f32
        %mul3A_482 = vector.broadcast %mul3A_481 : f32 to vector<16xf32>
        %mul3A_483 = arith.mulf %get3A_480, %mul3A_482 : vector<16xf32>
        %add3A_484 = arith.constant 2 : i32
        %add3A_485 = arith.addi %mul3A_315, %add3A_484 : i32
        %swap3A_486 = arith.index_cast %add3A_485 : i32 to index
        %swap3A_487 = arith.constant 32 : index
        %swap3A_488 = tpu.vector_load %arg9[%swap3A_486, %swap3A_487] {strides = array<i32>} : memref<200x64xf32, #tpu.memory_space<vmem>>, vector<1x16xf32>,
        %swap3A_489 = vector.shape_cast %swap3A_488 : vector<1x16xf32> to vector<16xf32>
        %swap3A_490 = vector.shape_cast %mul3A_483 : vector<16xf32> to vector<1x16xf32>
        tpu.vector_store %arg9[%swap3A_486, %swap3A_487], %swap3A_490 {strides = array<i32>} : memref<200x64xf32, #tpu.memory_space<vmem>>, vector<1x16xf32>,
        %add3A_491 = arith.constant 2 : i32
        %add3A_492 = arith.addi %mul3A_315, %add3A_491 : i32
        %get3A_493 = arith.index_cast %add3A_492 : i32 to index
        %get3A_494 = arith.constant 48 : index
        %get3A_495 = tpu.vector_load %arg7[%get3A_493, %get3A_494] {strides = array<i32>} : memref<208x128xf32, #tpu.memory_space<vmem>>, vector<1x16xf32>,
        %get3A_496 = vector.shape_cast %get3A_495 : vector<1x16xf32> to vector<16xf32>
        %mul3A_497 = arith.constant 8.000000e+00 : f32
        %mul3A_498 = vector.broadcast %mul3A_497 : f32 to vector<16xf32>
        %mul3A_499 = arith.mulf %get3A_496, %mul3A_498 : vector<16xf32>
        %add3A_500 = arith.constant 2 : i32
        %add3A_501 = arith.addi %mul3A_315, %add3A_500 : i32
        %swap3A_502 = arith.index_cast %add3A_501 : i32 to index
        %swap3A_503 = arith.constant 48 : index
        %swap3A_504 = tpu.vector_load %arg9[%swap3A_502, %swap3A_503] {strides = array<i32>} : memref<200x64xf32, #tpu.memory_space<vmem>>, vector<1x16xf32>,
        %swap3A_505 = vector.shape_cast %swap3A_504 : vector<1x16xf32> to vector<16xf32>
        %swap3A_506 = vector.shape_cast %mul3A_499 : vector<16xf32> to vector<1x16xf32>
        tpu.vector_store %arg9[%swap3A_502, %swap3A_503], %swap3A_506 {strides = array<i32>} : memref<200x64xf32, #tpu.memory_space<vmem>>, vector<1x16xf32>,
        %add3A_507 = arith.constant 3 : i32
        %add3A_508 = arith.addi %mul3A_315, %add3A_507 : i32
        %get3A_509 = arith.index_cast %add3A_508 : i32 to index
        %get3A_510 = arith.constant 0 : index
        %get3A_511 = tpu.vector_load %arg7[%get3A_509, %get3A_510] {strides = array<i32>} : memref<208x128xf32, #tpu.memory_space<vmem>>, vector<1x16xf32>,
        %get3A_512 = vector.shape_cast %get3A_511 : vector<1x16xf32> to vector<16xf32>
        %mul3A_513 = arith.constant 8.000000e+00 : f32
        %mul3A_514 = vector.broadcast %mul3A_513 : f32 to vector<16xf32>
        %mul3A_515 = arith.mulf %get3A_512, %mul3A_514 : vector<16xf32>
        %add3A_516 = arith.constant 3 : i32
        %add3A_517 = arith.addi %mul3A_315, %add3A_516 : i32
        %swap3A_518 = arith.index_cast %add3A_517 : i32 to index
        %swap3A_519 = arith.constant 0 : index
        %swap3A_520 = tpu.vector_load %arg9[%swap3A_518, %swap3A_519] {strides = array<i32>} : memref<200x64xf32, #tpu.memory_space<vmem>>, vector<1x16xf32>,
        %swap3A_521 = vector.shape_cast %swap3A_520 : vector<1x16xf32> to vector<16xf32>
        %swap3A_522 = vector.shape_cast %mul3A_515 : vector<16xf32> to vector<1x16xf32>
        tpu.vector_store %arg9[%swap3A_518, %swap3A_519], %swap3A_522 {strides = array<i32>} : memref<200x64xf32, #tpu.memory_space<vmem>>, vector<1x16xf32>,
        %add3A_523 = arith.constant 3 : i32
        %add3A_524 = arith.addi %mul3A_315, %add3A_523 : i32
        %get3A_525 = arith.index_cast %add3A_524 : i32 to index
        %get3A_526 = arith.constant 16 : index
        %get3A_527 = tpu.vector_load %arg7[%get3A_525, %get3A_526] {strides = array<i32>} : memref<208x128xf32, #tpu.memory_space<vmem>>, vector<1x16xf32>,
        %get3A_528 = vector.shape_cast %get3A_527 : vector<1x16xf32> to vector<16xf32>
        %mul3A_529 = arith.constant 8.000000e+00 : f32
        %mul3A_530 = vector.broadcast %mul3A_529 : f32 to vector<16xf32>
        %mul3A_531 = arith.mulf %get3A_528, %mul3A_530 : vector<16xf32>
        %add3A_532 = arith.constant 3 : i32
        %add3A_533 = arith.addi %mul3A_315, %add3A_532 : i32
        %swap3A_534 = arith.index_cast %add3A_533 : i32 to index
        %swap3A_535 = arith.constant 16 : index
        %swap3A_536 = tpu.vector_load %arg9[%swap3A_534, %swap3A_535] {strides = array<i32>} : memref<200x64xf32, #tpu.memory_space<vmem>>, vector<1x16xf32>,
        %swap3A_537 = vector.shape_cast %swap3A_536 : vector<1x16xf32> to vector<16xf32>
        %swap3A_538 = vector.shape_cast %mul3A_531 : vector<16xf32> to vector<1x16xf32>
        tpu.vector_store %arg9[%swap3A_534, %swap3A_535], %swap3A_538 {strides = array<i32>} : memref<200x64xf32, #tpu.memory_space<vmem>>, vector<1x16xf32>,
        %add3A_539 = arith.constant 3 : i32
        %add3A_540 = arith.addi %mul3A_315, %add3A_539 : i32
        %get3A_541 = arith.index_cast %add3A_540 : i32 to index
        %get3A_542 = arith.constant 32 : index
        %get3A_543 = tpu.vector_load %arg7[%get3A_541, %get3A_542] {strides = array<i32>} : memref<208x128xf32, #tpu.memory_space<vmem>>, vector<1x16xf32>,
        %get3A_544 = vector.shape_cast %get3A_543 : vector<1x16xf32> to vector<16xf32>
        %mul3A_545 = arith.constant 8.000000e+00 : f32
        %mul3A_546 = vector.broadcast %mul3A_545 : f32 to vector<16xf32>
        %mul3A_547 = arith.mulf %get3A_544, %mul3A_546 : vector<16xf32>
        %add3A_548 = arith.constant 3 : i32
        %add3A_549 = arith.addi %mul3A_315, %add3A_548 : i32
        %swap3A_550 = arith.index_cast %add3A_549 : i32 to index
        %swap3A_551 = arith.constant 32 : index
        %swap3A_552 = tpu.vector_load %arg9[%swap3A_550, %swap3A_551] {strides = array<i32>} : memref<200x64xf32, #tpu.memory_space<vmem>>, vector<1x16xf32>,
        %swap3A_553 = vector.shape_cast %swap3A_552 : vector<1x16xf32> to vector<16xf32>
        %swap3A_554 = vector.shape_cast %mul3A_547 : vector<16xf32> to vector<1x16xf32>
        tpu.vector_store %arg9[%swap3A_550, %swap3A_551], %swap3A_554 {strides = array<i32>} : memref<200x64xf32, #tpu.memory_space<vmem>>, vector<1x16xf32>,
        %add3A_555 = arith.constant 3 : i32
        %add3A_556 = arith.addi %mul3A_315, %add3A_555 : i32
        %get3A_557 = arith.index_cast %add3A_556 : i32 to index
        %get3A_558 = arith.constant 48 : index
        %get3A_559 = tpu.vector_load %arg7[%get3A_557, %get3A_558] {strides = array<i32>} : memref<208x128xf32, #tpu.memory_space<vmem>>, vector<1x16xf32>,
        %get3A_560 = vector.shape_cast %get3A_559 : vector<1x16xf32> to vector<16xf32>
        %mul3A_561 = arith.constant 8.000000e+00 : f32
        %mul3A_562 = vector.broadcast %mul3A_561 : f32 to vector<16xf32>
        %mul3A_563 = arith.mulf %get3A_560, %mul3A_562 : vector<16xf32>
        %add3A_564 = arith.constant 3 : i32
        %add3A_565 = arith.addi %mul3A_315, %add3A_564 : i32
        %swap3A_566 = arith.index_cast %add3A_565 : i32 to index
        %swap3A_567 = arith.constant 48 : index
        %swap3A_568 = tpu.vector_load %arg9[%swap3A_566, %swap3A_567] {strides = array<i32>} : memref<200x64xf32, #tpu.memory_space<vmem>>, vector<1x16xf32>,
        %swap3A_569 = vector.shape_cast %swap3A_568 : vector<1x16xf32> to vector<16xf32>
        %swap3A_570 = vector.shape_cast %mul3A_563 : vector<16xf32> to vector<1x16xf32>
        tpu.vector_store %arg9[%swap3A_566, %swap3A_567], %swap3A_570 {strides = array<i32>} : memref<200x64xf32, #tpu.memory_space<vmem>>, vector<1x16xf32>,
        %add3A_571 = arith.constant 4 : i32
        %add3A_572 = arith.addi %mul3A_315, %add3A_571 : i32
        %get3A_573 = arith.index_cast %add3A_572 : i32 to index
        %get3A_574 = arith.constant 0 : index
        %get3A_575 = tpu.vector_load %arg7[%get3A_573, %get3A_574] {strides = array<i32>} : memref<208x128xf32, #tpu.memory_space<vmem>>, vector<1x16xf32>,
        %get3A_576 = vector.shape_cast %get3A_575 : vector<1x16xf32> to vector<16xf32>
        %mul3A_577 = arith.constant 8.000000e+00 : f32
        %mul3A_578 = vector.broadcast %mul3A_577 : f32 to vector<16xf32>
        %mul3A_579 = arith.mulf %get3A_576, %mul3A_578 : vector<16xf32>
        %add3A_580 = arith.constant 4 : i32
        %add3A_581 = arith.addi %mul3A_315, %add3A_580 : i32
        %swap3A_582 = arith.index_cast %add3A_581 : i32 to index
        %swap3A_583 = arith.constant 0 : index
        %swap3A_584 = tpu.vector_load %arg9[%swap3A_582, %swap3A_583] {strides = array<i32>} : memref<200x64xf32, #tpu.memory_space<vmem>>, vector<1x16xf32>,
        %swap3A_585 = vector.shape_cast %swap3A_584 : vector<1x16xf32> to vector<16xf32>
        %swap3A_586 = vector.shape_cast %mul3A_579 : vector<16xf32> to vector<1x16xf32>
        tpu.vector_store %arg9[%swap3A_582, %swap3A_583], %swap3A_586 {strides = array<i32>} : memref<200x64xf32, #tpu.memory_space<vmem>>, vector<1x16xf32>,
        %add3A_587 = arith.constant 4 : i32
        %add3A_588 = arith.addi %mul3A_315, %add3A_587 : i32
        %get3A_589 = arith.index_cast %add3A_588 : i32 to index
        %get3A_590 = arith.constant 16 : index
        %get3A_591 = tpu.vector_load %arg7[%get3A_589, %get3A_590] {strides = array<i32>} : memref<208x128xf32, #tpu.memory_space<vmem>>, vector<1x16xf32>,
        %get3A_592 = vector.shape_cast %get3A_591 : vector<1x16xf32> to vector<16xf32>
        %mul3A_593 = arith.constant 8.000000e+00 : f32
        %mul3A_594 = vector.broadcast %mul3A_593 : f32 to vector<16xf32>
        %mul3A_595 = arith.mulf %get3A_592, %mul3A_594 : vector<16xf32>
        %add3A_596 = arith.constant 4 : i32
        %add3A_597 = arith.addi %mul3A_315, %add3A_596 : i32
        %swap3A_598 = arith.index_cast %add3A_597 : i32 to index
        %swap3A_599 = arith.constant 16 : index
        %swap3A_600 = tpu.vector_load %arg9[%swap3A_598, %swap3A_599] {strides = array<i32>} : memref<200x64xf32, #tpu.memory_space<vmem>>, vector<1x16xf32>,
        %swap3A_601 = vector.shape_cast %swap3A_600 : vector<1x16xf32> to vector<16xf32>
        %swap3A_602 = vector.shape_cast %mul3A_595 : vector<16xf32> to vector<1x16xf32>
        tpu.vector_store %arg9[%swap3A_598, %swap3A_599], %swap3A_602 {strides = array<i32>} : memref<200x64xf32, #tpu.memory_space<vmem>>, vector<1x16xf32>,
        %add3A_603 = arith.constant 4 : i32
        %add3A_604 = arith.addi %mul3A_315, %add3A_603 : i32
        %get3A_605 = arith.index_cast %add3A_604 : i32 to index
        %get3A_606 = arith.constant 32 : index
        %get3A_607 = tpu.vector_load %arg7[%get3A_605, %get3A_606] {strides = array<i32>} : memref<208x128xf32, #tpu.memory_space<vmem>>, vector<1x16xf32>,
        %get3A_608 = vector.shape_cast %get3A_607 : vector<1x16xf32> to vector<16xf32>
        %mul3A_609 = arith.constant 8.000000e+00 : f32
        %mul3A_610 = vector.broadcast %mul3A_609 : f32 to vector<16xf32>
        %mul3A_611 = arith.mulf %get3A_608, %mul3A_610 : vector<16xf32>
        %add3A_612 = arith.constant 4 : i32
        %add3A_613 = arith.addi %mul3A_315, %add3A_612 : i32
        %swap3A_614 = arith.index_cast %add3A_613 : i32 to index
        %swap3A_615 = arith.constant 32 : index
        %swap3A_616 = tpu.vector_load %arg9[%swap3A_614, %swap3A_615] {strides = array<i32>} : memref<200x64xf32, #tpu.memory_space<vmem>>, vector<1x16xf32>,
        %swap3A_617 = vector.shape_cast %swap3A_616 : vector<1x16xf32> to vector<16xf32>
        %swap3A_618 = vector.shape_cast %mul3A_611 : vector<16xf32> to vector<1x16xf32>
        tpu.vector_store %arg9[%swap3A_614, %swap3A_615], %swap3A_618 {strides = array<i32>} : memref<200x64xf32, #tpu.memory_space<vmem>>, vector<1x16xf32>,
        %add3A_619 = arith.constant 4 : i32
        %add3A_620 = arith.addi %mul3A_315, %add3A_619 : i32
        %get3A_621 = arith.index_cast %add3A_620 : i32 to index
        %get3A_622 = arith.constant 48 : index
        %get3A_623 = tpu.vector_load %arg7[%get3A_621, %get3A_622] {strides = array<i32>} : memref<208x128xf32, #tpu.memory_space<vmem>>, vector<1x16xf32>,
        %get3A_624 = vector.shape_cast %get3A_623 : vector<1x16xf32> to vector<16xf32>
        %mul3A_625 = arith.constant 8.000000e+00 : f32
        %mul3A_626 = vector.broadcast %mul3A_625 : f32 to vector<16xf32>
        %mul3A_627 = arith.mulf %get3A_624, %mul3A_626 : vector<16xf32>
        %add3A_628 = arith.constant 4 : i32
        %add3A_629 = arith.addi %mul3A_315, %add3A_628 : i32
        %swap3A_630 = arith.index_cast %add3A_629 : i32 to index
        %swap3A_631 = arith.constant 48 : index
        %swap3A_632 = tpu.vector_load %arg9[%swap3A_630, %swap3A_631] {strides = array<i32>} : memref<200x64xf32, #tpu.memory_space<vmem>>, vector<1x16xf32>,
        %swap3A_633 = vector.shape_cast %swap3A_632 : vector<1x16xf32> to vector<16xf32>
        %swap3A_634 = vector.shape_cast %mul3A_627 : vector<16xf32> to vector<1x16xf32>
        tpu.vector_store %arg9[%swap3A_630, %swap3A_631], %swap3A_634 {strides = array<i32>} : memref<200x64xf32, #tpu.memory_space<vmem>>, vector<1x16xf32>,
        %add3A_635 = arith.constant 5 : i32
        %add3A_636 = arith.addi %mul3A_315, %add3A_635 : i32
        %get3A_637 = arith.index_cast %add3A_636 : i32 to index
        %get3A_638 = arith.constant 0 : index
        %get3A_639 = tpu.vector_load %arg7[%get3A_637, %get3A_638] {strides = array<i32>} : memref<208x128xf32, #tpu.memory_space<vmem>>, vector<1x16xf32>,
        %get3A_640 = vector.shape_cast %get3A_639 : vector<1x16xf32> to vector<16xf32>
        %mul3A_641 = arith.constant 8.000000e+00 : f32
        %mul3A_642 = vector.broadcast %mul3A_641 : f32 to vector<16xf32>
        %mul3A_643 = arith.mulf %get3A_640, %mul3A_642 : vector<16xf32>
        %add3A_644 = arith.constant 5 : i32
        %add3A_645 = arith.addi %mul3A_315, %add3A_644 : i32
        %swap3A_646 = arith.index_cast %add3A_645 : i32 to index
        %swap3A_647 = arith.constant 0 : index
        %swap3A_648 = tpu.vector_load %arg9[%swap3A_646, %swap3A_647] {strides = array<i32>} : memref<200x64xf32, #tpu.memory_space<vmem>>, vector<1x16xf32>,
        %swap3A_649 = vector.shape_cast %swap3A_648 : vector<1x16xf32> to vector<16xf32>
        %swap3A_650 = vector.shape_cast %mul3A_643 : vector<16xf32> to vector<1x16xf32>
        tpu.vector_store %arg9[%swap3A_646, %swap3A_647], %swap3A_650 {strides = array<i32>} : memref<200x64xf32, #tpu.memory_space<vmem>>, vector<1x16xf32>,
        %add3A_651 = arith.constant 5 : i32
        %add3A_652 = arith.addi %mul3A_315, %add3A_651 : i32
        %get3A_653 = arith.index_cast %add3A_652 : i32 to index
        %get3A_654 = arith.constant 16 : index
        %get3A_655 = tpu.vector_load %arg7[%get3A_653, %get3A_654] {strides = array<i32>} : memref<208x128xf32, #tpu.memory_space<vmem>>, vector<1x16xf32>,
        %get3A_656 = vector.shape_cast %get3A_655 : vector<1x16xf32> to vector<16xf32>
        %mul3A_657 = arith.constant 8.000000e+00 : f32
        %mul3A_658 = vector.broadcast %mul3A_657 : f32 to vector<16xf32>
        %mul3A_659 = arith.mulf %get3A_656, %mul3A_658 : vector<16xf32>
        %add3A_660 = arith.constant 5 : i32
        %add3A_661 = arith.addi %mul3A_315, %add3A_660 : i32
        %swap3A_662 = arith.index_cast %add3A_661 : i32 to index
        %swap3A_663 = arith.constant 16 : index
        %swap3A_664 = tpu.vector_load %arg9[%swap3A_662, %swap3A_663] {strides = array<i32>} : memref<200x64xf32, #tpu.memory_space<vmem>>, vector<1x16xf32>,
        %swap3A_665 = vector.shape_cast %swap3A_664 : vector<1x16xf32> to vector<16xf32>
        %swap3A_666 = vector.shape_cast %mul3A_659 : vector<16xf32> to vector<1x16xf32>
        tpu.vector_store %arg9[%swap3A_662, %swap3A_663], %swap3A_666 {strides = array<i32>} : memref<200x64xf32, #tpu.memory_space<vmem>>, vector<1x16xf32>,
        %add3A_667 = arith.constant 5 : i32
        %add3A_668 = arith.addi %mul3A_315, %add3A_667 : i32
        %get3A_669 = arith.index_cast %add3A_668 : i32 to index
        %get3A_670 = arith.constant 32 : index
        %get3A_671 = tpu.vector_load %arg7[%get3A_669, %get3A_670] {strides = array<i32>} : memref<208x128xf32, #tpu.memory_space<vmem>>, vector<1x16xf32>,
        %get3A_672 = vector.shape_cast %get3A_671 : vector<1x16xf32> to vector<16xf32>
        %mul3A_673 = arith.constant 8.000000e+00 : f32
        %mul3A_674 = vector.broadcast %mul3A_673 : f32 to vector<16xf32>
        %mul3A_675 = arith.mulf %get3A_672, %mul3A_674 : vector<16xf32>
        %add3A_676 = arith.constant 5 : i32
        %add3A_677 = arith.addi %mul3A_315, %add3A_676 : i32
        %swap3A_678 = arith.index_cast %add3A_677 : i32 to index
        %swap3A_679 = arith.constant 32 : index
        %swap3A_680 = tpu.vector_load %arg9[%swap3A_678, %swap3A_679] {strides = array<i32>} : memref<200x64xf32, #tpu.memory_space<vmem>>, vector<1x16xf32>,
        %swap3A_681 = vector.shape_cast %swap3A_680 : vector<1x16xf32> to vector<16xf32>
        %swap3A_682 = vector.shape_cast %mul3A_675 : vector<16xf32> to vector<1x16xf32>
        tpu.vector_store %arg9[%swap3A_678, %swap3A_679], %swap3A_682 {strides = array<i32>} : memref<200x64xf32, #tpu.memory_space<vmem>>, vector<1x16xf32>,
        %add3A_683 = arith.constant 5 : i32
        %add3A_684 = arith.addi %mul3A_315, %add3A_683 : i32
        %get3A_685 = arith.index_cast %add3A_684 : i32 to index
        %get3A_686 = arith.constant 48 : index
        %get3A_687 = tpu.vector_load %arg7[%get3A_685, %get3A_686] {strides = array<i32>} : memref<208x128xf32, #tpu.memory_space<vmem>>, vector<1x16xf32>,
        %get3A_688 = vector.shape_cast %get3A_687 : vector<1x16xf32> to vector<16xf32>
        %mul3A_689 = arith.constant 8.000000e+00 : f32
        %mul3A_690 = vector.broadcast %mul3A_689 : f32 to vector<16xf32>
        %mul3A_691 = arith.mulf %get3A_688, %mul3A_690 : vector<16xf32>
        %add3A_692 = arith.constant 5 : i32
        %add3A_693 = arith.addi %mul3A_315, %add3A_692 : i32
        %swap3A_694 = arith.index_cast %add3A_693 : i32 to index
        %swap3A_695 = arith.constant 48 : index
        %swap3A_696 = tpu.vector_load %arg9[%swap3A_694, %swap3A_695] {strides = array<i32>} : memref<200x64xf32, #tpu.memory_space<vmem>>, vector<1x16xf32>,
        %swap3A_697 = vector.shape_cast %swap3A_696 : vector<1x16xf32> to vector<16xf32>
        %swap3A_698 = vector.shape_cast %mul3A_691 : vector<16xf32> to vector<1x16xf32>
        tpu.vector_store %arg9[%swap3A_694, %swap3A_695], %swap3A_698 {strides = array<i32>} : memref<200x64xf32, #tpu.memory_space<vmem>>, vector<1x16xf32>,
        %add3A_699 = arith.constant 6 : i32
        %add3A_700 = arith.addi %mul3A_315, %add3A_699 : i32
        %get3A_701 = arith.index_cast %add3A_700 : i32 to index
        %get3A_702 = arith.constant 0 : index
        %get3A_703 = tpu.vector_load %arg7[%get3A_701, %get3A_702] {strides = array<i32>} : memref<208x128xf32, #tpu.memory_space<vmem>>, vector<1x16xf32>,
        %get3A_704 = vector.shape_cast %get3A_703 : vector<1x16xf32> to vector<16xf32>
        %mul3A_705 = arith.constant 8.000000e+00 : f32
        %mul3A_706 = vector.broadcast %mul3A_705 : f32 to vector<16xf32>
        %mul3A_707 = arith.mulf %get3A_704, %mul3A_706 : vector<16xf32>
        %add3A_708 = arith.constant 6 : i32
        %add3A_709 = arith.addi %mul3A_315, %add3A_708 : i32
        %swap3A_710 = arith.index_cast %add3A_709 : i32 to index
        %swap3A_711 = arith.constant 0 : index
        %swap3A_712 = tpu.vector_load %arg9[%swap3A_710, %swap3A_711] {strides = array<i32>} : memref<200x64xf32, #tpu.memory_space<vmem>>, vector<1x16xf32>,
        %swap3A_713 = vector.shape_cast %swap3A_712 : vector<1x16xf32> to vector<16xf32>
        %swap3A_714 = vector.shape_cast %mul3A_707 : vector<16xf32> to vector<1x16xf32>
        tpu.vector_store %arg9[%swap3A_710, %swap3A_711], %swap3A_714 {strides = array<i32>} : memref<200x64xf32, #tpu.memory_space<vmem>>, vector<1x16xf32>,
        %add3A_715 = arith.constant 6 : i32
        %add3A_716 = arith.addi %mul3A_315, %add3A_715 : i32
        %get3A_717 = arith.index_cast %add3A_716 : i32 to index
        %get3A_718 = arith.constant 16 : index
        %get3A_719 = tpu.vector_load %arg7[%get3A_717, %get3A_718] {strides = array<i32>} : memref<208x128xf32, #tpu.memory_space<vmem>>, vector<1x16xf32>,
        %get3A_720 = vector.shape_cast %get3A_719 : vector<1x16xf32> to vector<16xf32>
        %mul3A_721 = arith.constant 8.000000e+00 : f32
        %mul3A_722 = vector.broadcast %mul3A_721 : f32 to vector<16xf32>
        %mul3A_723 = arith.mulf %get3A_720, %mul3A_722 : vector<16xf32>
        %add3A_724 = arith.constant 6 : i32
        %add3A_725 = arith.addi %mul3A_315, %add3A_724 : i32
        %swap3A_726 = arith.index_cast %add3A_725 : i32 to index
        %swap3A_727 = arith.constant 16 : index
        %swap3A_728 = tpu.vector_load %arg9[%swap3A_726, %swap3A_727] {strides = array<i32>} : memref<200x64xf32, #tpu.memory_space<vmem>>, vector<1x16xf32>,
        %swap3A_729 = vector.shape_cast %swap3A_728 : vector<1x16xf32> to vector<16xf32>
        %swap3A_730 = vector.shape_cast %mul3A_723 : vector<16xf32> to vector<1x16xf32>
        tpu.vector_store %arg9[%swap3A_726, %swap3A_727], %swap3A_730 {strides = array<i32>} : memref<200x64xf32, #tpu.memory_space<vmem>>, vector<1x16xf32>,
        %add3A_731 = arith.constant 6 : i32
        %add3A_732 = arith.addi %mul3A_315, %add3A_731 : i32
        %get3A_733 = arith.index_cast %add3A_732 : i32 to index
        %get3A_734 = arith.constant 32 : index
        %get3A_735 = tpu.vector_load %arg7[%get3A_733, %get3A_734] {strides = array<i32>} : memref<208x128xf32, #tpu.memory_space<vmem>>, vector<1x16xf32>,
        %get3A_736 = vector.shape_cast %get3A_735 : vector<1x16xf32> to vector<16xf32>
        %mul3A_737 = arith.constant 8.000000e+00 : f32
        %mul3A_738 = vector.broadcast %mul3A_737 : f32 to vector<16xf32>
        %mul3A_739 = arith.mulf %get3A_736, %mul3A_738 : vector<16xf32>
        %add3A_740 = arith.constant 6 : i32
        %add3A_741 = arith.addi %mul3A_315, %add3A_740 : i32
        %swap3A_742 = arith.index_cast %add3A_741 : i32 to index
        %swap3A_743 = arith.constant 32 : index
        %swap3A_744 = tpu.vector_load %arg9[%swap3A_742, %swap3A_743] {strides = array<i32>} : memref<200x64xf32, #tpu.memory_space<vmem>>, vector<1x16xf32>,
        %swap3A_745 = vector.shape_cast %swap3A_744 : vector<1x16xf32> to vector<16xf32>
        %swap3A_746 = vector.shape_cast %mul3A_739 : vector<16xf32> to vector<1x16xf32>
        tpu.vector_store %arg9[%swap3A_742, %swap3A_743], %swap3A_746 {strides = array<i32>} : memref<200x64xf32, #tpu.memory_space<vmem>>, vector<1x16xf32>,
        %add3A_747 = arith.constant 6 : i32
        %add3A_748 = arith.addi %mul3A_315, %add3A_747 : i32
        %get3A_749 = arith.index_cast %add3A_748 : i32 to index
        %get3A_750 = arith.constant 48 : index
        %get3A_751 = tpu.vector_load %arg7[%get3A_749, %get3A_750] {strides = array<i32>} : memref<208x128xf32, #tpu.memory_space<vmem>>, vector<1x16xf32>,
        %get3A_752 = vector.shape_cast %get3A_751 : vector<1x16xf32> to vector<16xf32>
        %mul3A_753 = arith.constant 8.000000e+00 : f32
        %mul3A_754 = vector.broadcast %mul3A_753 : f32 to vector<16xf32>
        %mul3A_755 = arith.mulf %get3A_752, %mul3A_754 : vector<16xf32>
        %add3A_756 = arith.constant 6 : i32
        %add3A_757 = arith.addi %mul3A_315, %add3A_756 : i32
        %swap3A_758 = arith.index_cast %add3A_757 : i32 to index
        %swap3A_759 = arith.constant 48 : index
        %swap3A_760 = tpu.vector_load %arg9[%swap3A_758, %swap3A_759] {strides = array<i32>} : memref<200x64xf32, #tpu.memory_space<vmem>>, vector<1x16xf32>,
        %swap3A_761 = vector.shape_cast %swap3A_760 : vector<1x16xf32> to vector<16xf32>
        %swap3A_762 = vector.shape_cast %mul3A_755 : vector<16xf32> to vector<1x16xf32>
        tpu.vector_store %arg9[%swap3A_758, %swap3A_759], %swap3A_762 {strides = array<i32>} : memref<200x64xf32, #tpu.memory_space<vmem>>, vector<1x16xf32>,
        %add3A_763 = arith.constant 7 : i32
        %add3A_764 = arith.addi %mul3A_315, %add3A_763 : i32
        %get3A_765 = arith.index_cast %add3A_764 : i32 to index
        %get3A_766 = arith.constant 0 : index
        %get3A_767 = tpu.vector_load %arg7[%get3A_765, %get3A_766] {strides = array<i32>} : memref<208x128xf32, #tpu.memory_space<vmem>>, vector<1x16xf32>,
        %get3A_768 = vector.shape_cast %get3A_767 : vector<1x16xf32> to vector<16xf32>
        %mul3A_769 = arith.constant 8.000000e+00 : f32
        %mul3A_770 = vector.broadcast %mul3A_769 : f32 to vector<16xf32>
        %mul3A_771 = arith.mulf %get3A_768, %mul3A_770 : vector<16xf32>
        %add3A_772 = arith.constant 7 : i32
        %add3A_773 = arith.addi %mul3A_315, %add3A_772 : i32
        %swap3A_774 = arith.index_cast %add3A_773 : i32 to index
        %swap3A_775 = arith.constant 0 : index
        %swap3A_776 = tpu.vector_load %arg9[%swap3A_774, %swap3A_775] {strides = array<i32>} : memref<200x64xf32, #tpu.memory_space<vmem>>, vector<1x16xf32>,
        %swap3A_777 = vector.shape_cast %swap3A_776 : vector<1x16xf32> to vector<16xf32>
        %swap3A_778 = vector.shape_cast %mul3A_771 : vector<16xf32> to vector<1x16xf32>
        tpu.vector_store %arg9[%swap3A_774, %swap3A_775], %swap3A_778 {strides = array<i32>} : memref<200x64xf32, #tpu.memory_space<vmem>>, vector<1x16xf32>,
        %add3A_779 = arith.constant 7 : i32
        %add3A_780 = arith.addi %mul3A_315, %add3A_779 : i32
        %get3A_781 = arith.index_cast %add3A_780 : i32 to index
        %get3A_782 = arith.constant 16 : index
        %get3A_783 = tpu.vector_load %arg7[%get3A_781, %get3A_782] {strides = array<i32>} : memref<208x128xf32, #tpu.memory_space<vmem>>, vector<1x16xf32>,
        %get3A_784 = vector.shape_cast %get3A_783 : vector<1x16xf32> to vector<16xf32>
        %mul3A_785 = arith.constant 8.000000e+00 : f32
        %mul3A_786 = vector.broadcast %mul3A_785 : f32 to vector<16xf32>
        %mul3A_787 = arith.mulf %get3A_784, %mul3A_786 : vector<16xf32>
        %add3A_788 = arith.constant 7 : i32
        %add3A_789 = arith.addi %mul3A_315, %add3A_788 : i32
        %swap3A_790 = arith.index_cast %add3A_789 : i32 to index
        %swap3A_791 = arith.constant 16 : index
        %swap3A_792 = tpu.vector_load %arg9[%swap3A_790, %swap3A_791] {strides = array<i32>} : memref<200x64xf32, #tpu.memory_space<vmem>>, vector<1x16xf32>,
        %swap3A_793 = vector.shape_cast %swap3A_792 : vector<1x16xf32> to vector<16xf32>
        %swap3A_794 = vector.shape_cast %mul3A_787 : vector<16xf32> to vector<1x16xf32>
        tpu.vector_store %arg9[%swap3A_790, %swap3A_791], %swap3A_794 {strides = array<i32>} : memref<200x64xf32, #tpu.memory_space<vmem>>, vector<1x16xf32>,
        %add3A_795 = arith.constant 7 : i32
        %add3A_796 = arith.addi %mul3A_315, %add3A_795 : i32
        %get3A_797 = arith.index_cast %add3A_796 : i32 to index
        %get3A_798 = arith.constant 32 : index
        %get3A_799 = tpu.vector_load %arg7[%get3A_797, %get3A_798] {strides = array<i32>} : memref<208x128xf32, #tpu.memory_space<vmem>>, vector<1x16xf32>,
        %get3A_800 = vector.shape_cast %get3A_799 : vector<1x16xf32> to vector<16xf32>
        %mul3A_801 = arith.constant 8.000000e+00 : f32
        %mul3A_802 = vector.broadcast %mul3A_801 : f32 to vector<16xf32>
        %mul3A_803 = arith.mulf %get3A_800, %mul3A_802 : vector<16xf32>
        %add3A_804 = arith.constant 7 : i32
        %add3A_805 = arith.addi %mul3A_315, %add3A_804 : i32
        %swap3A_806 = arith.index_cast %add3A_805 : i32 to index
        %swap3A_807 = arith.constant 32 : index
        %swap3A_808 = tpu.vector_load %arg9[%swap3A_806, %swap3A_807] {strides = array<i32>} : memref<200x64xf32, #tpu.memory_space<vmem>>, vector<1x16xf32>,
        %swap3A_809 = vector.shape_cast %swap3A_808 : vector<1x16xf32> to vector<16xf32>
        %swap3A_810 = vector.shape_cast %mul3A_803 : vector<16xf32> to vector<1x16xf32>
        tpu.vector_store %arg9[%swap3A_806, %swap3A_807], %swap3A_810 {strides = array<i32>} : memref<200x64xf32, #tpu.memory_space<vmem>>, vector<1x16xf32>,
        %add3A_811 = arith.constant 7 : i32
        %add3A_812 = arith.addi %mul3A_315, %add3A_811 : i32
        %get3A_813 = arith.index_cast %add3A_812 : i32 to index
        %get3A_814 = arith.constant 48 : index
        %get3A_815 = tpu.vector_load %arg7[%get3A_813, %get3A_814] {strides = array<i32>} : memref<208x128xf32, #tpu.memory_space<vmem>>, vector<1x16xf32>,
        %get3A_816 = vector.shape_cast %get3A_815 : vector<1x16xf32> to vector<16xf32>
        %mul3A_817 = arith.constant 8.000000e+00 : f32
        %mul3A_818 = vector.broadcast %mul3A_817 : f32 to vector<16xf32>
        %mul3A_819 = arith.mulf %get3A_816, %mul3A_818 : vector<16xf32>
        %add3A_820 = arith.constant 7 : i32
        %add3A_821 = arith.addi %mul3A_315, %add3A_820 : i32
        %swap3A_822 = arith.index_cast %add3A_821 : i32 to index
        %swap3A_823 = arith.constant 48 : index
        %swap3A_824 = tpu.vector_load %arg9[%swap3A_822, %swap3A_823] {strides = array<i32>} : memref<200x64xf32, #tpu.memory_space<vmem>>, vector<1x16xf32>,
        %swap3A_825 = vector.shape_cast %swap3A_824 : vector<1x16xf32> to vector<16xf32>
        %swap3A_826 = vector.shape_cast %mul3A_819 : vector<16xf32> to vector<1x16xf32>
        tpu.vector_store %arg9[%swap3A_822, %swap3A_823], %swap3A_826 {strides = array<i32>} : memref<200x64xf32, #tpu.memory_space<vmem>>, vector<1x16xf32>,
      }
      %scan3A_303 = arith.constant 25 : i32
      %mul3A_304 = arith.constant 128 : i32
      %mul3A_305 = arith.muli %add3A, %mul3A_304 : i32
      %add3A_306 = arith.addi %mul3A_305, %add3A_236 : i32
      %mul3A_307 = arith.constant 200 : i32
      %mul3A_308 = arith.muli %add3A_306, %mul3A_307 : i32
      %dma_start3A_309 = arith.constant 0 : i32
      %dma_start3A_310 = tpu.memref_slice %arg4[%mul3A_308, %dma_start3A_309] : memref<819200x64xf32, #tpu.memory_space<hbm>> -> memref<200x64xf32, #tpu.memory_space<hbm>>
      %dma_start3A_311 = arith.constant 0 : i32
      %dma_start3A_312 = tpu.memref_slice %arg4[%mul3A_308, %dma_start3A_311] : memref<819200x64xf32, #tpu.memory_space<hbm>> -> memref<200x64xf32, #tpu.memory_space<hbm>>
      tpu.enqueue_dma source(%arg9 : memref<200x64xf32, #tpu.memory_space<vmem>>) target(%dma_start3A_312 : memref<200x64xf32, #tpu.memory_space<hbm>>) target_semaphore(%arg13 : memref<!tpu.dma_semaphore, #tpu.memory_space<semaphore_mem>>)
    }
    %scan3A_150 = arith.constant 64 : i32
    %dma_wait3A = arith.constant 0 : i32
    %dma_wait3A_151 = arith.constant 0 : i32
    %dma_wait3A_152 = tpu.memref_slice %arg4[%dma_wait3A, %dma_wait3A_151] : memref<819200x64xf32, #tpu.memory_space<hbm>> -> memref<200x64xf32, #tpu.memory_space<hbm>>
    %dma_wait3A_153 = arith.constant 0 : i32
    %dma_wait3A_154 = arith.constant 0 : i32
    %dma_wait3A_155 = tpu.memref_slice %arg4[%dma_wait3A_153, %dma_wait3A_154] : memref<819200x64xf32, #tpu.memory_space<hbm>> -> memref<200x64xf32, #tpu.memory_space<hbm>>
    tpu.wait_dma2 semaphore(%arg12 : memref<!tpu.dma_semaphore, #tpu.memory_space<semaphore_mem>>) src(%arg8 : memref<200x64xf32, #tpu.memory_space<vmem>>) dst(%dma_wait3A_155 : memref<200x64xf32, #tpu.memory_space<hbm>>)
    %dma_wait3A_156 = arith.constant 0 : i32
    %dma_wait3A_157 = arith.constant 0 : i32
    %dma_wait3A_158 = tpu.memref_slice %arg4[%dma_wait3A_156, %dma_wait3A_157] : memref<819200x64xf32, #tpu.memory_space<hbm>> -> memref<200x64xf32, #tpu.memory_space<hbm>>
    %dma_wait3A_159 = arith.constant 0 : i32
    %dma_wait3A_160 = arith.constant 0 : i32
    %dma_wait3A_161 = tpu.memref_slice %arg4[%dma_wait3A_159, %dma_wait3A_160] : memref<819200x64xf32, #tpu.memory_space<hbm>> -> memref<200x64xf32, #tpu.memory_space<hbm>>
    tpu.wait_dma2 semaphore(%arg13 : memref<!tpu.dma_semaphore, #tpu.memory_space<semaphore_mem>>) src(%arg9 : memref<200x64xf32, #tpu.memory_space<vmem>>) dst(%dma_wait3A_161 : memref<200x64xf32, #tpu.memory_space<hbm>>)
    return
  }
}

</mosaic_0001>

<sc_bundles>
// kernel: kernel.3.cloned.1.call-start
scs
__scs_entry_jumppad:
0x0: {  	(pc) =	sbr.rel $0x88, $3  }
0x1: {  	(tag) =	ssettag $0x0;
	lr =	simm.s32 $0x1  }
0x2: {  	[smem:$0x3F9F] =	sst lr;
	_ =	strace $0xD0000000  }
0x3: {  	_ = 	snop  }
0x4: {  	_ = 	snop  }
0x5: {  	_ = 	snop  }
0x6: {  	_ = 	snop  }
0x7: {  	_ = 	snop  }
__scs_overlays_trampoline_lowered:
0x8: {  	[smem:$0x3FAE] =	sst s0  }
0x9: {  	[smem:$0x3FAF] =	sst s1  }
0xa: {  	[smem:$0x3FB0] =	sst s2  }
0xb: {  	[smem:$0x3FB1] =	sst s3  }
0xc: {  	[smem:$0x3FB2] =	sst s4  }
0xd: {  	[smem:$0x3FB3] =	sst s5  }
0xe: {  	[smem:$0x3FB4] =	sst s6  }
0xf: {  	[smem:$0x3FB5] =	sst s7  }
0x10: {  	[smem:$0x3FB6] =	sst s8  }
0x11: {  	[smem:$0x3FB7] =	sst s9;
	s0 =	simm.s32 @!p0 $0x0  }
0x12: {  	s1 =	sld [smem:$0x3F9D];
	s0 =	simm.s32 @p0 $0x1  }
0x13: {  	[smem:$0x3FB8] =	sst s0;
	s0 =	simm.s32 @!p1 $0x0  }
0x14: {  	s2 =	sld [smem:$0x3F9C];
	s0 =	simm.s32 @p1 $0x1  }
0x15: {  	[smem:$0x3FB9] =	sst s0;
	s0 =	simm.s32 @!p2 $0x0  }
0x16: {  	s3 =	sld [smem:$0x3FDB];
	s0 =	simm.s32 @p2 $0x1  }
0x17: {  	s4 =	simm.s32 $0x1BF5;
	[smem:$0x3FBB] =	sst s0  }
0x18: {  	s0 =	sld [smem:$0x3F9E];
	_ =	swait.ge [sflag:s4], $0x0  }
0x19: {  	s7 =	sld [smem:$0x3F9F]  }
0x1a: {  	s8 =	sadd.s32 $0xFFFFE003, lr  }
0x1b: {  	s9 =	sadd.s32 $0xFFFFFEF7, lr;
	s5 =	simm.s32 $0xFFFFFFFF;
	p2 =	slt.u32 s8, $0xFFFFF086  }
0x1c: {  	p1 =	slt.u32 s9, $0xF7A;
	s5 =	simm.s32 @!p2 $0x0  }
0x1d: {  	s5 =	simm.s32 @p1 $0x1;
	p0 =	seq.s32 s7, s2  }
0x1e: {  	s7 =	smul.u32 @!p0 $0xF7A, s2;
	p2 =	seq.s32 @!p0 s5, $0x0  }
0x1f: {  	s9 =	smul.u32 $0xF7A, s1;
	s8 =	simm.s32 @!p0 $0x1BF5;
	p2 =	por !p2, p0  }
0x20: {  	[sflag:s8] =	ssyncset.s32 @!p0 $0xFFFFF086;
	s6 =	sadd.s32 @!p0 s3, s7;
	s7 =	simm.s32 @!p0 $0x108  }
0x21: {  	s3 =	sadd.s32 s3, s9;
	s6 =	sadd.s32 @!p0 $0x88, s6;
	s7 =	simm.s32 @p2 $0x1082  }
0x22: {  	[simem:s7], [sflag:s8] =	dma.local @!p0 [hbm:s6], $0xF7A  }
0x23: {  	s9 =	sor.u32 $0xD0000000, s2;
	s6 =	simm.s32 $0x108;
	_ =	swait.ge @!p0 [sflag:s8], $0x0  }
0x24: {  	s3 =	sadd.s32 $0x88, s3;
	s6 =	simm.s32 @!p1 $0x1082;
	[sflag:s4] =	ssyncset.s32 $0xFFFFF086  }
0x25: {  	[simem:s6], [sflag:s4] =	dma.local [hbm:s3], $0xF7A  }
0x26: {  	[smem:$0x3F9F] =	sst s1;
	(tag) =	ssettag s2;
	_ =	strace s9  }
0x27: {  	s1 =	sld [smem:$0x3FAF]  }
0x28: {  	s2 =	sld [smem:$0x3FB0]  }
0x29: {  	s4 =	sld [smem:$0x3FB2]  }
0x2a: {  	p0 =	seq.s32 s5, $0x0;
	s5 =	sld [smem:$0x3FB3]  }
0x2b: {  	s6 =	sld [smem:$0x3FB4]  }
0x2c: {  	s7 =	sld [smem:$0x3FB5]  }
0x2d: {  	s3 =	simm.s32 $0x108;
	s8 =	sld [smem:$0x3FB6]  }
0x2e: {  	s3 =	simm.s32 @!p0 $0x1082;
	s9 =	sld [smem:$0x3FB7]  }
0x2f: {  	lr =	sadd.s32 s0, s3;
	s0 =	sld [smem:$0x3FAE]  }
0x30: {  	s3 =	sld [smem:$0x3FB1]  }
0x31: {  	[smem:$0x3FBA] =	sst s10  }
0x32: {  	s10 =	sld [smem:$0x3FB8];
	_ =	sdelay $0x3  }
0x33: {  	p0 =	seq.s32 s10, $0x1;
	s10 =	sld [smem:$0x3FBA];
	_ =	sdelay $0x3  }
0x34: {  	[smem:$0x3FBA] =	sst s10  }
0x35: {  	s10 =	sld [smem:$0x3FB9];
	_ =	sdelay $0x3  }
0x36: {  	p1 =	seq.s32 s10, $0x1;
	s10 =	sld [smem:$0x3FBA];
	_ =	sdelay $0x3  }
0x37: {  	[smem:$0x3FBA] =	sst s10  }
0x38: {  	s10 =	sld [smem:$0x3FBB]  }
0x39: {  	_ = 	snop;
	(pc) =	sbr.ind lr, $3  }
0x3a: {  	_ = 	snop  }
0x3b: {  	_ = 	snop  }
0x3c: {  	p2 =	seq.s32 s10, $0x1;
	s10 =	sld [smem:$0x3FBA]  }
0x3d: {  	_ =	shalt  }
0x3e: {  	_ =	shalt  }
0x3f: {  	_ =	shalt  }
0x40: {  	_ =	shalt  }
0x41: {  	_ =	shalt  }
0x42: {  	_ =	shalt  }
0x43: {  	_ =	shalt  }
0x44: {  	_ =	shalt  }
0x45: {  	_ =	shalt  }
0x46: {  	_ =	shalt  }
0x47: {  	_ =	shalt  }
0x48: {  	_ =	shalt  }
0x49: {  	_ =	shalt  }
0x4a: {  	_ =	shalt  }
0x4b: {  	_ =	shalt  }
0x4c: {  	_ =	shalt  }
0x4d: {  	_ =	shalt  }
0x4e: {  	_ =	shalt  }
0x4f: {  	_ =	shalt  }
0x50: {  	_ =	shalt  }
0x51: {  	_ =	shalt  }
0x52: {  	_ =	shalt  }
0x53: {  	_ =	shalt  }
0x54: {  	_ =	shalt  }
0x55: {  	_ =	shalt  }
0x56: {  	_ =	shalt  }
0x57: {  	_ =	shalt  }
0x58: {  	_ =	shalt  }
0x59: {  	_ =	shalt  }
0x5a: {  	_ =	shalt  }
0x5b: {  	_ =	shalt  }
0x5c: {  	_ =	shalt  }
0x5d: {  	_ =	shalt  }
0x5e: {  	_ =	shalt  }
0x5f: {  	_ =	shalt  }
0x60: {  	_ =	shalt  }
0x61: {  	_ =	shalt  }
0x62: {  	_ =	shalt  }
0x63: {  	_ =	shalt  }
0x64: {  	_ =	shalt  }
0x65: {  	_ =	shalt  }
0x66: {  	_ =	shalt  }
0x67: {  	_ =	shalt  }
0x68: {  	_ =	shalt  }
0x69: {  	_ =	shalt  }
0x6a: {  	_ =	shalt  }
0x6b: {  	_ =	shalt  }
0x6c: {  	_ =	shalt  }
0x6d: {  	_ =	shalt  }
0x6e: {  	_ =	shalt  }
0x6f: {  	_ =	shalt  }
0x70: {  	_ =	shalt  }
0x71: {  	_ =	shalt  }
0x72: {  	_ =	shalt  }
0x73: {  	_ =	shalt  }
0x74: {  	_ =	shalt  }
0x75: {  	_ =	shalt  }
0x76: {  	_ =	shalt  }
0x77: {  	_ =	shalt  }
0x78: {  	_ =	shalt  }
0x79: {  	_ =	shalt  }
0x7a: {  	_ =	shalt  }
0x7b: {  	_ =	shalt  }
0x7c: {  	_ =	shalt  }
0x7d: {  	_ =	shalt  }
0x7e: {  	_ =	shalt  }
0x7f: {  	_ =	shalt  }
0x80: {  	_ =	shalt  }
0x81: {  	_ =	shalt  }
0x82: {  	_ =	shalt  }
0x83: {  	_ =	shalt  }
0x84: {  	_ =	shalt  }
0x85: {  	_ =	shalt  }
0x86: {  	_ =	shalt  }
0x87: {  	_ =	shalt  }
.Lfunc_end0:
.L_simem_size_0:
called_computation.1_lowered:
.L_overlay_start_0:
0x88: {  	s2 =	sld [smem:$0x3FD9]  }
0x89: {  	s3 =	sld [smem:$0x3FFE];
	_ =	sdelay $0x1  }
0x8a: {  	s1 =	srdreg.scid  }
0x8b: {  	s0 =	sand.u32 $0x1, s1  }
0x8c: {  	s17 =	sshll.u32 s0, $0xA;
	s2 =	sadd.s32 s3, s2  }
0x8d: {  	s2 =	sadd.s32 s2, s17  }
0x8e: {  	[smem:$0x3FC6] =	sst s2  }
0x8f: {  	_ = 	snop  }
0x90: {  	s2 =	sld [smem:$0x3FD0];
	(tm) =	ssettm $0x1  }
0x91: {  	s18 =	sld [smem:$0x3FFB];
	_ =	sdelay $0x3  }
0x92: {  	_ =	strace s18  }
0x93: {  	s3 =	sld [smem:$0x3FFC];
	_ =	sdelay $0x3  }
0x94: {  	_ =	strace s3  }
0x95: {  	s3 =	sld [smem:$0x3FFD];
	_ =	sdelay $0x3  }
0x96: {  	_ =	strace s3  }
0x97: {  	_ =	strace $0x8FFFFFFF  }
0x98: {  	s19 =	sld [smem:$0x3FDB];
	_ =	sdelay $0x1  }
0x99: {  	s4 =	simm.s32 $_scs_section_size  }
0x9a: {  	s5 =	simm.s32 $_size__tile_overlayer_lowered;
	s6 =	simm.s32 $_tile_overlayer_lowered  }
0x9b: {  	s22 =	simm.s32 $0x1BFF;
	s21 =	sshll.u32 s6, $0x1;
	s3 =	sadd.s32 s4, s19  }
0x9c: {  	s7 =	simm.s32 $0x0;
	s20 =	sshll.u32 s5, $0x1;
	s5 =	sadd.s32 s21, s3  }
0x9d: {  	[timem:s7], [sflag:s22] =	dma.local [hbm:s5], s20  }
0x9e: {  	_ =	swait.ge [sflag:s22], s20  }
0x9f: {  	s4 =	ssub.s32 $0x0, s20;
	[sflag:s22] =	ssyncset.done $0x0  }
0xa0: {  	[sflag:s22] =	ssyncadd.s32 s4;
	_ =	sdelay $0x1  }
0xa1: {  	s23 =	simm.s32 $0x1B8B  }
0xa2: {  	_ =	swait.ge [sflag:s23], $0x1  }
0xa3: {  	[sflag:s23] =	ssyncset.done $0x0  }
0xa4: {  	s25 =	simm.s32 $0x1B8E;
	s24 =	sld [smem:$0x3FFE];
	[sflag:s23] =	ssyncadd.s32 $0xFFFFFFFF  }
0xa5: {  	s26 =	simm.s32 $execute0_lowered;
	[smem:$0x3FD2] =	sst s25  }
0xa6: {  	s5 =	sshll.u32 s26, $0x1;
	_ =	strace $0x80000046;
	[dreg:$0x1] =	wrdreg $0xFFFFFFFF  }
0xa7: {  	s28 =	simm.s32 $_size_execute0_lowered;
	s3 =	sadd.s32 s3, s5;
	[dreg:$0x0] =	wrdreg $0x0  }
0xa8: {  	s5 =	sshll.u32 s28, $0x1;
	[dreg:$0x2] =	wrdreg s3  }
0xa9: {  	[dreg:$0x3] =	wrdreg s5  }
0xaa: {  	[dreg:$0x4] =	wrdreg $0xC0  }
0xab: {  	_ =	task [dreg:s7], $0x5FFFF  }
0xac: {  	[dreg:$0x1] =	wrdreg $0xFFFFFFFF  }
0xad: {  	[dreg:$0x0] =	wrdreg $0x60  }
0xae: {  	[dreg:$0x2] =	wrdreg s2  }
0xaf: {  	[dreg:$0x3] =	wrdreg s24  }
0xb0: {  	[dreg:$0x4] =	wrdreg $0x9  }
0xb1: {  	_ =	task.clear_ibuf [dreg:s7], $0x5FFFF;
	_ =	strace $0x90000046  }
0xb2: {  	s29 =	simm.s32 $0x9;
	_ =	strace $0x80000048  }
0xb3: {  	_ =	swait.ge [sflag:s29], $0x1  }
0xb4: {  	[sflag:s29] =	ssyncadd.s32 $0xFFFFFFFF  }
0xb5: {  	_ =	strace $0x90000048  }
0xb6: {  	_ =	sfence  }
0xb7: {  	s30 =	sld [smem:$0x0];
	_ =	sdelay $0x2  }
0xb8: {  	s31 =	sshll.u32 s1, $0xD;
	s1 =	sshrl.u32 s1, $0x2  }
0xb9: {  	s3 =	sand.u32 $0x4000, s31;
	s1 =	sadd.s32 s1, s30  }
0xba: {  	s0 =	sor.u32 s3, s0;
	s1 =	sshll.u32 s1, $0x11  }
0xbb: {  	s0 =	sor.u32 s1, s0  }
0xbc: {  	s0 =	sadd.s32 $0x8F2B, s0  }
0xbd: {  	[sflag:s0] =	ssyncadd.remote.s32 $0x1  }
0xbe: {  	_ =	sfence.sel $0xFFFF  }
0xbf: {  	[dreg:$0x0] =	wrdreg $0xFFFFFFFF;
	(pc) =	sbr.abs _section_cstart, $3  }
0xc0: {  	[dreg:$0x1] =	wrdreg $0xFFFFFFFF  }
0xc1: {  	_ =	task.clear_ibuf [dreg:s7], $0x2FFFF;
	_ =	strace $0x9FFFFFFF  }
0xc2: {  	(tm) =	ssettm $0x7FFFFFFF  }
0xc3: {  	_ =	shalt  }
tec
execute0_lowered:
.L_overlay_start_1:
0x0: {  	(tag) =	ssettag $0x1  }
0x1: {  	s1 =	rddreg [dreg:$0x0]  }
0x2: {  	s0 =	rddreg [dreg:$0x1];
	s3 =	simm.s32 $0x0;
	s2 =	srdreg.scid  }
0x3: {  	s4 =	stileid.u32;
	s23 =	simm.s32 $0xA800;
	s24 =	simm.s32 $0xB000  }
0x4: {  	s25 =	simm.s32 $0xB800;
	s28 =	simm.s32 $0xC800;
	s29 =	simm.s32 $0xD000  }
0x5: {  	s30 =	simm.s32 $0xD800;
	s31 =	simm.s32 $0xE000;
	s10 =	simm.s32 $0xF800  }
0x6: {  	s11 =	simm.s32 $0x10000;
	s12 =	simm.s32 $0x10400;
	s13 =	simm.s32 $0x1  }
0x7: {  	s14 =	simm.s32 $0x11000;
	s15 =	simm.s32 $0x2;
	s16 =	simm.s32 $0x17400  }
0x8: {  	v0 =	vimm.s32 $0xFEDCBA98;
	s18 =	simm.s32 $0x4;
	s19 =	simm.s32 $0x0;
	s2 =	sand.u32 $0x1, s2  }
0x9: {  	v1 =	vimm.s32 $0x76543210;
	s5 =	sshll.u32 s4, $0x8;
	v0 =	vunpack.c.l.s4.s8 v0;
	s7 =	ssub.s32 $0x2, s2;
	s2 =	sshll.u32 s2, $0x7  }
0xa: {  	[smem:$0x7FF] =	sst s3;
	s4 =	sadd.s32 $0xF43000, s0;
	v1 =	vunpack.c.l.s4.s8 v1;
	s5 =	sor.u32 s2, s5  }
0xb: {  	s6 =	sadd.s32 $0xC00, s0;
	s8 =	sshrl.u32 s7, $0x1;
	v0 =	vunpack.c.0.s8.s32 v0;
	s2 =	sshll.u32 s5, $0x5  }
0xc: {  	_ =	strace $0x80000047;
	v1 =	vunpack.c.0.s8.s32 v1;
	s26 =	ssub.s32 s7, s8;
	s2 =	sadd.s32 s1, s2  }
0xd: {  	s0 =	smax.u32 s26, $0x1;
	s26 =	simm.s32 $0xC000;
	v0 =	vand.u32 $0xF, v0;
	[dreg:$0x3] =	wrdreg s2  }
0xe: {  	vm0 =	vmmov $0xffff;
	vm1 =	vmmov $0xff;
	[dreg:$0x4] =	wrdreg s0;
	s0 =	simm.s32 $0xE800;
	s2 =	simm.s32 $0xF000;
	v0 =	vcombine.low v0, v1  }
.LBB2_1:
0xf: {  	s7 =	rddreg [dreg:$0x3];
	s21 =	simm.s32 $0x5  }
0x10: {  	[tilespmem:s3], [sflag:$0x5] =	stream.linear.gather [hbm4b:s7+s3], $0x4000, $0x38;
	[tilespmem:$0x1D800] =	vst v63  }
0x11: {  	_ =	swait.ge [sflag:s21], $0x4000  }
0x12: {  	[sflag:s21] =	ssyncset.done $0x0  }
0x13: {  	[sflag:s21] =	ssyncadd.s32 $0xFFFFC000  }
0x14: {  	v1 =	vld [tilespmem:$0x0];
	_ =	sdelay $0x6  }
0x15: {  	s22 =	simm.s32 $0x4000  }
0x16: {  	[tilespmem:s22], [sflag:$0x1] =	stream.indirect_vreg.gather [hbm4b:s4+s3], $0x80, v1, vm0, $0xb8;
	[tilespmem:$0x1D800] =	vst v63  }
0x17: {  	v1 =	vld [tilespmem:$0x10];
	_ =	sdelay $0x6  }
0x18: {  	s8 =	simm.s32 $0x4800  }
0x19: {  	[tilespmem:s8], [sflag:$0x1] =	stream.indirect_vreg.gather [hbm4b:s4+s3], $0x80, v1, vm0, $0xb8;
	[tilespmem:$0x1D800] =	vst v63  }
0x1a: {  	v1 =	vld [tilespmem:$0x20];
	_ =	sdelay $0x6  }
0x1b: {  	s9 =	simm.s32 $0x5000  }
0x1c: {  	[tilespmem:s9], [sflag:$0x1] =	stream.indirect_vreg.gather [hbm4b:s4+s3], $0x80, v1, vm0, $0xb8;
	[tilespmem:$0x1D800] =	vst v63  }
0x1d: {  	v1 =	vld [tilespmem:$0x30];
	_ =	sdelay $0x6  }
0x1e: {  	s17 =	simm.s32 $0x5800  }
0x1f: {  	[tilespmem:s17], [sflag:$0x1] =	stream.indirect_vreg.gather [hbm4b:s4+s3], $0x80, v1, vm0, $0xb8;
	[tilespmem:$0x1D800] =	vst v63  }
0x20: {  	v1 =	vld [tilespmem:$0x40];
	_ =	sdelay $0x6  }
0x21: {  	s20 =	simm.s32 $0x6000  }
0x22: {  	[tilespmem:s20], [sflag:$0x1] =	stream.indirect_vreg.gather [hbm4b:s4+s3], $0x80, v1, vm0, $0xb8;
	[tilespmem:$0x1D800] =	vst v63  }
0x23: {  	v1 =	vld [tilespmem:$0x50];
	_ =	sdelay $0x6  }
0x24: {  	s21 =	simm.s32 $0x6800  }
0x25: {  	[tilespmem:s21], [sflag:$0x1] =	stream.indirect_vreg.gather [hbm4b:s4+s3], $0x80, v1, vm0, $0xb8;
	[tilespmem:$0x1D800] =	vst v63  }
0x26: {  	v1 =	vld [tilespmem:$0x60];
	_ =	sdelay $0x6  }
0x27: {  	s22 =	simm.s32 $0x7000  }
0x28: {  	[tilespmem:s22], [sflag:$0x1] =	stream.indirect_vreg.gather [hbm4b:s4+s3], $0x80, v1, vm0, $0xb8;
	[tilespmem:$0x1D800] =	vst v63  }
0x29: {  	v1 =	vld [tilespmem:$0x70];
	_ =	sdelay $0x6  }
0x2a: {  	s8 =	simm.s32 $0x7800  }
0x2b: {  	[tilespmem:s8], [sflag:$0x1] =	stream.indirect_vreg.gather [hbm4b:s4+s3], $0x80, v1, vm0, $0xb8;
	[tilespmem:$0x1D800] =	vst v63  }
0x2c: {  	v1 =	vld [tilespmem:$0x400];
	_ =	sdelay $0x6  }
0x2d: {  	s9 =	simm.s32 $0x8000  }
0x2e: {  	[tilespmem:s9], [sflag:$0x1] =	stream.indirect_vreg.gather [hbm4b:s4+s3], $0x80, v1, vm0, $0xb8;
	[tilespmem:$0x1D800] =	vst v63  }
0x2f: {  	v1 =	vld [tilespmem:$0x410];
	_ =	sdelay $0x6  }
0x30: {  	s17 =	simm.s32 $0x8800  }
0x31: {  	[tilespmem:s17], [sflag:$0x1] =	stream.indirect_vreg.gather [hbm4b:s4+s3], $0x80, v1, vm0, $0xb8;
	[tilespmem:$0x1D800] =	vst v63  }
0x32: {  	v1 =	vld [tilespmem:$0x420];
	_ =	sdelay $0x6  }
0x33: {  	s20 =	simm.s32 $0x9000  }
0x34: {  	[tilespmem:s20], [sflag:$0x1] =	stream.indirect_vreg.gather [hbm4b:s4+s3], $0x80, v1, vm0, $0xb8;
	[tilespmem:$0x1D800] =	vst v63  }
0x35: {  	v1 =	vld [tilespmem:$0x430];
	_ =	sdelay $0x6  }
0x36: {  	s21 =	simm.s32 $0x9800  }
0x37: {  	[tilespmem:s21], [sflag:$0x1] =	stream.indirect_vreg.gather [hbm4b:s4+s3], $0x80, v1, vm0, $0xb8;
	[tilespmem:$0x1D800] =	vst v63  }
0x38: {  	v1 =	vld [tilespmem:$0x430]  }
0x39: {  	v2 =	vld.msk [tilespmem:$0x440], $0xff;
	_ =	sdelay $0x4  }
0x3a: {  	v1 =	vperm.xlane v1, v0;
	v2 =	vperm.xlane v2, v0;
	_ =	sdelay $0x1  }
0x3b: {  	v1 =	vsel vm1, v1, v2;
	_ =	sdelay $0x3  }
0x3c: {  	s22 =	simm.s32 $0x9C00;
	s20 =	simm.s32 $0x0  }
0x3d: {  	[tilespmem:s22], [sflag:$0x1] =	stream.indirect_vreg.gather [hbm4b:s4+s3], $0x80, v1, vm0, $0xb8;
	[tilespmem:$0x1D800] =	vst v63  }
.LBB2_2:
0x3e: {  	s21 =	sshllo.u32 s20, $0x1  }
0x3f: {  	s7 =	sshll.u32 s20, $0x9;
	s8 =	sshll.u32 s21, $0x7  }
0x40: {  	s7 =	sand.u32 $0x3800, s7;
	s8 =	sand.u32 $0x380, s8  }
0x41: {  	s7 =	sor.u32 s8, s7  }
0x42: {  	v1 =	vld [tilespmem:s7+$0x0];
	_ =	sdelay $0x7  }
0x43: {  	[tilespmem:s23], [sflag:$0x2] =	stream.indirect_vreg.gather [hbm4b:s4+s3], $0x80, v1, vm0, $0xb8;
	[tilespmem:$0x1D800] =	vst v63  }
0x44: {  	v1 =	vld [tilespmem:s7+$0x10];
	_ =	sdelay $0x7  }
0x45: {  	[tilespmem:s24], [sflag:$0x2] =	stream.indirect_vreg.gather [hbm4b:s4+s3], $0x80, v1, vm0, $0xb8;
	[tilespmem:$0x1D800] =	vst v63  }
0x46: {  	v1 =	vld [tilespmem:s7+$0x20];
	_ =	sdelay $0x7  }
0x47: {  	[tilespmem:s25], [sflag:$0x2] =	stream.indirect_vreg.gather [hbm4b:s4+s3], $0x80, v1, vm0, $0xb8;
	[tilespmem:$0x1D800] =	vst v63  }
0x48: {  	v1 =	vld [tilespmem:s7+$0x30];
	_ =	sdelay $0x7  }
0x49: {  	[tilespmem:s26], [sflag:$0x2] =	stream.indirect_vreg.gather [hbm4b:s4+s3], $0x80, v1, vm0, $0xb8;
	[tilespmem:$0x1D800] =	vst v63  }
0x4a: {  	v1 =	vld [tilespmem:s7+$0x40];
	_ =	sdelay $0x7  }
0x4b: {  	[tilespmem:s28], [sflag:$0x2] =	stream.indirect_vreg.gather [hbm4b:s4+s3], $0x80, v1, vm0, $0xb8;
	[tilespmem:$0x1D800] =	vst v63  }
0x4c: {  	v1 =	vld [tilespmem:s7+$0x50];
	_ =	sdelay $0x7  }
0x4d: {  	[tilespmem:s29], [sflag:$0x2] =	stream.indirect_vreg.gather [hbm4b:s4+s3], $0x80, v1, vm0, $0xb8;
	[tilespmem:$0x1D800] =	vst v63  }
0x4e: {  	v1 =	vld [tilespmem:s7+$0x60];
	_ =	sdelay $0x7  }
0x4f: {  	[tilespmem:s30], [sflag:$0x2] =	stream.indirect_vreg.gather [hbm4b:s4+s3], $0x80, v1, vm0, $0xb8;
	[tilespmem:$0x1D800] =	vst v63  }
0x50: {  	v1 =	vld [tilespmem:s7+$0x70];
	_ =	sdelay $0x7  }
0x51: {  	[tilespmem:s31], [sflag:$0x2] =	stream.indirect_vreg.gather [hbm4b:s4+s3], $0x80, v1, vm0, $0xb8;
	[tilespmem:$0x1D800] =	vst v63  }
0x52: {  	v1 =	vld [tilespmem:s7+$0x400];
	_ =	sdelay $0x7  }
0x53: {  	[tilespmem:s0], [sflag:$0x2] =	stream.indirect_vreg.gather [hbm4b:s4+s3], $0x80, v1, vm0, $0xb8;
	[tilespmem:$0x1D800] =	vst v63  }
0x54: {  	v1 =	vld [tilespmem:s7+$0x410];
	_ =	sdelay $0x7  }
0x55: {  	[tilespmem:s2], [sflag:$0x2] =	stream.indirect_vreg.gather [hbm4b:s4+s3], $0x80, v1, vm0, $0xb8;
	[tilespmem:$0x1D800] =	vst v63  }
0x56: {  	v1 =	vld [tilespmem:s7+$0x420];
	_ =	sdelay $0x7  }
0x57: {  	[tilespmem:s10], [sflag:$0x2] =	stream.indirect_vreg.gather [hbm4b:s4+s3], $0x80, v1, vm0, $0xb8;
	[tilespmem:$0x1D800] =	vst v63  }
0x58: {  	v1 =	vld [tilespmem:s7+$0x430];
	_ =	sdelay $0x7  }
0x59: {  	[tilespmem:s11], [sflag:$0x2] =	stream.indirect_vreg.gather [hbm4b:s4+s3], $0x80, v1, vm0, $0xb8;
	[tilespmem:$0x1D800] =	vst v63  }
0x5a: {  	v1 =	vld [tilespmem:s7+$0x430];
	s7 =	sor.u32 $0x440, s7  }
0x5b: {  	v2 =	vld.msk [tilespmem:s7+$0x0], $0xff;
	_ =	sdelay $0x4  }
0x5c: {  	v1 =	vperm.xlane v1, v0;
	v2 =	vperm.xlane v2, v0;
	_ =	sdelay $0x1  }
0x5d: {  	v1 =	vsel vm1, v1, v2;
	_ =	sdelay $0x4  }
0x5e: {  	[tilespmem:s12], [sflag:$0x2] =	stream.indirect_vreg.gather [hbm4b:s4+s3], $0x80, v1, vm0, $0xb8;
	[tilespmem:$0x1D800] =	vst v63  }
0x5f: {  	_ =	swait.ge [sflag:s13], $0x6800  }
0x60: {  	p0 =	seq.s32 s20, $0x0;
	[sflag:s13] =	ssyncset.done $0x0  }
0x61: {  	s7 =	simm.s32 @!p0 $0x3;
	[sflag:s13] =	ssyncadd.s32 $0xFFFF9800  }
0x62: {  	_ =	swait.ge @!p0 [sflag:s7], $0x6400  }
0x63: {  	[sflag:s7] =	ssyncset.done @!p0 $0x0  }
0x64: {  	[sflag:s7] =	ssyncadd.s32 @!p0 $0xFFFF9C00;
	s7 =	simm.s32 $0x0  }
0x65: {  	v1 =	vld [tilespmem:s7+$0x43B0]  }
0x66: {  	v2 =	vld [tilespmem:s7+$0x4000];
	_ =	sdelay $0x1  }
0x67: {  	v3 =	vld [tilespmem:s7+$0x4010]  }
0x68: {  	v4 =	vld [tilespmem:s7+$0x4020]  }
0x69: {  	v5 =	vld [tilespmem:s7+$0x4030];
	v1 =	vmul.f32 $8.000000000e+00, v1  }
0x6a: {  	v6 =	vld [tilespmem:s7+$0x4080];
	v2 =	vmul.f32 $8.000000000e+00, v2  }
0x6b: {  	v7 =	vld [tilespmem:s7+$0x4090];
	[tilespmem:s7+$0x113B0] =	vst v1  }
0x6c: {  	v1 =	vmul.f32 $8.000000000e+00, v3;
	[tilespmem:s7+$0x11000] =	vst v2;
	v2 =	vld [tilespmem:s7+$0x40B0]  }
0x6d: {  	v8 =	vld [tilespmem:s7+$0x40A0];
	v3 =	vmul.f32 $8.000000000e+00, v4  }
0x6e: {  	v4 =	vmul.f32 $8.000000000e+00, v5;
	[tilespmem:s7+$0x11010] =	vst v1;
	v1 =	vld [tilespmem:s7+$0x4100]  }
0x6f: {  	v5 =	vmul.f32 $8.000000000e+00, v6;
	[tilespmem:s7+$0x11020] =	vst v3;
	v3 =	vld [tilespmem:s7+$0x4110]  }
0x70: {  	v6 =	vmul.f32 $8.000000000e+00, v7;
	[tilespmem:s7+$0x11030] =	vst v4;
	v4 =	vld [tilespmem:s7+$0x4120]  }
0x71: {  	[tilespmem:s7+$0x11080] =	vst v5;
	v5 =	vld [tilespmem:s7+$0x4130];
	v2 =	vmul.f32 $8.000000000e+00, v2  }
0x72: {  	v7 =	vmul.f32 $8.000000000e+00, v8;
	[tilespmem:s7+$0x11090] =	vst v6;
	v6 =	vld [tilespmem:s7+$0x4180]  }
0x73: {  	v1 =	vmul.f32 $8.000000000e+00, v1;
	[tilespmem:s7+$0x110B0] =	vst v2;
	v2 =	vld [tilespmem:s7+$0x41A0]  }
0x74: {  	[tilespmem:s7+$0x110A0] =	vst v7;
	v7 =	vld [tilespmem:s7+$0x4190];
	v3 =	vmul.f32 $8.000000000e+00, v3  }
0x75: {  	v4 =	vmul.f32 $8.000000000e+00, v4;
	[tilespmem:s7+$0x11100] =	vst v1;
	v1 =	vld [tilespmem:s7+$0x41B0]  }
0x76: {  	v5 =	vmul.f32 $8.000000000e+00, v5;
	[tilespmem:s7+$0x11110] =	vst v3;
	v3 =	vld [tilespmem:s7+$0x4200]  }
0x77: {  	v6 =	vmul.f32 $8.000000000e+00, v6;
	[tilespmem:s7+$0x11120] =	vst v4;
	v4 =	vld [tilespmem:s7+$0x4210]  }
0x78: {  	[tilespmem:s7+$0x11130] =	vst v5;
	v5 =	vld [tilespmem:s7+$0x4220];
	v2 =	vmul.f32 $8.000000000e+00, v2  }
0x79: {  	v7 =	vmul.f32 $8.000000000e+00, v7;
	[tilespmem:s7+$0x11180] =	vst v6;
	v6 =	vld [tilespmem:s7+$0x4230]  }
0x7a: {  	v1 =	vmul.f32 $8.000000000e+00, v1;
	[tilespmem:s7+$0x111A0] =	vst v2;
	v2 =	vld [tilespmem:s7+$0x4290]  }
0x7b: {  	[tilespmem:s7+$0x11190] =	vst v7;
	v7 =	vld [tilespmem:s7+$0x4280];
	v3 =	vmul.f32 $8.000000000e+00, v3  }
0x7c: {  	[tilespmem:s7+$0x111B0] =	vst v1;
	v1 =	vmul.f32 $8.000000000e+00, v4;
	v4 =	vld [tilespmem:s7+$0x42B0]  }
0x7d: {  	v8 =	vld [tilespmem:s7+$0x42A0];
	[tilespmem:s7+$0x11200] =	vst v3;
	v3 =	vmul.f32 $8.000000000e+00, v5  }
0x7e: {  	v5 =	vld [tilespmem:s7+$0x4300];
	[tilespmem:s7+$0x11210] =	vst v1;
	v1 =	vmul.f32 $8.000000000e+00, v6  }
0x7f: {  	v9 =	vld [tilespmem:s7+$0x4310];
	[tilespmem:s7+$0x11220] =	vst v3;
	v6 =	vmul.f32 $8.000000000e+00, v2  }
0x80: {  	v3 =	vmul.f32 $8.000000000e+00, v7;
	[tilespmem:s7+$0x11230] =	vst v1;
	v1 =	vld [tilespmem:s7+$0x4320]  }
0x81: {  	v2 =	vld [tilespmem:s7+$0x4330];
	[tilespmem:s7+$0x11290] =	vst v6;
	v6 =	vmul.f32 $8.000000000e+00, v4  }
0x82: {  	v7 =	vmul.f32 $8.000000000e+00, v8;
	[tilespmem:s7+$0x11280] =	vst v3;
	v3 =	vld [tilespmem:s7+$0x4380]  }
0x83: {  	v4 =	vld [tilespmem:s7+$0x4390];
	[tilespmem:s7+$0x112B0] =	vst v6;
	v6 =	vmul.f32 $8.000000000e+00, v5  }
0x84: {  	s22 =	sshll.u32 s20, $0x1;
	s9 =	simm.s32 $0x2000;
	s8 =	simm.s32 $0x400;
	[tilespmem:s7+$0x112A0] =	vst v7;
	v7 =	vmul.f32 $8.000000000e+00, v9;
	v5 =	vld [tilespmem:s7+$0x43A0]  }
.LBB2_3:
0x85: {  	p1 =	sne.s32 s9, $0x18000;
	v8 =	vld [tilespmem:s8+$0x43B0];
	[tilespmem:s7+$0x11300] =	vst v6;
	v1 =	vmul.f32 $8.000000000e+00, v1  }
0x86: {  	v6 =	vld [tilespmem:s8+$0x4000];
	[tilespmem:s7+$0x11310] =	vst v7;
	v2 =	vmul.f32 $8.000000000e+00, v2  }
0x87: {  	v7 =	vld [tilespmem:s8+$0x4010];
	[tilespmem:s7+$0x11320] =	vst v1;
	v1 =	vmul.f32 $8.000000000e+00, v3  }
0x88: {  	v3 =	vld [tilespmem:s8+$0x4020];
	[tilespmem:s7+$0x11330] =	vst v2;
	v2 =	vmul.f32 $8.000000000e+00, v4  }
0x89: {  	v4 =	vld [tilespmem:s8+$0x4030];
	[tilespmem:s7+$0x11380] =	vst v1;
	v1 =	vmul.f32 $8.000000000e+00, v5  }
0x8a: {  	v5 =	vld [tilespmem:s8+$0x4080];
	v8 =	vmul.f32 $8.000000000e+00, v8;
	[tilespmem:s7+$0x11390] =	vst v2  }
0x8b: {  	v2 =	vmul.f32 $8.000000000e+00, v6;
	v6 =	vld [tilespmem:s8+$0x4090];
	[tilespmem:s7+$0x113A0] =	vst v1;
	s7 =	smov.u32 s8  }
0x8c: {  	v1 =	vmul.f32 $8.000000000e+00, v7;
	v7 =	vld [tilespmem:s7+$0x40A0];
	[tilespmem:s7+$0x113B0] =	vst v8  }
0x8d: {  	[tilespmem:s7+$0x11000] =	vst v2;
	v2 =	vmul.f32 $8.000000000e+00, v3;
	v3 =	vld [tilespmem:s7+$0x40B0]  }
0x8e: {  	[tilespmem:s7+$0x11010] =	vst v1;
	v1 =	vmul.f32 $8.000000000e+00, v4;
	v4 =	vld [tilespmem:s7+$0x4100]  }
0x8f: {  	[tilespmem:s7+$0x11020] =	vst v2;
	v2 =	vmul.f32 $8.000000000e+00, v5;
	v5 =	vld [tilespmem:s7+$0x4110]  }
0x90: {  	[tilespmem:s7+$0x11030] =	vst v1;
	v1 =	vmul.f32 $8.000000000e+00, v6;
	v6 =	vld [tilespmem:s7+$0x4120]  }
0x91: {  	[tilespmem:s7+$0x11080] =	vst v2;
	v2 =	vmul.f32 $8.000000000e+00, v7;
	v7 =	vld [tilespmem:s7+$0x4130]  }
0x92: {  	[tilespmem:s7+$0x11090] =	vst v1;
	v1 =	vmul.f32 $8.000000000e+00, v3;
	v3 =	vld [tilespmem:s7+$0x4180]  }
0x93: {  	[tilespmem:s7+$0x110A0] =	vst v2;
	v2 =	vmul.f32 $8.000000000e+00, v4;
	v4 =	vld [tilespmem:s7+$0x4190]  }
0x94: {  	[tilespmem:s7+$0x110B0] =	vst v1;
	v1 =	vmul.f32 $8.000000000e+00, v5;
	v5 =	vld [tilespmem:s7+$0x41A0]  }
0x95: {  	[tilespmem:s7+$0x11100] =	vst v2;
	v2 =	vmul.f32 $8.000000000e+00, v6;
	v6 =	vld [tilespmem:s7+$0x41B0]  }
0x96: {  	[tilespmem:s7+$0x11110] =	vst v1;
	v1 =	vmul.f32 $8.000000000e+00, v7;
	v7 =	vld [tilespmem:s7+$0x4200]  }
0x97: {  	[tilespmem:s7+$0x11120] =	vst v2;
	v2 =	vmul.f32 $8.000000000e+00, v3;
	v3 =	vld [tilespmem:s7+$0x4210]  }
0x98: {  	[tilespmem:s7+$0x11130] =	vst v1;
	v1 =	vmul.f32 $8.000000000e+00, v4;
	v4 =	vld [tilespmem:s7+$0x4220]  }
0x99: {  	[tilespmem:s7+$0x11180] =	vst v2;
	v2 =	vmul.f32 $8.000000000e+00, v5;
	v5 =	vld [tilespmem:s7+$0x4230]  }
0x9a: {  	[tilespmem:s7+$0x11190] =	vst v1;
	v1 =	vmul.f32 $8.000000000e+00, v6;
	v6 =	vld [tilespmem:s7+$0x4280]  }
0x9b: {  	[tilespmem:s7+$0x111A0] =	vst v2;
	v2 =	vmul.f32 $8.000000000e+00, v7;
	v7 =	vld [tilespmem:s7+$0x4290]  }
0x9c: {  	[tilespmem:s7+$0x111B0] =	vst v1;
	v1 =	vmul.f32 $8.000000000e+00, v3;
	v3 =	vld [tilespmem:s7+$0x42A0]  }
0x9d: {  	[tilespmem:s7+$0x11200] =	vst v2;
	v2 =	vmul.f32 $8.000000000e+00, v4;
	v4 =	vld [tilespmem:s7+$0x42B0]  }
0x9e: {  	[tilespmem:s7+$0x11210] =	vst v1;
	v1 =	vmul.f32 $8.000000000e+00, v5;
	v5 =	vld [tilespmem:s7+$0x4300]  }
0x9f: {  	[tilespmem:s7+$0x11220] =	vst v2;
	v2 =	vmul.f32 $8.000000000e+00, v6;
	v8 =	vld [tilespmem:s7+$0x4310]  }
.Ltmp0:
0xa0: {  	[tilespmem:s7+$0x11230] =	vst v1;
	v6 =	vmul.f32 $8.000000000e+00, v7;
	v1 =	vld [tilespmem:s7+$0x4320];
	(pc) =	sbr.rel @p1 .LBB2_3-.Ltmp0, $4  }
0xa1: {  	[tilespmem:s7+$0x11280] =	vst v2;
	v7 =	vmul.f32 $8.000000000e+00, v3;
	v2 =	vld [tilespmem:s7+$0x4330]  }
0xa2: {  	[tilespmem:s7+$0x11290] =	vst v6;
	v9 =	vmul.f32 $8.000000000e+00, v4;
	v3 =	vld [tilespmem:s7+$0x4380]  }
0xa3: {  	[tilespmem:s7+$0x112A0] =	vst v7;
	v6 =	vmul.f32 $8.000000000e+00, v5;
	v4 =	vld [tilespmem:s7+$0x4390]  }
0xa4: {  	s8 =	sshra.s32 s9, $0x2;
	s9 =	sadd.s32 $0x1000, s9;
	[tilespmem:s7+$0x112B0] =	vst v9;
	v7 =	vmul.f32 $8.000000000e+00, v8;
	v5 =	vld [tilespmem:s7+$0x43A0]  }
0xa5: {  	v8 =	vld [tilespmem:s8+$0x43B0];
	[tilespmem:s7+$0x11300] =	vst v6;
	v1 =	vmul.f32 $8.000000000e+00, v1  }
0xa6: {  	v6 =	vld [tilespmem:s8+$0x4000];
	[tilespmem:s7+$0x11310] =	vst v7;
	v2 =	vmul.f32 $8.000000000e+00, v2  }
0xa7: {  	v7 =	vld [tilespmem:s8+$0x4010];
	[tilespmem:s7+$0x11320] =	vst v1;
	v3 =	vmul.f32 $8.000000000e+00, v3  }
0xa8: {  	v1 =	vld [tilespmem:s8+$0x4020];
	[tilespmem:s7+$0x11330] =	vst v2;
	v4 =	vmul.f32 $8.000000000e+00, v4  }
0xa9: {  	v2 =	vld [tilespmem:s8+$0x4030];
	[tilespmem:s7+$0x11380] =	vst v3;
	v5 =	vmul.f32 $8.000000000e+00, v5  }
0xaa: {  	v3 =	vld [tilespmem:s8+$0x4080];
	[tilespmem:s7+$0x11390] =	vst v4;
	v8 =	vmul.f32 $8.000000000e+00, v8  }
0xab: {  	v4 =	vld [tilespmem:s8+$0x4090];
	[tilespmem:s7+$0x113A0] =	vst v5;
	v5 =	vmul.f32 $8.000000000e+00, v6  }
0xac: {  	v6 =	vld [tilespmem:s8+$0x40A0];
	[tilespmem:s8+$0x113B0] =	vst v8;
	v7 =	vmul.f32 $8.000000000e+00, v7  }
0xad: {  	[tilespmem:s8+$0x11000] =	vst v5;
	v5 =	vld [tilespmem:s8+$0x40B0];
	v1 =	vmul.f32 $8.000000000e+00, v1  }
0xae: {  	[tilespmem:s8+$0x11010] =	vst v7;
	v7 =	vld [tilespmem:s8+$0x4100];
	v2 =	vmul.f32 $8.000000000e+00, v2  }
0xaf: {  	[tilespmem:s8+$0x11020] =	vst v1;
	v1 =	vld [tilespmem:s8+$0x4110];
	v3 =	vmul.f32 $8.000000000e+00, v3  }
0xb0: {  	[tilespmem:s8+$0x11030] =	vst v2;
	v2 =	vld [tilespmem:s8+$0x4120];
	v4 =	vmul.f32 $8.000000000e+00, v4  }
0xb1: {  	[tilespmem:s8+$0x11080] =	vst v3;
	v3 =	vld [tilespmem:s8+$0x4130];
	v6 =	vmul.f32 $8.000000000e+00, v6  }
0xb2: {  	[tilespmem:s8+$0x11090] =	vst v4;
	v4 =	vld [tilespmem:s8+$0x4180];
	v5 =	vmul.f32 $8.000000000e+00, v5  }
0xb3: {  	[tilespmem:s8+$0x110A0] =	vst v6;
	v6 =	vld [tilespmem:s8+$0x4190];
	v7 =	vmul.f32 $8.000000000e+00, v7  }
0xb4: {  	[tilespmem:s8+$0x110B0] =	vst v5;
	v5 =	vld [tilespmem:s8+$0x41A0];
	v1 =	vmul.f32 $8.000000000e+00, v1  }
0xb5: {  	[tilespmem:s8+$0x11100] =	vst v7;
	v7 =	vld [tilespmem:s8+$0x41B0];
	v2 =	vmul.f32 $8.000000000e+00, v2  }
0xb6: {  	[tilespmem:s8+$0x11110] =	vst v1;
	v1 =	vld [tilespmem:s8+$0x4200];
	v3 =	vmul.f32 $8.000000000e+00, v3  }
0xb7: {  	[tilespmem:s8+$0x11120] =	vst v2;
	v2 =	vld [tilespmem:s8+$0x4210];
	v4 =	vmul.f32 $8.000000000e+00, v4  }
0xb8: {  	[tilespmem:s8+$0x11130] =	vst v3;
	v3 =	vld [tilespmem:s8+$0x4220];
	v6 =	vmul.f32 $8.000000000e+00, v6  }
0xb9: {  	[tilespmem:s8+$0x11180] =	vst v4;
	v4 =	vld [tilespmem:s8+$0x4230];
	v5 =	vmul.f32 $8.000000000e+00, v5  }
0xba: {  	[tilespmem:s8+$0x11190] =	vst v6;
	v6 =	vld [tilespmem:s8+$0x4280];
	v7 =	vmul.f32 $8.000000000e+00, v7  }
0xbb: {  	[tilespmem:s8+$0x111A0] =	vst v5;
	v5 =	vld [tilespmem:s8+$0x4290];
	v1 =	vmul.f32 $8.000000000e+00, v1  }
0xbc: {  	[tilespmem:s8+$0x111B0] =	vst v7;
	v7 =	vld [tilespmem:s8+$0x42A0];
	v2 =	vmul.f32 $8.000000000e+00, v2  }
0xbd: {  	[tilespmem:s8+$0x11200] =	vst v1;
	v1 =	vld [tilespmem:s8+$0x42B0];
	v3 =	vmul.f32 $8.000000000e+00, v3  }
0xbe: {  	[tilespmem:s8+$0x11210] =	vst v2;
	v2 =	vld [tilespmem:s8+$0x4300];
	v4 =	vmul.f32 $8.000000000e+00, v4  }
0xbf: {  	[tilespmem:s8+$0x11220] =	vst v3;
	v3 =	vld [tilespmem:s8+$0x4310];
	v6 =	vmul.f32 $8.000000000e+00, v6  }
0xc0: {  	[tilespmem:s8+$0x11230] =	vst v4;
	v4 =	vld [tilespmem:s8+$0x4320];
	v5 =	vmul.f32 $8.000000000e+00, v5  }
0xc1: {  	[tilespmem:s8+$0x11280] =	vst v6;
	v6 =	vld [tilespmem:s8+$0x4330];
	v7 =	vmul.f32 $8.000000000e+00, v7  }
0xc2: {  	[tilespmem:s8+$0x11290] =	vst v5;
	v5 =	vld [tilespmem:s8+$0x4380];
	v1 =	vmul.f32 $8.000000000e+00, v1  }
0xc3: {  	[tilespmem:s8+$0x112A0] =	vst v7;
	v7 =	vld [tilespmem:s8+$0x4390];
	v2 =	vmul.f32 $8.000000000e+00, v2  }
0xc4: {  	[tilespmem:s8+$0x112B0] =	vst v1;
	v1 =	vmul.f32 $8.000000000e+00, v3;
	v3 =	vld [tilespmem:s8+$0x43A0]  }
0xc5: {  	[tilespmem:s8+$0x11300] =	vst v2;
	v2 =	vmul.f32 $8.000000000e+00, v4  }
0xc6: {  	[tilespmem:s8+$0x11310] =	vst v1;
	v1 =	vmul.f32 $8.000000000e+00, v6  }
0xc7: {  	[tilespmem:s8+$0x11320] =	vst v2;
	v2 =	vmul.f32 $8.000000000e+00, v5  }
0xc8: {  	s17 =	sadd.s32 s5, s22;
	[tilespmem:s8+$0x11330] =	vst v1;
	v1 =	vmul.f32 $8.000000000e+00, v7  }
0xc9: {  	s7 =	smul.u32 $0xC80, s17;
	[tilespmem:s8+$0x11380] =	vst v2;
	v2 =	vmul.f32 $8.000000000e+00, v3  }
0xca: {  	[tilespmem:s8+$0x11390] =	vst v1  }
0xcb: {  	s7 =	sadd.s32 s6, s7;
	[tilespmem:s8+$0x113A0] =	vst v2  }
0xcc: {  	[hbm4b:s7+s3] =	stream.linear.scatter [tilespmem:s14], [sflag:$0x3], $0x6400, $0x38;
	[tilespmem:$0x1D800] =	vst v63  }
0xcd: {  	s7 =	sadd.s32 $0x2, s22  }
0xce: {  	p1 =	seq.s32 s20, $0x3F;
	s8 =	sand.u32 $0x3E, s7  }
0xcf: {  	p2 =	seq.s32 @!p1 s8, $0x0  }
0xd0: {  	p2 =	por p2, p1  }
0xd1: {  	s9 =	sshll.u32 @!p2 s7, $0x8;
	s22 =	sshll.u32 @!p2 s7, $0x7  }
0xd2: {  	s9 =	sand.u32 @!p2 $0x3800, s9;
	s22 =	sand.u32 @!p2 $0x300, s22  }
0xd3: {  	s9 =	sor.u32 @!p2 s22, s9  }
0xd4: {  	v1 =	vld @!p2 [tilespmem:s9+$0x0];
	_ =	sdelay $0x6  }
0xd5: {  	vm2 =	vmmov @!p2 $0xffff;
	s17 =	simm.s32 @!p2 $0x4000;
	s22 =	simm.s32 @!p2 $0x0  }
0xd6: {  	[tilespmem:s17], [sflag:$0x1] =	stream.indirect_vreg.gather @!p2 [hbm4b:s4+s22], $0x80, v1, vm2, $0xb8;
	[tilespmem:$0x1D800] =	vst v63  }
0xd7: {  	v1 =	vld @!p2 [tilespmem:s9+$0x10];
	_ =	sdelay $0x6  }
0xd8: {  	s17 =	simm.s32 @!p2 $0x4800  }
0xd9: {  	[tilespmem:s17], [sflag:$0x1] =	stream.indirect_vreg.gather @!p2 [hbm4b:s4+s22], $0x80, v1, vm2, $0xb8;
	[tilespmem:$0x1D800] =	vst v63  }
0xda: {  	v1 =	vld @!p2 [tilespmem:s9+$0x20];
	_ =	sdelay $0x6  }
0xdb: {  	s17 =	simm.s32 @!p2 $0x5000  }
0xdc: {  	[tilespmem:s17], [sflag:$0x1] =	stream.indirect_vreg.gather @!p2 [hbm4b:s4+s22], $0x80, v1, vm2, $0xb8;
	[tilespmem:$0x1D800] =	vst v63  }
0xdd: {  	v1 =	vld @!p2 [tilespmem:s9+$0x30];
	_ =	sdelay $0x6  }
0xde: {  	s17 =	simm.s32 @!p2 $0x5800  }
0xdf: {  	[tilespmem:s17], [sflag:$0x1] =	stream.indirect_vreg.gather @!p2 [hbm4b:s4+s22], $0x80, v1, vm2, $0xb8;
	[tilespmem:$0x1D800] =	vst v63  }
0xe0: {  	v1 =	vld @!p2 [tilespmem:s9+$0x40];
	_ =	sdelay $0x6  }
0xe1: {  	s17 =	simm.s32 @!p2 $0x6000  }
0xe2: {  	[tilespmem:s17], [sflag:$0x1] =	stream.indirect_vreg.gather @!p2 [hbm4b:s4+s22], $0x80, v1, vm2, $0xb8;
	[tilespmem:$0x1D800] =	vst v63  }
0xe3: {  	v1 =	vld @!p2 [tilespmem:s9+$0x50];
	_ =	sdelay $0x6  }
0xe4: {  	s17 =	simm.s32 @!p2 $0x6800  }
0xe5: {  	[tilespmem:s17], [sflag:$0x1] =	stream.indirect_vreg.gather @!p2 [hbm4b:s4+s22], $0x80, v1, vm2, $0xb8;
	[tilespmem:$0x1D800] =	vst v63  }
0xe6: {  	v1 =	vld @!p2 [tilespmem:s9+$0x60];
	_ =	sdelay $0x6  }
0xe7: {  	s17 =	simm.s32 @!p2 $0x7000  }
0xe8: {  	[tilespmem:s17], [sflag:$0x1] =	stream.indirect_vreg.gather @!p2 [hbm4b:s4+s22], $0x80, v1, vm2, $0xb8;
	[tilespmem:$0x1D800] =	vst v63  }
0xe9: {  	v1 =	vld @!p2 [tilespmem:s9+$0x70];
	_ =	sdelay $0x6  }
0xea: {  	s17 =	simm.s32 @!p2 $0x7800  }
0xeb: {  	[tilespmem:s17], [sflag:$0x1] =	stream.indirect_vreg.gather @!p2 [hbm4b:s4+s22], $0x80, v1, vm2, $0xb8;
	[tilespmem:$0x1D800] =	vst v63  }
0xec: {  	v1 =	vld @!p2 [tilespmem:s9+$0x400];
	_ =	sdelay $0x6  }
0xed: {  	s17 =	simm.s32 @!p2 $0x8000  }
0xee: {  	[tilespmem:s17], [sflag:$0x1] =	stream.indirect_vreg.gather @!p2 [hbm4b:s4+s22], $0x80, v1, vm2, $0xb8;
	[tilespmem:$0x1D800] =	vst v63  }
0xef: {  	v1 =	vld @!p2 [tilespmem:s9+$0x410];
	_ =	sdelay $0x6  }
0xf0: {  	s17 =	simm.s32 @!p2 $0x8800  }
0xf1: {  	[tilespmem:s17], [sflag:$0x1] =	stream.indirect_vreg.gather @!p2 [hbm4b:s4+s22], $0x80, v1, vm2, $0xb8;
	[tilespmem:$0x1D800] =	vst v63  }
0xf2: {  	v1 =	vld @!p2 [tilespmem:s9+$0x420];
	_ =	sdelay $0x6  }
0xf3: {  	s17 =	simm.s32 @!p2 $0x9000  }
0xf4: {  	[tilespmem:s17], [sflag:$0x1] =	stream.indirect_vreg.gather @!p2 [hbm4b:s4+s22], $0x80, v1, vm2, $0xb8;
	[tilespmem:$0x1D800] =	vst v63  }
0xf5: {  	v1 =	vld @!p2 [tilespmem:s9+$0x430];
	_ =	sdelay $0x6  }
0xf6: {  	v2 =	vimm.s32 @!p2 $0xFEDCBA98;
	s17 =	simm.s32 @!p2 $0x9800  }
0xf7: {  	v2 =	vunpack.c.l.s4.s8 @!p2 v2;
	[tilespmem:s17], [sflag:$0x1] =	stream.indirect_vreg.gather @!p2 [hbm4b:s4+s22], $0x80, v1, vm2, $0xb8;
	v1 =	vimm.s32 @!p2 $0x76543210;
	[tilespmem:$0x1D800] =	vst v63  }
0xf8: {  	v3 =	vld @!p2 [tilespmem:s9+$0x430];
	s9 =	sor.u32 @!p2 $0x440, s9;
	v1 =	vunpack.c.l.s4.s8 @!p2 v1  }
0xf9: {  	v2 =	vunpack.c.0.s8.s32 @!p2 v2;
	v4 =	vld.msk @!p2 [tilespmem:s9+$0x0], $0xff  }
0xfa: {  	v1 =	vunpack.c.0.s8.s32 @!p2 v1  }
0xfb: {  	v2 =	vand.u32 @!p2 $0xF, v2  }
0xfc: {  	v1 =	vcombine.low @!p2 v2, v1;
	_ =	sdelay $0x1  }
0xfd: {  	v2 =	vperm.xlane @!p2 v3, v1;
	v1 =	vperm.xlane @!p2 v4, v1  }
0xfe: {  	vm3 =	vmmov @!p2 $0xff  }
0xff: {  	v1 =	vsel @!p2 vm3, v2, v1;
	_ =	sdelay $0x3  }
0x100: {  	s9 =	simm.s32 @!p2 $0x9C00  }
0x101: {  	[tilespmem:s9], [sflag:$0x1] =	stream.indirect_vreg.gather @!p2 [hbm4b:s4+s22], $0x80, v1, vm2, $0xb8;
	[tilespmem:$0x1D800] =	vst v63  }
0x102: {  	p2 =	sne.s32 @!p1 s8, $0x0  }
0x103: {  	p1 =	por p2, p1  }
0x104: {  	_ =	swait.ge [sflag:s15], $0x6800;
	s7 =	sadd.s32 @!p1 s5, s7  }
0x105: {  	[sflag:s15] =	ssyncset.done $0x0;
	s7 =	sshll.u32 @!p1 s7, $0x5  }
0x106: {  	s8 =	simm.s32 @!p1 $0x0;
	[sflag:s15] =	ssyncadd.s32 $0xFFFF9800;
	s7 =	sadd.s32 @!p1 s1, s7  }
0x107: {  	[tilespmem:s8], [sflag:$0x5] =	stream.linear.gather @!p1 [hbm4b:s7+s8], $0x4000, $0x38;
	[tilespmem:$0x1D800] =	vst v63  }
0x108: {  	s7 =	simm.s32 @!p1 $0x5  }
0x109: {  	_ =	swait.ge @!p1 [sflag:s7], $0x4000  }
0x10a: {  	[sflag:s7] =	ssyncset.done @!p1 $0x0  }
0x10b: {  	[sflag:s7] =	ssyncadd.s32 @!p1 $0xFFFFC000  }
0x10c: {  	v1 =	vld @!p1 [tilespmem:$0x0];
	_ =	sdelay $0x6  }
0x10d: {  	vm2 =	vmmov @!p1 $0xffff;
	s7 =	simm.s32 @!p1 $0x4000  }
0x10e: {  	[tilespmem:s7], [sflag:$0x1] =	stream.indirect_vreg.gather @!p1 [hbm4b:s4+s8], $0x80, v1, vm2, $0xb8;
	[tilespmem:$0x1D800] =	vst v63  }
0x10f: {  	v1 =	vld @!p1 [tilespmem:$0x10];
	_ =	sdelay $0x6  }
0x110: {  	s7 =	simm.s32 @!p1 $0x4800  }
0x111: {  	[tilespmem:s7], [sflag:$0x1] =	stream.indirect_vreg.gather @!p1 [hbm4b:s4+s8], $0x80, v1, vm2, $0xb8;
	[tilespmem:$0x1D800] =	vst v63  }
0x112: {  	v1 =	vld @!p1 [tilespmem:$0x20];
	_ =	sdelay $0x6  }
0x113: {  	s7 =	simm.s32 @!p1 $0x5000  }
0x114: {  	[tilespmem:s7], [sflag:$0x1] =	stream.indirect_vreg.gather @!p1 [hbm4b:s4+s8], $0x80, v1, vm2, $0xb8;
	[tilespmem:$0x1D800] =	vst v63  }
0x115: {  	v1 =	vld @!p1 [tilespmem:$0x30];
	_ =	sdelay $0x6  }
0x116: {  	s7 =	simm.s32 @!p1 $0x5800  }
0x117: {  	[tilespmem:s7], [sflag:$0x1] =	stream.indirect_vreg.gather @!p1 [hbm4b:s4+s8], $0x80, v1, vm2, $0xb8;
	[tilespmem:$0x1D800] =	vst v63  }
0x118: {  	v1 =	vld @!p1 [tilespmem:$0x40];
	_ =	sdelay $0x6  }
0x119: {  	s7 =	simm.s32 @!p1 $0x6000  }
0x11a: {  	[tilespmem:s7], [sflag:$0x1] =	stream.indirect_vreg.gather @!p1 [hbm4b:s4+s8], $0x80, v1, vm2, $0xb8;
	[tilespmem:$0x1D800] =	vst v63  }
0x11b: {  	v1 =	vld @!p1 [tilespmem:$0x50];
	_ =	sdelay $0x6  }
0x11c: {  	s7 =	simm.s32 @!p1 $0x6800  }
0x11d: {  	[tilespmem:s7], [sflag:$0x1] =	stream.indirect_vreg.gather @!p1 [hbm4b:s4+s8], $0x80, v1, vm2, $0xb8;
	[tilespmem:$0x1D800] =	vst v63  }
0x11e: {  	v1 =	vld @!p1 [tilespmem:$0x60];
	_ =	sdelay $0x6  }
0x11f: {  	s7 =	simm.s32 @!p1 $0x7000  }
0x120: {  	[tilespmem:s7], [sflag:$0x1] =	stream.indirect_vreg.gather @!p1 [hbm4b:s4+s8], $0x80, v1, vm2, $0xb8;
	[tilespmem:$0x1D800] =	vst v63  }
0x121: {  	v1 =	vld @!p1 [tilespmem:$0x70];
	_ =	sdelay $0x6  }
0x122: {  	s7 =	simm.s32 @!p1 $0x7800  }
0x123: {  	[tilespmem:s7], [sflag:$0x1] =	stream.indirect_vreg.gather @!p1 [hbm4b:s4+s8], $0x80, v1, vm2, $0xb8;
	[tilespmem:$0x1D800] =	vst v63  }
0x124: {  	v1 =	vld @!p1 [tilespmem:$0x400];
	_ =	sdelay $0x6  }
0x125: {  	s7 =	simm.s32 @!p1 $0x8000  }
0x126: {  	[tilespmem:s7], [sflag:$0x1] =	stream.indirect_vreg.gather @!p1 [hbm4b:s4+s8], $0x80, v1, vm2, $0xb8;
	[tilespmem:$0x1D800] =	vst v63  }
0x127: {  	v1 =	vld @!p1 [tilespmem:$0x410];
	_ =	sdelay $0x6  }
0x128: {  	s7 =	simm.s32 @!p1 $0x8800  }
0x129: {  	[tilespmem:s7], [sflag:$0x1] =	stream.indirect_vreg.gather @!p1 [hbm4b:s4+s8], $0x80, v1, vm2, $0xb8;
	[tilespmem:$0x1D800] =	vst v63  }
0x12a: {  	v1 =	vld @!p1 [tilespmem:$0x420];
	_ =	sdelay $0x6  }
0x12b: {  	s7 =	simm.s32 @!p1 $0x9000  }
0x12c: {  	[tilespmem:s7], [sflag:$0x1] =	stream.indirect_vreg.gather @!p1 [hbm4b:s4+s8], $0x80, v1, vm2, $0xb8;
	[tilespmem:$0x1D800] =	vst v63  }
0x12d: {  	v1 =	vld @!p1 [tilespmem:$0x430];
	_ =	sdelay $0x6  }
0x12e: {  	v2 =	vimm.s32 @!p1 $0xFEDCBA98;
	s7 =	simm.s32 @!p1 $0x9800  }
0x12f: {  	v2 =	vunpack.c.l.s4.s8 @!p1 v2;
	[tilespmem:s7], [sflag:$0x1] =	stream.indirect_vreg.gather @!p1 [hbm4b:s4+s8], $0x80, v1, vm2, $0xb8;
	v1 =	vimm.s32 @!p1 $0x76543210;
	[tilespmem:$0x1D800] =	vst v63  }
0x130: {  	v3 =	vld @!p1 [tilespmem:$0x430];
	v1 =	vunpack.c.l.s4.s8 @!p1 v1  }
0x131: {  	v2 =	vunpack.c.0.s8.s32 @!p1 v2;
	v4 =	vld.msk @!p1 [tilespmem:$0x440], $0xff  }
0x132: {  	v1 =	vunpack.c.0.s8.s32 @!p1 v1  }
0x133: {  	v2 =	vand.u32 @!p1 $0xF, v2  }
0x134: {  	v1 =	vcombine.low @!p1 v2, v1;
	_ =	sdelay $0x1  }
0x135: {  	v2 =	vperm.xlane @!p1 v3, v1;
	v1 =	vperm.xlane @!p1 v4, v1  }
0x136: {  	vm3 =	vmmov @!p1 $0xff  }
0x137: {  	v1 =	vsel @!p1 vm3, v2, v1;
	_ =	sdelay $0x3  }
0x138: {  	s7 =	simm.s32 @!p1 $0x9C00  }
0x139: {  	[tilespmem:s7], [sflag:$0x1] =	stream.indirect_vreg.gather @!p1 [hbm4b:s4+s8], $0x80, v1, vm2, $0xb8;
	[tilespmem:$0x1D800] =	vst v63  }
0x13a: {  	s7 =	simm.s32 @!p0 $0x4  }
0x13b: {  	_ =	swait.ge @!p0 [sflag:s7], $0x6400  }
0x13c: {  	[sflag:s7] =	ssyncset.done @!p0 $0x0  }
0x13d: {  	[sflag:s7] =	ssyncadd.s32 @!p0 $0xFFFF9C00;
	s7 =	simm.s32 $0x0  }
0x13e: {  	v1 =	vld [tilespmem:s7+$0xABB0]  }
0x13f: {  	v2 =	vld [tilespmem:s7+$0xA800];
	_ =	sdelay $0x1  }
0x140: {  	v3 =	vld [tilespmem:s7+$0xA810]  }
0x141: {  	v4 =	vld [tilespmem:s7+$0xA820]  }
0x142: {  	v5 =	vld [tilespmem:s7+$0xA830];
	v1 =	vmul.f32 $8.000000000e+00, v1  }
0x143: {  	v6 =	vld [tilespmem:s7+$0xA880];
	v2 =	vmul.f32 $8.000000000e+00, v2  }
0x144: {  	v7 =	vld [tilespmem:s7+$0xA890];
	[tilespmem:s7+$0x177B0] =	vst v1  }
0x145: {  	v1 =	vmul.f32 $8.000000000e+00, v3;
	[tilespmem:s7+$0x17400] =	vst v2;
	v2 =	vld [tilespmem:s7+$0xA8B0]  }
0x146: {  	v8 =	vld [tilespmem:s7+$0xA8A0];
	v3 =	vmul.f32 $8.000000000e+00, v4  }
0x147: {  	v4 =	vmul.f32 $8.000000000e+00, v5;
	[tilespmem:s7+$0x17410] =	vst v1;
	v1 =	vld [tilespmem:s7+$0xA900]  }
0x148: {  	v5 =	vmul.f32 $8.000000000e+00, v6;
	[tilespmem:s7+$0x17420] =	vst v3;
	v3 =	vld [tilespmem:s7+$0xA910]  }
0x149: {  	v6 =	vmul.f32 $8.000000000e+00, v7;
	[tilespmem:s7+$0x17430] =	vst v4;
	v4 =	vld [tilespmem:s7+$0xA920]  }
0x14a: {  	[tilespmem:s7+$0x17480] =	vst v5;
	v5 =	vld [tilespmem:s7+$0xA930];
	v2 =	vmul.f32 $8.000000000e+00, v2  }
0x14b: {  	v7 =	vmul.f32 $8.000000000e+00, v8;
	[tilespmem:s7+$0x17490] =	vst v6;
	v6 =	vld [tilespmem:s7+$0xA980]  }
0x14c: {  	v1 =	vmul.f32 $8.000000000e+00, v1;
	[tilespmem:s7+$0x174B0] =	vst v2;
	v2 =	vld [tilespmem:s7+$0xA9A0]  }
0x14d: {  	[tilespmem:s7+$0x174A0] =	vst v7;
	v7 =	vld [tilespmem:s7+$0xA990];
	v3 =	vmul.f32 $8.000000000e+00, v3  }
0x14e: {  	v4 =	vmul.f32 $8.000000000e+00, v4;
	[tilespmem:s7+$0x17500] =	vst v1;
	v1 =	vld [tilespmem:s7+$0xA9B0]  }
0x14f: {  	v5 =	vmul.f32 $8.000000000e+00, v5;
	[tilespmem:s7+$0x17510] =	vst v3;
	v3 =	vld [tilespmem:s7+$0xAA00]  }
0x150: {  	v6 =	vmul.f32 $8.000000000e+00, v6;
	[tilespmem:s7+$0x17520] =	vst v4;
	v4 =	vld [tilespmem:s7+$0xAA10]  }
0x151: {  	[tilespmem:s7+$0x17530] =	vst v5;
	v5 =	vld [tilespmem:s7+$0xAA20];
	v2 =	vmul.f32 $8.000000000e+00, v2  }
0x152: {  	v7 =	vmul.f32 $8.000000000e+00, v7;
	[tilespmem:s7+$0x17580] =	vst v6;
	v6 =	vld [tilespmem:s7+$0xAA30]  }
0x153: {  	v1 =	vmul.f32 $8.000000000e+00, v1;
	[tilespmem:s7+$0x175A0] =	vst v2;
	v2 =	vld [tilespmem:s7+$0xAA90]  }
0x154: {  	[tilespmem:s7+$0x17590] =	vst v7;
	v7 =	vld [tilespmem:s7+$0xAA80];
	v3 =	vmul.f32 $8.000000000e+00, v3  }
0x155: {  	[tilespmem:s7+$0x175B0] =	vst v1;
	v1 =	vmul.f32 $8.000000000e+00, v4;
	v4 =	vld [tilespmem:s7+$0xAAB0]  }
0x156: {  	v8 =	vld [tilespmem:s7+$0xAAA0];
	[tilespmem:s7+$0x17600] =	vst v3;
	v3 =	vmul.f32 $8.000000000e+00, v5  }
0x157: {  	v5 =	vld [tilespmem:s7+$0xAB00];
	[tilespmem:s7+$0x17610] =	vst v1;
	v1 =	vmul.f32 $8.000000000e+00, v6  }
0x158: {  	v9 =	vld [tilespmem:s7+$0xAB10];
	[tilespmem:s7+$0x17620] =	vst v3;
	v6 =	vmul.f32 $8.000000000e+00, v2  }
0x159: {  	v3 =	vmul.f32 $8.000000000e+00, v7;
	[tilespmem:s7+$0x17630] =	vst v1;
	v1 =	vld [tilespmem:s7+$0xAB20]  }
0x15a: {  	v2 =	vld [tilespmem:s7+$0xAB30];
	[tilespmem:s7+$0x17690] =	vst v6;
	v6 =	vmul.f32 $8.000000000e+00, v4  }
0x15b: {  	v7 =	vmul.f32 $8.000000000e+00, v8;
	[tilespmem:s7+$0x17680] =	vst v3;
	v3 =	vld [tilespmem:s7+$0xAB80]  }
0x15c: {  	v4 =	vld [tilespmem:s7+$0xAB90];
	[tilespmem:s7+$0x176B0] =	vst v6;
	v6 =	vmul.f32 $8.000000000e+00, v5  }
0x15d: {  	s9 =	simm.s32 $0x2000;
	s8 =	simm.s32 $0x400;
	[tilespmem:s7+$0x176A0] =	vst v7;
	v7 =	vmul.f32 $8.000000000e+00, v9;
	v5 =	vld [tilespmem:s7+$0xABA0]  }
.LBB2_5:
0x15e: {  	p0 =	sne.s32 s9, $0x18000;
	v8 =	vld [tilespmem:s8+$0xABB0];
	[tilespmem:s7+$0x17700] =	vst v6;
	v1 =	vmul.f32 $8.000000000e+00, v1  }
0x15f: {  	v6 =	vld [tilespmem:s8+$0xA800];
	[tilespmem:s7+$0x17710] =	vst v7;
	v2 =	vmul.f32 $8.000000000e+00, v2  }
0x160: {  	v7 =	vld [tilespmem:s8+$0xA810];
	[tilespmem:s7+$0x17720] =	vst v1;
	v1 =	vmul.f32 $8.000000000e+00, v3  }
0x161: {  	v3 =	vld [tilespmem:s8+$0xA820];
	[tilespmem:s7+$0x17730] =	vst v2;
	v2 =	vmul.f32 $8.000000000e+00, v4  }
0x162: {  	v4 =	vld [tilespmem:s8+$0xA830];
	[tilespmem:s7+$0x17780] =	vst v1;
	v1 =	vmul.f32 $8.000000000e+00, v5  }
0x163: {  	v5 =	vld [tilespmem:s8+$0xA880];
	v8 =	vmul.f32 $8.000000000e+00, v8;
	[tilespmem:s7+$0x17790] =	vst v2  }
0x164: {  	v2 =	vmul.f32 $8.000000000e+00, v6;
	v6 =	vld [tilespmem:s8+$0xA890];
	[tilespmem:s7+$0x177A0] =	vst v1;
	s7 =	smov.u32 s8  }
0x165: {  	v1 =	vmul.f32 $8.000000000e+00, v7;
	v7 =	vld [tilespmem:s7+$0xA8A0];
	[tilespmem:s7+$0x177B0] =	vst v8  }
0x166: {  	[tilespmem:s7+$0x17400] =	vst v2;
	v2 =	vmul.f32 $8.000000000e+00, v3;
	v3 =	vld [tilespmem:s7+$0xA8B0]  }
0x167: {  	[tilespmem:s7+$0x17410] =	vst v1;
	v1 =	vmul.f32 $8.000000000e+00, v4;
	v4 =	vld [tilespmem:s7+$0xA900]  }
0x168: {  	[tilespmem:s7+$0x17420] =	vst v2;
	v2 =	vmul.f32 $8.000000000e+00, v5;
	v5 =	vld [tilespmem:s7+$0xA910]  }
0x169: {  	[tilespmem:s7+$0x17430] =	vst v1;
	v1 =	vmul.f32 $8.000000000e+00, v6;
	v6 =	vld [tilespmem:s7+$0xA920]  }
0x16a: {  	[tilespmem:s7+$0x17480] =	vst v2;
	v2 =	vmul.f32 $8.000000000e+00, v7;
	v7 =	vld [tilespmem:s7+$0xA930]  }
0x16b: {  	[tilespmem:s7+$0x17490] =	vst v1;
	v1 =	vmul.f32 $8.000000000e+00, v3;
	v3 =	vld [tilespmem:s7+$0xA980]  }
0x16c: {  	[tilespmem:s7+$0x174A0] =	vst v2;
	v2 =	vmul.f32 $8.000000000e+00, v4;
	v4 =	vld [tilespmem:s7+$0xA990]  }
0x16d: {  	[tilespmem:s7+$0x174B0] =	vst v1;
	v1 =	vmul.f32 $8.000000000e+00, v5;
	v5 =	vld [tilespmem:s7+$0xA9A0]  }
0x16e: {  	[tilespmem:s7+$0x17500] =	vst v2;
	v2 =	vmul.f32 $8.000000000e+00, v6;
	v6 =	vld [tilespmem:s7+$0xA9B0]  }
0x16f: {  	[tilespmem:s7+$0x17510] =	vst v1;
	v1 =	vmul.f32 $8.000000000e+00, v7;
	v7 =	vld [tilespmem:s7+$0xAA00]  }
0x170: {  	[tilespmem:s7+$0x17520] =	vst v2;
	v2 =	vmul.f32 $8.000000000e+00, v3;
	v3 =	vld [tilespmem:s7+$0xAA10]  }
0x171: {  	[tilespmem:s7+$0x17530] =	vst v1;
	v1 =	vmul.f32 $8.000000000e+00, v4;
	v4 =	vld [tilespmem:s7+$0xAA20]  }
0x172: {  	[tilespmem:s7+$0x17580] =	vst v2;
	v2 =	vmul.f32 $8.000000000e+00, v5;
	v5 =	vld [tilespmem:s7+$0xAA30]  }
0x173: {  	[tilespmem:s7+$0x17590] =	vst v1;
	v1 =	vmul.f32 $8.000000000e+00, v6;
	v6 =	vld [tilespmem:s7+$0xAA80]  }
0x174: {  	[tilespmem:s7+$0x175A0] =	vst v2;
	v2 =	vmul.f32 $8.000000000e+00, v7;
	v7 =	vld [tilespmem:s7+$0xAA90]  }
0x175: {  	[tilespmem:s7+$0x175B0] =	vst v1;
	v1 =	vmul.f32 $8.000000000e+00, v3;
	v3 =	vld [tilespmem:s7+$0xAAA0]  }
0x176: {  	[tilespmem:s7+$0x17600] =	vst v2;
	v2 =	vmul.f32 $8.000000000e+00, v4;
	v4 =	vld [tilespmem:s7+$0xAAB0]  }
0x177: {  	[tilespmem:s7+$0x17610] =	vst v1;
	v1 =	vmul.f32 $8.000000000e+00, v5;
	v5 =	vld [tilespmem:s7+$0xAB00]  }
0x178: {  	[tilespmem:s7+$0x17620] =	vst v2;
	v2 =	vmul.f32 $8.000000000e+00, v6;
	v8 =	vld [tilespmem:s7+$0xAB10]  }
.Ltmp1:
0x179: {  	[tilespmem:s7+$0x17630] =	vst v1;
	v6 =	vmul.f32 $8.000000000e+00, v7;
	v1 =	vld [tilespmem:s7+$0xAB20];
	(pc) =	sbr.rel @p0 .LBB2_5-.Ltmp1, $4  }
0x17a: {  	[tilespmem:s7+$0x17680] =	vst v2;
	v7 =	vmul.f32 $8.000000000e+00, v3;
	v2 =	vld [tilespmem:s7+$0xAB30]  }
0x17b: {  	[tilespmem:s7+$0x17690] =	vst v6;
	v9 =	vmul.f32 $8.000000000e+00, v4;
	v3 =	vld [tilespmem:s7+$0xAB80]  }
0x17c: {  	[tilespmem:s7+$0x176A0] =	vst v7;
	v6 =	vmul.f32 $8.000000000e+00, v5;
	v4 =	vld [tilespmem:s7+$0xAB90]  }
0x17d: {  	s8 =	sshra.s32 s9, $0x2;
	s9 =	sadd.s32 $0x1000, s9;
	[tilespmem:s7+$0x176B0] =	vst v9;
	v7 =	vmul.f32 $8.000000000e+00, v8;
	v5 =	vld [tilespmem:s7+$0xABA0]  }
0x17e: {  	v8 =	vld [tilespmem:s8+$0xABB0];
	[tilespmem:s7+$0x17700] =	vst v6;
	v1 =	vmul.f32 $8.000000000e+00, v1  }
0x17f: {  	v6 =	vld [tilespmem:s8+$0xA800];
	[tilespmem:s7+$0x17710] =	vst v7;
	v2 =	vmul.f32 $8.000000000e+00, v2  }
0x180: {  	v7 =	vld [tilespmem:s8+$0xA810];
	[tilespmem:s7+$0x17720] =	vst v1;
	v3 =	vmul.f32 $8.000000000e+00, v3  }
0x181: {  	v1 =	vld [tilespmem:s8+$0xA820];
	[tilespmem:s7+$0x17730] =	vst v2;
	v4 =	vmul.f32 $8.000000000e+00, v4  }
0x182: {  	v2 =	vld [tilespmem:s8+$0xA830];
	[tilespmem:s7+$0x17780] =	vst v3;
	v5 =	vmul.f32 $8.000000000e+00, v5  }
0x183: {  	v3 =	vld [tilespmem:s8+$0xA880];
	[tilespmem:s7+$0x17790] =	vst v4;
	v8 =	vmul.f32 $8.000000000e+00, v8  }
0x184: {  	v4 =	vld [tilespmem:s8+$0xA890];
	[tilespmem:s7+$0x177A0] =	vst v5;
	v48 =	vmul.f32 $8.000000000e+00, v6  }
0x185: {  	v49 =	vld [tilespmem:s8+$0xA8A0];
	[tilespmem:s8+$0x177B0] =	vst v8;
	v7 =	vmul.f32 $8.000000000e+00, v7  }
0x186: {  	v50 =	vld [tilespmem:s8+$0xA8B0];
	[tilespmem:s8+$0x17400] =	vst v48;
	v1 =	vmul.f32 $8.000000000e+00, v1  }
0x187: {  	v51 =	vld [tilespmem:s8+$0xA900];
	[tilespmem:s8+$0x17410] =	vst v7;
	v2 =	vmul.f32 $8.000000000e+00, v2  }
0x188: {  	[tilespmem:s8+$0x17420] =	vst v1;
	v1 =	vld [tilespmem:s8+$0xA910];
	v3 =	vmul.f32 $8.000000000e+00, v3  }
0x189: {  	[tilespmem:s8+$0x17430] =	vst v2;
	v2 =	vld [tilespmem:s8+$0xA920];
	v4 =	vmul.f32 $8.000000000e+00, v4  }
0x18a: {  	[tilespmem:s8+$0x17480] =	vst v3;
	v3 =	vld [tilespmem:s8+$0xA930];
	v6 =	vmul.f32 $8.000000000e+00, v49  }
0x18b: {  	v52 =	vld [tilespmem:s8+$0xA980];
	v5 =	vmul.f32 $8.000000000e+00, v50;
	[tilespmem:s8+$0x17490] =	vst v4  }
0x18c: {  	v53 =	vld [tilespmem:s8+$0xA990];
	v7 =	vmul.f32 $8.000000000e+00, v51;
	[tilespmem:s8+$0x174A0] =	vst v6  }
0x18d: {  	v54 =	vld [tilespmem:s8+$0xA9A0];
	[tilespmem:s8+$0x174B0] =	vst v5;
	v1 =	vmul.f32 $8.000000000e+00, v1  }
0x18e: {  	v55 =	vld [tilespmem:s8+$0xA9B0];
	[tilespmem:s8+$0x17500] =	vst v7;
	v2 =	vmul.f32 $8.000000000e+00, v2  }
0x18f: {  	[tilespmem:s8+$0x17510] =	vst v1;
	v1 =	vld [tilespmem:s8+$0xAA00];
	v3 =	vmul.f32 $8.000000000e+00, v3  }
0x190: {  	v4 =	vmul.f32 $8.000000000e+00, v52;
	[tilespmem:s8+$0x17520] =	vst v2;
	v2 =	vld [tilespmem:s8+$0xAA10]  }
0x191: {  	v6 =	vmul.f32 $8.000000000e+00, v53;
	[tilespmem:s8+$0x17530] =	vst v3;
	v3 =	vld [tilespmem:s8+$0xAA20]  }
0x192: {  	v56 =	vld [tilespmem:s8+$0xAA30];
	v5 =	vmul.f32 $8.000000000e+00, v54;
	[tilespmem:s8+$0x17580] =	vst v4  }
0x193: {  	v57 =	vld [tilespmem:s8+$0xAA80];
	v7 =	vmul.f32 $8.000000000e+00, v55;
	[tilespmem:s8+$0x17590] =	vst v6  }
0x194: {  	v58 =	vld [tilespmem:s8+$0xAA90];
	[tilespmem:s8+$0x175A0] =	vst v5;
	v1 =	vmul.f32 $8.000000000e+00, v1  }
0x195: {  	v59 =	vld [tilespmem:s8+$0xAAA0];
	[tilespmem:s8+$0x175B0] =	vst v7;
	v2 =	vmul.f32 $8.000000000e+00, v2  }
0x196: {  	[tilespmem:s8+$0x17600] =	vst v1;
	v1 =	vld [tilespmem:s8+$0xAAB0];
	v3 =	vmul.f32 $8.000000000e+00, v3  }
0x197: {  	v4 =	vmul.f32 $8.000000000e+00, v56;
	[tilespmem:s8+$0x17610] =	vst v2;
	v2 =	vld [tilespmem:s8+$0xAB00]  }
0x198: {  	v6 =	vmul.f32 $8.000000000e+00, v57;
	[tilespmem:s8+$0x17620] =	vst v3;
	v3 =	vld [tilespmem:s8+$0xAB10]  }
0x199: {  	v60 =	vld [tilespmem:s8+$0xAB20];
	v5 =	vmul.f32 $8.000000000e+00, v58;
	[tilespmem:s8+$0x17630] =	vst v4  }
0x19a: {  	v61 =	vld [tilespmem:s8+$0xAB30];
	v7 =	vmul.f32 $8.000000000e+00, v59;
	[tilespmem:s8+$0x17680] =	vst v6  }
0x19b: {  	v62 =	vld [tilespmem:s8+$0xAB80];
	[tilespmem:s8+$0x17690] =	vst v5;
	v1 =	vmul.f32 $8.000000000e+00, v1  }
0x19c: {  	v63 =	vld [tilespmem:s8+$0xAB90];
	[tilespmem:s8+$0x176A0] =	vst v7;
	v2 =	vmul.f32 $8.000000000e+00, v2  }
0x19d: {  	[tilespmem:s8+$0x176B0] =	vst v1;
	v1 =	vmul.f32 $8.000000000e+00, v3;
	v3 =	vld [tilespmem:s8+$0xABA0]  }
0x19e: {  	[tilespmem:s8+$0x17700] =	vst v2;
	v2 =	vmul.f32 $8.000000000e+00, v60  }
0x19f: {  	s20 =	sadd.s32 $0x1, s20;
	[tilespmem:s8+$0x17710] =	vst v1;
	v1 =	vmul.f32 $8.000000000e+00, v61  }
0x1a0: {  	p0 =	sne.s32 s20, $0x40;
	[tilespmem:s8+$0x17720] =	vst v2;
	v2 =	vmul.f32 $8.000000000e+00, v62  }
.Ltmp2:
0x1a1: {  	s22 =	sadd.s32 s5, s21;
	[tilespmem:s8+$0x17730] =	vst v1;
	v1 =	vmul.f32 $8.000000000e+00, v63;
	(pc) =	sbr.rel @p0 .LBB2_2-.Ltmp2, $4  }
0x1a2: {  	s7 =	smul.u32 $0xC80, s22;
	[tilespmem:s8+$0x17780] =	vst v2;
	v2 =	vmul.f32 $8.000000000e+00, v3  }
0x1a3: {  	[tilespmem:s8+$0x17790] =	vst v1  }
0x1a4: {  	s7 =	sadd.s32 s6, s7;
	[tilespmem:s8+$0x177A0] =	vst v2  }
0x1a5: {  	[hbm4b:s7+s3] =	stream.linear.scatter [tilespmem:s16], [sflag:$0x4], $0x6400, $0x38;
	[tilespmem:$0x1D800] =	vst v63  }
0x1a6: {  	s7 =	simm.s32 $0x3  }
0x1a7: {  	_ =	swait.ge [sflag:s7], $0x6400  }
0x1a8: {  	[sflag:s7] =	ssyncset.done $0x0  }
0x1a9: {  	[sflag:s7] =	ssyncadd.s32 $0xFFFF9C00  }
0x1aa: {  	_ =	swait.ge [sflag:s18], $0x6400  }
0x1ab: {  	s19 =	sadd.s32 $0x1, s19;
	s22 =	rddreg [dreg:$0x4]  }
0x1ac: {  	p0 =	sne.s32 s19, s22  }
.Ltmp3:
0x1ad: {  	_ = 	snop;
	(pc) =	sbr.rel @p0 .LBB2_1-.Ltmp3, $3  }
0x1ae: {  	_ =	sdelay $0x1  }
0x1af: {  	[sflag:s18] =	ssyncset.done $0x0  }
0x1b0: {  	[sflag:s18] =	ssyncadd.s32 $0xFFFF9C00  }
0x1b1: {  	_ =	sfence.sel $0x180000  }
0x1b2: {  	[bflag:$0x0] =	sbarrier.arrive $0xFFFF  }
0x1b3: {  	_ =	strace $0x90000047  }
0x1b4: {  	s0 =	stileid.u32;
	[bflag:$0x2] =	sbarrier.arrive $0xFFFF  }
0x1b5: {  	p0 =	sne.s32 s0, $0x0;
	s0 =	rddreg [dreg:$0x2]  }
0x1b6: {  	s0 =	sadd.s32 @!p0 $0x100000, s0  }
0x1b7: {  	[sflag:s0] =	ssyncadd.tile.s32 @!p0 $0x1;
	_ =	shalt  }
.Lfunc_end2:
_tile_overlayer_lowered:
.L_overlay_start_2:
0x1b8: {  	(tag) =	ssettag $0x2  }
0x1b9: {  	s0 =	rddreg [dreg:$0x0];
	s2 =	stileid.u32  }
0x1ba: {  	s1 =	rddreg [dreg:$0x1];
	p0 =	sne.s32 s2, $0x0  }
0x1bb: {  	s3 =	rddreg [dreg:$0x2];
	[bflag:$0x3] =	sbarrier.arrive $0xFFFF;
	s2 =	simm.s32 @!p0 $0x1C05  }
0x1bc: {  	[timem:s3], [sflag:s2] =	dma.local @!p0 [hbm:s0], s1  }
0x1bd: {  	s0 =	simm.s32 @!p0 $0x5  }
0x1be: {  	_ =	swait.ge @!p0 [sflag:s0], s1  }
0x1bf: {  	s1 =	ssub.s32 @!p0 $0x0, s1;
	[sflag:s0] =	ssyncset.done @!p0 $0x0  }
0x1c0: {  	[sflag:s0] =	ssyncadd.s32 @!p0 s1  }
0x1c1: {  	[bflag:$0x3] =	sbarrier.arrive $0xFFFF  }
0x1c2: {  	_ =	shalt  }

// kernel: sparse-core-data-format-call.cloned.1.call-start
scs
called_computation_lowered:
.L_overlay_start_0:
0x0: {  	s2 =	sld [smem:$0x3FD9]  }
0x1: {  	s3 =	sld [smem:$0x3FFE];
	_ =	sdelay $0x1  }
0x2: {  	s1 =	srdreg.scid  }
0x3: {  	s0 =	sand.u32 $0x1, s1  }
0x4: {  	s18 =	sshll.u32 s0, $0xA;
	s2 =	sadd.s32 s3, s2  }
0x5: {  	s2 =	sadd.s32 s2, s18  }
0x6: {  	[smem:$0x3FC6] =	sst s2  }
0x7: {  	_ = 	snop  }
0x8: {  	s2 =	sld [smem:$0x3FD0];
	(tm) =	ssettm $0x1  }
0x9: {  	s19 =	sld [smem:$0x3FFB];
	_ =	sdelay $0x3  }
0xa: {  	_ =	strace s19  }
0xb: {  	s3 =	sld [smem:$0x3FFC];
	_ =	sdelay $0x3  }
0xc: {  	_ =	strace s3  }
0xd: {  	s3 =	sld [smem:$0x3FFD];
	_ =	sdelay $0x3  }
0xe: {  	_ =	strace s3  }
0xf: {  	_ =	strace $0x8FFFFFFF  }
0x10: {  	s20 =	sld [smem:$0x3FDB];
	_ =	sdelay $0x1  }
0x11: {  	s4 =	simm.s32 $_scs_section_size  }
0x12: {  	s5 =	simm.s32 $_size__tile_overlayer_lowered;
	s6 =	simm.s32 $_tile_overlayer_lowered  }
0x13: {  	s23 =	simm.s32 $0x1BFF;
	s22 =	sshll.u32 s6, $0x1;
	s3 =	sadd.s32 s4, s20  }
0x14: {  	s7 =	simm.s32 $0x0;
	s21 =	sshll.u32 s5, $0x1;
	s5 =	sadd.s32 s22, s3  }
0x15: {  	[timem:s7], [sflag:s23] =	dma.local [hbm:s5], s21  }
0x16: {  	_ =	swait.ge [sflag:s23], s21  }
0x17: {  	s4 =	ssub.s32 $0x0, s21;
	[sflag:s23] =	ssyncset.done $0x0  }
0x18: {  	[sflag:s23] =	ssyncadd.s32 s4;
	_ =	sdelay $0x1  }
0x19: {  	s24 =	simm.s32 $0x1B8B  }
0x1a: {  	_ =	swait.ge [sflag:s24], $0x1  }
0x1b: {  	[sflag:s24] =	ssyncset.done $0x0  }
0x1c: {  	s26 =	simm.s32 $0x1B8E;
	s25 =	sld [smem:$0x3FFE];
	[sflag:s24] =	ssyncadd.s32 $0xFFFFFFFF  }
0x1d: {  	s27 =	simm.s32 $execute0_lowered;
	[smem:$0x3FD2] =	sst s26  }
0x1e: {  	s5 =	sshll.u32 s27, $0x1;
	_ =	strace $0x80000049;
	[dreg:$0x1] =	wrdreg $0xFFFFFFFF  }
0x1f: {  	s28 =	simm.s32 $_size_execute0_lowered;
	s3 =	sadd.s32 s3, s5;
	[dreg:$0x0] =	wrdreg $0x0  }
0x20: {  	s5 =	sshll.u32 s28, $0x1;
	[dreg:$0x2] =	wrdreg s3  }
0x21: {  	[dreg:$0x3] =	wrdreg s5  }
0x22: {  	[dreg:$0x4] =	wrdreg $0xC0  }
0x23: {  	_ =	task [dreg:s7], $0x5FFFF  }
0x24: {  	[dreg:$0x1] =	wrdreg $0xFFFFFFFF  }
0x25: {  	[dreg:$0x0] =	wrdreg $0x60  }
0x26: {  	[dreg:$0x2] =	wrdreg s25  }
0x27: {  	[dreg:$0x3] =	wrdreg s2  }
0x28: {  	[dreg:$0x4] =	wrdreg $0x9  }
0x29: {  	_ =	task.clear_ibuf [dreg:s7], $0x5FFFF;
	_ =	strace $0x90000049  }
0x2a: {  	s29 =	simm.s32 $0x9;
	_ =	strace $0x8000004B  }
0x2b: {  	_ =	swait.ge [sflag:s29], $0x1  }
0x2c: {  	[sflag:s29] =	ssyncadd.s32 $0xFFFFFFFF  }
0x2d: {  	_ =	strace $0x9000004B  }
0x2e: {  	_ =	sfence  }
0x2f: {  	s30 =	sld [smem:$0x0];
	_ =	sdelay $0x2  }
0x30: {  	s31 =	sshll.u32 s1, $0xD;
	s1 =	sshrl.u32 s1, $0x2  }
0x31: {  	s3 =	sand.u32 $0x4000, s31;
	s1 =	sadd.s32 s1, s30  }
0x32: {  	s0 =	sor.u32 s3, s0;
	s1 =	sshll.u32 s1, $0x11  }
0x33: {  	s0 =	sor.u32 s1, s0  }
0x34: {  	s0 =	sadd.s32 $0x8F2B, s0  }
0x35: {  	[sflag:s0] =	ssyncadd.remote.s32 $0x1  }
0x36: {  	_ =	sfence.sel $0xFFFF  }
0x37: {  	[dreg:$0x0] =	wrdreg $0xFFFFFFFF;
	(pc) =	sbr.abs _section_cstart, $3  }
0x38: {  	[dreg:$0x1] =	wrdreg $0xFFFFFFFF  }
0x39: {  	_ =	task.clear_ibuf [dreg:s7], $0x2FFFF;
	_ =	strace $0x9FFFFFFF  }
0x3a: {  	(tm) =	ssettm $0x7FFFFFFF  }
0x3b: {  	_ =	shalt  }
tec
execute0_lowered:
.L_overlay_start_1:
0x0: {  	(tag) =	ssettag $0x1  }
0x1: {  	s0 =	srdreg.scid  }
0x2: {  	s1 =	sshll.u32 s0, $0x4  }
0x3: {  	s0 =	stileid.u32;
	s1 =	sand.u32 $0x10, s1  }
0x4: {  	s1 =	sor.u32 s0, s1  }
0x5: {  	s6 =	rddreg [dreg:$0x0];
	s4 =	simm.s32 $0x1;
	s2 =	sshll.u32 s1, $0x7  }
0x6: {  	s7 =	simm.s32 $0x2;
	s12 =	simm.s32 $0x0;
	s1 =	ssub.s32 $0x1000, s2  }
0x7: {  	s8 =	simm.s32 $0x8000;
	s13 =	simm.s32 $0x0;
	s3 =	sand.u32 $0xF80, s1  }
0x8: {  	s9 =	simm.s32 $0x0;
	s5 =	sshrl.u32 s1, $0xC;
	p0 =	sne.s32 s3, $0x0  }
.Ltmp0:
0x9: {  	s1 =	rddreg [dreg:$0x2];
	s4 =	simm.s32 @!p0 $0x0;
	(pc) =	sbr.rel .LBB1_1-.Ltmp0, $4  }
0xa: {  	s11 =	simm.s32 $0x0;
	s3 =	rddreg [dreg:$0x1];
	s5 =	sadd.s32 s4, s5  }
0xb: {  	_ =	strace $0x8000004A;
	s4 =	simm.s32 $0x1;
	s5 =	smul.u32 $0xC8, s5  }
0xc: {  	s6 =	sadd.s32 $0xC00, s6;
	s10 =	smov.u32 s2;
	[sflag:s4] =	ssyncpa.u1 $0x0  }
0xd: {  	p0 =	por $0x0, $0x0;
	[sflag:s7] =	ssyncpa.u1 $0x0;
	s7 =	sor.u32 $0x1, s5  }
.LBB1_4:
0xe: {  	s16 =	sshll.u32 s13, $0x3;
	s17 =	sand.u32 $0x78, s13  }
0xf: {  	s30 =	sand.u32 $0x7E00, s13;
	s12 =	sshll.u32 s12, $0xF;
	s16 =	sand.u32 $0xC00, s16  }
0x10: {  	[tilespmem:s15+$0x810 ss:$0x81] =	vst.msk $0xffff, v2;
	s31 =	sand.u32 $0x7, s13;
	s16 =	sor.u32 s17, s16;
	s17 =	sadd.s32 s3, s30  }
0x11: {  	[tilespmem:s15+$0x1020 ss:$0x81] =	vst.msk $0xffff, v0;
	s13 =	sshll.u32 s31, $0x12;
	s12 =	sadd.s32 s12, s17;
	s16 =	sshrl.u32 s16, $0x3  }
0x12: {  	[tilespmem:s15+$0x0 ss:$0x81] =	vst.msk $0xffff, v1;
	s13 =	sor.u32 $0x400, s13;
	s12 =	sadd.s32 s16, s12  }
0x13: {  	[hbm4b:s12+s13] =	stream.strided.scatter [tilespmem:s14], [sflag:$0x2], $0x2000, s8, s13, $0x20;
	[tilespmem:$0x8080] =	vst v63  }
.LBB1_5:
0x14: {  	s14 =	sadd.s32 $0x1, s9  }
0x15: {  	s12 =	sadd.s32 $0x1000, s10;
	s16 =	smov.u32 s10;
	p2 =	sgt.s32 s14, $0xC7  }
0x16: {  	s16 =	smov.u32 @p2 s12  }
0x17: {  	s14 =	simm.s32 @p2 $0x0;
	p2 =	sgt.s32 s16, $0xFFF  }
0x18: {  	s16 =	smov.u32 @p2 s2;
	p2 =	sne.s32 s11, s7  }
.Ltmp1:
0x19: {  	p1 =	slt.u32 s11, $0x2;
	(pc) =	sbr.rel @!p2 .LBB1_6-.Ltmp1, $4  }
0x1a: {  	s15 =	simm.s32 @!p1 $0x2  }
0x1b: {  	s13 =	smov.u32 s10;
	p0 =	por !p0, !p0;
	_ =	swait.ge @!p1 [sflag:s15], $0x2000  }
0x1c: {  	s12 =	smov.u32 s9;
	[sflag:s15] =	ssyncset.done @!p1 $0x0;
	s9 =	smov.u32 s14  }
0x1d: {  	s11 =	sadd.s32 $0x1, s11;
	[sflag:s15] =	ssyncadd.s32 @!p1 $0xFFFFE000;
	s10 =	smov.u32 s16  }
.LBB1_1:
0x1e: {  	p1 =	sge.u32 s11, s5  }
0x1f: {  	s14 =	sand.u32 @!p1 $0x1FFFFFF, s9  }
0x20: {  	s15 =	smulhi.u32 @!p1 $0x147AE15, s14;
	_ =	sdelay $0x1  }
0x21: {  	s15 =	smul.u32 @!p1 $0xC8, s15  }
0x22: {  	s16 =	sxor.u32 @!p1 $0xFFFFFFFF, s11;
	s17 =	smul.u32 @!p1 $0xC80, s10  }
0x23: {  	s31 =	sadd.s32 $0xFFFFFFFF, s11;
	s16 =	sshll.u32 @!p1 s16, $0xD;
	s14 =	ssub.s32 @!p1 s14, s15  }
0x24: {  	s15 =	sand.u32 @!p1 $0x2000, s16;
	s16 =	sadd.s32 @!p1 s6, s17;
	s14 =	sshll.u32 @!p1 s14, $0x4  }
0x25: {  	s17 =	simm.s32 @!p1 $0x6400;
	s14 =	sadd.s32 @!p1 s14, s16;
	s16 =	simm.s32 @!p1 $0x40  }
0x26: {  	[tilespmem:s15], [sflag:$0x1] =	stream.strided.gather @!p1 [hbm4b:s14+s16], $0x2000, s17, s16, $0x38;
	[tilespmem:$0x8080] =	vst v63  }
0x27: {  	p1 =	sge.u32 s31, s5  }
.Ltmp2:
0x28: {  	_ = 	snop;
	(pc) =	sbr.rel @p1 .LBB1_5-.Ltmp2, $1  }
0x29: {  	_ =	sdelay $0x3  }
0x2a: {  	s14 =	simm.s32 $0x1  }
0x2b: {  	_ =	swait.ge [sflag:s4], $0x2000;
	s14 =	simm.s32 @!p0 $0x0  }
0x2c: {  	[sflag:s4] =	ssyncset.done $0x0;
	s15 =	sshll.u32 s14, $0xD  }
0x2d: {  	[sflag:s4] =	ssyncadd.s32 $0xFFFFE000;
	s18 =	sor.u32 $0x20, s15  }
0x2e: {  	s14 =	smul.u32 $0x8100, s14;
	v3 =	vld [tilespmem:s18+$0x10]  }
0x2f: {  	s30 =	sand.u32 $0x1, s11;
	v2 =	vld [tilespmem:s18+$0xFFFFFFF0]  }
0x30: {  	s15 =	smul.u32 $0x8100, s30;
	s14 =	sshrl.u32 s14, $0x2;
	v0 =	vld [tilespmem:s18+$0x0]  }
0x31: {  	v1 =	vld [tilespmem:s18+$0xFFFFFFE0];
	s16 =	sor.u32 $0x4000, s14  }
0x32: {  	s31 =	sshrl.u32 s15, $0x2;
	s15 =	sadd.s32 $0x0, s16  }
0x33: {  	s17 =	simm.s32 $0x4;
	s18 =	sadd.s32 $0x40, s18;
	s14 =	sor.u32 $0x4000, s31;
	[tilespmem:s15+$0x1830 ss:$0x81] =	vst.msk $0xffff, v3  }
.LBB1_3:
0x34: {  	v3 =	vld [tilespmem:s18+$0x10];
	p1 =	sne.s32 s17, $0x1FC;
	[tilespmem:s15+$0x810 ss:$0x81] =	vst.msk $0xffff, v2;
	s19 =	smov.u32 s17;
	s17 =	sadd.s32 $0x4, s17  }
.Ltmp3:
0x35: {  	v2 =	vld [tilespmem:s18+$0xFFFFFFF0];
	[tilespmem:s15+$0x1020 ss:$0x81] =	vst.msk $0xffff, v0;
	(pc) =	sbr.rel @p1 .LBB1_3-.Ltmp3, $4  }
0x36: {  	v0 =	vld [tilespmem:s18+$0x0];
	[tilespmem:s15+$0x0 ss:$0x81] =	vst.msk $0xffff, v1  }
0x37: {  	s15 =	sshra.s32 s19, $0x2;
	v1 =	vld [tilespmem:s18+$0xFFFFFFE0]  }
0x38: {  	s15 =	sadd.s32 s15, s16  }
0x39: {  	s18 =	sadd.s32 $0x40, s18;
	[tilespmem:s15+$0x1830 ss:$0x81] =	vst.msk $0xffff, v3  }
.Ltmp4:
0x3a: {  	_ = 	snop;
	(pc) =	sbr.rel .LBB1_4-.Ltmp4, $1  }
0x3b: {  	_ =	sdelay $0x3  }
.LBB1_6:
0x3c: {  	_ =	sfence.sel $0x180000  }
0x3d: {  	s2 =	simm.s32 $0x1;
	[bflag:$0x0] =	sbarrier.arrive $0xFFFF  }
0x3e: {  	s31 =	simm.s32 $0x2;
	[sflag:s2] =	ssyncpa.u1 $0x1  }
0x3f: {  	[sflag:s31] =	ssyncpa.u1 $0x1  }
0x40: {  	p0 =	sne.s32 s0, $0x0;
	_ =	strace $0x9000004A  }
0x41: {  	s0 =	sadd.s32 @!p0 $0x100000, s1;
	[bflag:$0x2] =	sbarrier.arrive $0xFFFF  }
0x42: {  	[sflag:s0] =	ssyncadd.tile.s32 @!p0 $0x1;
	_ =	shalt  }
.Lfunc_end1:
_tile_overlayer_lowered:
.L_overlay_start_2:
0x43: {  	(tag) =	ssettag $0x2  }
0x44: {  	s0 =	rddreg [dreg:$0x0];
	s2 =	stileid.u32  }
0x45: {  	s1 =	rddreg [dreg:$0x1];
	p0 =	sne.s32 s2, $0x0  }
0x46: {  	s3 =	rddreg [dreg:$0x2];
	[bflag:$0x3] =	sbarrier.arrive $0xFFFF;
	s2 =	simm.s32 @!p0 $0x1C01  }
0x47: {  	[timem:s3], [sflag:s2] =	dma.local @!p0 [hbm:s0], s1  }
0x48: {  	s0 =	simm.s32 @!p0 $0x1  }
0x49: {  	_ =	swait.ge @!p0 [sflag:s0], s1  }
0x4a: {  	s1 =	ssub.s32 @!p0 $0x0, s1;
	[sflag:s0] =	ssyncset.done @!p0 $0x0  }
0x4b: {  	[sflag:s0] =	ssyncadd.s32 @!p0 s1  }
0x4c: {  	[bflag:$0x3] =	sbarrier.arrive $0xFFFF  }
0x4d: {  	_ =	shalt  }

</sc_bundles>
